<compile_context>
chip_gen: v7x
topology: tpu7x:2x2x1
jax: 0.10.2.dev20260603
libtpu: 0.0.44.dev20260713+nightly
codegen_flags: <defaults>
</compile_context>

<pallas_src>
import functools

import jax
import jax.numpy as jnp
from jax import lax
from jax.experimental import pallas as pl
from jax.experimental.pallas import tpu as pltpu
from jax.experimental.pallas import tpu_sc as plsc

N = 10000
E = 320000
D = 128

NC = 2
NS = 16
NW = NC * NS
NPAD = 10240
RPT = NPAD // NS
PADROW = 10016

C = 128
TPE = E // NW
NCHUNK = 80
TPE_P = NCHUNK * C

_mesh = plsc.VectorSubcoreMesh(core_axis_name="c", subcore_axis_name="s",
                               num_cores=NC, num_subcores=NS)


def _zero16():
    return jnp.zeros((16,), jnp.float32)


def _one16():
    return jnp.ones((16,), jnp.float32)


@functools.partial(
    pl.kernel,
    out_type=jax.ShapeDtypeStruct((NC, NPAD), jnp.float32),
    mesh=_mesh,
    scratch_types=[
        pltpu.VMEM_SHARED((NPAD,), jnp.float32),
        pltpu.VMEM((NCHUNK, C), jnp.int32),
        pltpu.VMEM((C,), jnp.float32),
        pltpu.VMEM((RPT,), jnp.float32),
    ],
)
def _sc_deg(dst3, deg_out, deg_sh, didx, ones_v, zv):
    c = lax.axis_index("c")
    s = lax.axis_index("s")
    wid = c * NS + s

    pltpu.sync_copy(dst3.at[wid], didx)

    def fill_z(i, _):
        zv[pl.ds(i * 16, 16)] = _zero16()
        return 0
    lax.fori_loop(0, RPT // 16, fill_z, 0)
    for i in range(C // 16):
        ones_v[pl.ds(i * 16, 16)] = _one16()

    pltpu.sync_copy(zv, deg_sh.at[pl.ds(s * RPT, RPT)])
    plsc.subcore_barrier()

    def step(j, _):
        pltpu.sync_copy(ones_v, deg_sh.at[didx.at[j]], add=True)
        return 0
    lax.fori_loop(0, NCHUNK, step, 0)
    plsc.subcore_barrier()

    pltpu.sync_copy(deg_sh.at[pl.ds(s * RPT, RPT)],
                    deg_out.at[c, pl.ds(s * RPT, RPT)])


MC = 80
MCHUNK = TPE // MC

@functools.partial(
    pl.kernel,
    out_type=jax.ShapeDtypeStruct((NC, NPAD, D), jnp.float32),
    mesh=_mesh,
    scratch_types=[
        pltpu.VMEM_SHARED((NPAD, D), jnp.float32),
        [pltpu.VMEM((MC,), jnp.int32)] * 4,
        [pltpu.VMEM((MC,), jnp.int32)] * 4,
        [pltpu.VMEM((MC, D), jnp.float32)] * 4,
        [pltpu.SemaphoreType.DMA] * 4,
        [pltpu.SemaphoreType.DMA] * 4,
        [pltpu.SemaphoreType.DMA] * 4,
    ],
)
def _sc_msg(hp_hbm, src_hbm, dst_hbm, acc_out, acc_sh, sidx, didx, rows,
            issems, idsems, gsems):
    c = lax.axis_index("c")
    s = lax.axis_index("s")
    wid = c * NS + s

    def fill_z(i, _):
        for j in range(D // 16):
            rows[0][i, pl.ds(j * 16, 16)] = _zero16()
        return 0
    lax.fori_loop(0, MC, fill_z, 0)

    def init(k, _):
        pltpu.sync_copy(rows[0], acc_sh.at[pl.ds(s * RPT + k * MC, MC)])
        return 0
    lax.fori_loop(0, RPT // MC, init, 0)
    plsc.subcore_barrier()

    def is_desc(j, b):
        base = wid * TPE + j * MC
        return pltpu.make_async_copy(src_hbm.at[pl.ds(base, MC)], sidx[b],
                                     issems[b])

    def id_desc(j, b):
        base = wid * TPE + j * MC
        return pltpu.make_async_copy(dst_hbm.at[pl.ds(base, MC)], didx[b],
                                     idsems[b])

    def g_desc(j, b):
        return pltpu.make_async_copy(hp_hbm.at[sidx[b]], rows[b], gsems[b])

    def half(j, b):
        g_desc(j, b).wait()

        @pl.when(j + 3 < MCHUNK)
        def _():
            is_desc(j + 3, (b + 3) % 4).wait()
            g_desc(j + 3, (b + 3) % 4).start()
        id_desc(j, b).wait()
        pltpu.sync_copy(rows[b], acc_sh.at[didx[b]], add=True)

        @pl.when(j + 4 < MCHUNK)
        def _():
            is_desc(j + 4, b).start()
            id_desc(j + 4, b).start()

    for b0 in range(4):
        is_desc(b0, b0).start()
        id_desc(b0, b0).start()
    for b0 in range(3):
        is_desc(b0, b0).wait()
        g_desc(b0, b0).start()

    def step(g, _):
        j0 = g * 4
        half(j0, 0)
        half(j0 + 1, 1)
        half(j0 + 2, 2)
        half(j0 + 3, 3)
        return 0
    lax.fori_loop(0, MCHUNK // 4, step, 0)
    half(MCHUNK - 1, (MCHUNK - 1) % 4)
    plsc.subcore_barrier()

    pltpu.sync_copy(acc_sh.at[pl.ds(s * RPT, RPT)],
                    acc_out.at[c, pl.ds(s * RPT, RPT)])


_BLK = 1024
_GRID = (N + _BLK - 1) // _BLK


def _dis_col(deg_ref):
    return lax.rsqrt(deg_ref[0, :] + deg_ref[1, :] + 1.0)[:, None]


def _tc_pre_body(x_ref, w_ref, deg_ref, o_ref):
    h = jnp.dot(x_ref[:], w_ref[:], preferred_element_type=jnp.float32)
    o_ref[:] = h * _dis_col(deg_ref)


def _tc_mid_body(acc_ref, hp_ref, deg_ref, b_ref, w_ref, o_ref):
    dis = _dis_col(deg_ref)
    t = dis * (acc_ref[0] + acc_ref[1] + hp_ref[:]) + b_ref[:]
    t = jnp.maximum(t, 0.0)
    o_ref[:] = jnp.dot(t, w_ref[:], preferred_element_type=jnp.float32) * dis


def _tc_post_body(acc_ref, hp_ref, deg_ref, b_ref, o_ref):
    dis = _dis_col(deg_ref)
    o_ref[:] = jnp.maximum(dis * (acc_ref[0] + acc_ref[1] + hp_ref[:]) + b_ref[:],
                           0.0)


_x_spec = pl.BlockSpec((_BLK, D), lambda j: (j, 0))
_w_spec = pl.BlockSpec((D, D), lambda j: (0, 0))
_deg_spec = pl.BlockSpec((NC, _BLK), lambda j: (0, j))
_acc_spec = pl.BlockSpec((NC, _BLK, D), lambda j: (0, j, 0))
_b_spec = pl.BlockSpec((1, D), lambda j: (0, 0))
_out_sds = jax.ShapeDtypeStruct((N, D), jnp.float32)

_tc_pre = pl.pallas_call(
    _tc_pre_body, grid=(_GRID,),
    in_specs=[_x_spec, _w_spec, _deg_spec],
    out_specs=_x_spec, out_shape=_out_sds)

_tc_mid = pl.pallas_call(
    _tc_mid_body, grid=(_GRID,),
    in_specs=[_acc_spec, _x_spec, _deg_spec, _b_spec, _w_spec],
    out_specs=_x_spec, out_shape=_out_sds)

_tc_post = pl.pallas_call(
    _tc_post_body, grid=(_GRID,),
    in_specs=[_acc_spec, _x_spec, _deg_spec, _b_spec],
    out_specs=_x_spec, out_shape=_out_sds)


@jax.jit
def kernel(x, edge_index, W1, b1, W2, b2):
    src_f = edge_index[0].astype(jnp.int32)
    dst_f = edge_index[1].astype(jnp.int32)
    pad_n = TPE_P - TPE
    dst3 = jnp.concatenate(
        [dst_f.reshape(NW, TPE), jnp.full((NW, pad_n), PADROW, jnp.int32)],
        axis=1).reshape(NW, NCHUNK, C)
    b1r = b1.reshape(1, D)
    b2r = b2.reshape(1, D)

    deg2 = _sc_deg(dst3)
    hp1 = _tc_pre(x, W1, deg2)
    acc1 = _sc_msg(hp1, src_f, dst_f)
    hp2 = _tc_mid(acc1, hp1, deg2, b1r, W2)
    acc2 = _sc_msg(hp2, src_f, dst_f)
    return _tc_post(acc2, hp2, deg2, b2r)

# --- scband reference (transcript-rebuilt; emitter-appended) ---
"""Pipeline reference for scband-gnnencoder-30124900614621 (READ-ONLY COPY).

The authoritative reference and input builder live on the scoring server;
editing this copy changes nothing except your own understanding.
"""

import jax, jax.numpy as jnp
import numpy as np

N_NODES = 10000
N_EDGES = 320000
D_IN = 128
D_HID = 128
D_OUT = 128


def setup_inputs(seed: int = 0) -> dict:
    key = jax.random.key(seed)
    k1, k2, k3, k4, k5, k6 = jax.random.split(key, 6)
    x = jax.random.normal(k1, (N_NODES, D_IN), dtype=jnp.float32)
    edge_index = jax.random.randint(k2, (2, N_EDGES), 0, N_NODES, dtype=jnp.int64)
    # GCNConv weights (glorot-style scale)
    W1 = jax.random.normal(k3, (D_IN, D_HID), dtype=jnp.float32) * (1.0 / np.sqrt(D_IN))
    b1 = jnp.zeros((D_HID,), dtype=jnp.float32)
    W2 = jax.random.normal(k4, (D_HID, D_OUT), dtype=jnp.float32) * (1.0 / np.sqrt(D_HID))
    b2 = jnp.zeros((D_OUT,), dtype=jnp.float32)
    return {"x": x, "edge_index": edge_index, "W1": W1, "b1": b1, "W2": W2, "b2": b2}


def _gcn_conv(x, src, dst, W, b, n_nodes):
    # PyG GCNConv: add self-loops, symmetric normalization, linear transform,
    # gather messages from src, scatter-add into dst.
    loop = jnp.arange(n_nodes, dtype=src.dtype)
    src_f = jnp.concatenate([src, loop])
    dst_f = jnp.concatenate([dst, loop])
    deg = jnp.zeros((n_nodes,), dtype=x.dtype).at[dst_f].add(1.0)
    deg_inv_sqrt = jnp.where(deg > 0, 1.0 / jnp.sqrt(deg), 0.0)
    norm = deg_inv_sqrt[src_f] * deg_inv_sqrt[dst_f]
    h = x @ W
    msg = jnp.take(h, src_f, axis=0) * norm[:, None]
    out = jnp.zeros((n_nodes, W.shape[1]), dtype=x.dtype).at[dst_f].add(msg)
    return out + b


def reference(x, edge_index, W1, b1, W2, b2):
    # GNNEncoder.forward (eval mode: dropout is identity)
    src, dst = edge_index[0], edge_index[1]
    n = x.shape[0]
    h = _gcn_conv(x, src, dst, W1, b1, n)
    h = jax.nn.relu(h)
    h = _gcn_conv(h, src, dst, W2, b2, n)
    h = jax.nn.relu(h)
    return h

if __name__ == "__main__":
    import jax
    _d = setup_inputs()
    print(jax.jit(kernel)(*tuple(_d.values())))

</pallas_src>

<mosaic_0001>
#map = affine_map<(d0, d1) -> (0, 0)>
#map1 = affine_map<(d0, d1) -> (0)>
#map2 = affine_map<(d0, d1) -> (0, 0, 0)>
module attributes {stable_mosaic.version = 14 : i64} {
  func.func @_sc_msg(%arg0: i32, %arg1: i32, %arg2: memref<10000x128xf32, #tpu.memory_space<hbm>>, %arg3: memref<320000xi32, #tpu.memory_space<hbm>>, %arg4: memref<320000xi32, #tpu.memory_space<hbm>>, %arg5: memref<2x10240x128xf32, #tpu.memory_space<hbm>>, %arg6: memref<10240x128xf32, #tpu.memory_space<vmem_shared>>, %arg7: memref<80xi32, #tpu.memory_space<vmem>>, %arg8: memref<80xi32, #tpu.memory_space<vmem>>, %arg9: memref<80xi32, #tpu.memory_space<vmem>>, %arg10: memref<80xi32, #tpu.memory_space<vmem>>, %arg11: memref<80xi32, #tpu.memory_space<vmem>>, %arg12: memref<80xi32, #tpu.memory_space<vmem>>, %arg13: memref<80xi32, #tpu.memory_space<vmem>>, %arg14: memref<80xi32, #tpu.memory_space<vmem>>, %arg15: memref<80x128xf32, #tpu.memory_space<vmem>>, %arg16: memref<80x128xf32, #tpu.memory_space<vmem>>, %arg17: memref<80x128xf32, #tpu.memory_space<vmem>>, %arg18: memref<80x128xf32, #tpu.memory_space<vmem>>, %arg19: memref<!tpu.dma_semaphore, #tpu.memory_space<semaphore_mem>>, %arg20: memref<!tpu.dma_semaphore, #tpu.memory_space<semaphore_mem>>, %arg21: memref<!tpu.dma_semaphore, #tpu.memory_space<semaphore_mem>>, %arg22: memref<!tpu.dma_semaphore, #tpu.memory_space<semaphore_mem>>, %arg23: memref<!tpu.dma_semaphore, #tpu.memory_space<semaphore_mem>>, %arg24: memref<!tpu.dma_semaphore, #tpu.memory_space<semaphore_mem>>, %arg25: memref<!tpu.dma_semaphore, #tpu.memory_space<semaphore_mem>>, %arg26: memref<!tpu.dma_semaphore, #tpu.memory_space<semaphore_mem>>, %arg27: memref<!tpu.dma_semaphore, #tpu.memory_space<semaphore_mem>>, %arg28: memref<!tpu.dma_semaphore, #tpu.memory_space<semaphore_mem>>, %arg29: memref<!tpu.dma_semaphore, #tpu.memory_space<semaphore_mem>>, %arg30: memref<!tpu.dma_semaphore, #tpu.memory_space<semaphore_mem>>) attributes {dimension_semantics = [#tpu.dimension_semantics<core_parallel>, #tpu.dimension_semantics<subcore_parallel>], iteration_bounds = array<i64: 2, 16>, scalar_prefetch = 0 : i64, scratch_operands = 25 : i64, tpu.core_type = #tpu.core_type<sc_vector_subcore>, window_params = [{transform_indices = #map}, {transform_indices = #map1}, {transform_indices = #map1}, {transform_indices = #map2}]} {
    %mul3A = arith.constant 16 : i32
    %mul3A_0 = arith.muli %arg0, %mul3A : i32
    %add3A = arith.addi %mul3A_0, %arg1 : i32
    %scan3A = arith.constant 0 : i32
    %scan3A_1 = arith.constant 0 : i32
    %scan3A_2 = arith.constant 80 : i32
    %scan3A_3 = arith.addi %scan3A_1, %scan3A_2 : i32
    %scan3A_4 = arith.constant 1 : i32
    %scan3A_5 = scf.for %scan3A_108 = %scan3A_1 to %scan3A_3 step %scan3A_4 iter_args(%scan3A_109 = %scan3A) -> (i32)  : i32 {
      %broadcast_in_dim3A = arith.constant 0.000000e+00 : f32
      %broadcast_in_dim3A_110 = vector.broadcast %broadcast_in_dim3A : f32 to vector<16xf32>
      %swap3A = arith.index_cast %scan3A_108 : i32 to index
      %swap3A_111 = arith.constant 0 : index
      %swap3A_112 = tpu.vector_load %arg15[%swap3A, %swap3A_111] {strides = array<i32>} : memref<80x128xf32, #tpu.memory_space<vmem>>, vector<1x16xf32>,
      %swap3A_113 = vector.shape_cast %swap3A_112 : vector<1x16xf32> to vector<16xf32>
      %swap3A_114 = vector.shape_cast %broadcast_in_dim3A_110 : vector<16xf32> to vector<1x16xf32>
      tpu.vector_store %arg15[%swap3A, %swap3A_111], %swap3A_114 {strides = array<i32>} : memref<80x128xf32, #tpu.memory_space<vmem>>, vector<1x16xf32>,
      %broadcast_in_dim3A_115 = arith.constant 0.000000e+00 : f32
      %broadcast_in_dim3A_116 = vector.broadcast %broadcast_in_dim3A_115 : f32 to vector<16xf32>
      %swap3A_117 = arith.index_cast %scan3A_108 : i32 to index
      %swap3A_118 = arith.constant 16 : index
      %swap3A_119 = tpu.vector_load %arg15[%swap3A_117, %swap3A_118] {strides = array<i32>} : memref<80x128xf32, #tpu.memory_space<vmem>>, vector<1x16xf32>,
      %swap3A_120 = vector.shape_cast %swap3A_119 : vector<1x16xf32> to vector<16xf32>
      %swap3A_121 = vector.shape_cast %broadcast_in_dim3A_116 : vector<16xf32> to vector<1x16xf32>
      tpu.vector_store %arg15[%swap3A_117, %swap3A_118], %swap3A_121 {strides = array<i32>} : memref<80x128xf32, #tpu.memory_space<vmem>>, vector<1x16xf32>,
      %broadcast_in_dim3A_122 = arith.constant 0.000000e+00 : f32
      %broadcast_in_dim3A_123 = vector.broadcast %broadcast_in_dim3A_122 : f32 to vector<16xf32>
      %swap3A_124 = arith.index_cast %scan3A_108 : i32 to index
      %swap3A_125 = arith.constant 32 : index
      %swap3A_126 = tpu.vector_load %arg15[%swap3A_124, %swap3A_125] {strides = array<i32>} : memref<80x128xf32, #tpu.memory_space<vmem>>, vector<1x16xf32>,
      %swap3A_127 = vector.shape_cast %swap3A_126 : vector<1x16xf32> to vector<16xf32>
      %swap3A_128 = vector.shape_cast %broadcast_in_dim3A_123 : vector<16xf32> to vector<1x16xf32>
      tpu.vector_store %arg15[%swap3A_124, %swap3A_125], %swap3A_128 {strides = array<i32>} : memref<80x128xf32, #tpu.memory_space<vmem>>, vector<1x16xf32>,
      %broadcast_in_dim3A_129 = arith.constant 0.000000e+00 : f32
      %broadcast_in_dim3A_130 = vector.broadcast %broadcast_in_dim3A_129 : f32 to vector<16xf32>
      %swap3A_131 = arith.index_cast %scan3A_108 : i32 to index
      %swap3A_132 = arith.constant 48 : index
      %swap3A_133 = tpu.vector_load %arg15[%swap3A_131, %swap3A_132] {strides = array<i32>} : memref<80x128xf32, #tpu.memory_space<vmem>>, vector<1x16xf32>,
      %swap3A_134 = vector.shape_cast %swap3A_133 : vector<1x16xf32> to vector<16xf32>
      %swap3A_135 = vector.shape_cast %broadcast_in_dim3A_130 : vector<16xf32> to vector<1x16xf32>
      tpu.vector_store %arg15[%swap3A_131, %swap3A_132], %swap3A_135 {strides = array<i32>} : memref<80x128xf32, #tpu.memory_space<vmem>>, vector<1x16xf32>,
      %broadcast_in_dim3A_136 = arith.constant 0.000000e+00 : f32
      %broadcast_in_dim3A_137 = vector.broadcast %broadcast_in_dim3A_136 : f32 to vector<16xf32>
      %swap3A_138 = arith.index_cast %scan3A_108 : i32 to index
      %swap3A_139 = arith.constant 64 : index
      %swap3A_140 = tpu.vector_load %arg15[%swap3A_138, %swap3A_139] {strides = array<i32>} : memref<80x128xf32, #tpu.memory_space<vmem>>, vector<1x16xf32>,
      %swap3A_141 = vector.shape_cast %swap3A_140 : vector<1x16xf32> to vector<16xf32>
      %swap3A_142 = vector.shape_cast %broadcast_in_dim3A_137 : vector<16xf32> to vector<1x16xf32>
      tpu.vector_store %arg15[%swap3A_138, %swap3A_139], %swap3A_142 {strides = array<i32>} : memref<80x128xf32, #tpu.memory_space<vmem>>, vector<1x16xf32>,
      %broadcast_in_dim3A_143 = arith.constant 0.000000e+00 : f32
      %broadcast_in_dim3A_144 = vector.broadcast %broadcast_in_dim3A_143 : f32 to vector<16xf32>
      %swap3A_145 = arith.index_cast %scan3A_108 : i32 to index
      %swap3A_146 = arith.constant 80 : index
      %swap3A_147 = tpu.vector_load %arg15[%swap3A_145, %swap3A_146] {strides = array<i32>} : memref<80x128xf32, #tpu.memory_space<vmem>>, vector<1x16xf32>,
      %swap3A_148 = vector.shape_cast %swap3A_147 : vector<1x16xf32> to vector<16xf32>
      %swap3A_149 = vector.shape_cast %broadcast_in_dim3A_144 : vector<16xf32> to vector<1x16xf32>
      tpu.vector_store %arg15[%swap3A_145, %swap3A_146], %swap3A_149 {strides = array<i32>} : memref<80x128xf32, #tpu.memory_space<vmem>>, vector<1x16xf32>,
      %broadcast_in_dim3A_150 = arith.constant 0.000000e+00 : f32
      %broadcast_in_dim3A_151 = vector.broadcast %broadcast_in_dim3A_150 : f32 to vector<16xf32>
      %swap3A_152 = arith.index_cast %scan3A_108 : i32 to index
      %swap3A_153 = arith.constant 96 : index
      %swap3A_154 = tpu.vector_load %arg15[%swap3A_152, %swap3A_153] {strides = array<i32>} : memref<80x128xf32, #tpu.memory_space<vmem>>, vector<1x16xf32>,
      %swap3A_155 = vector.shape_cast %swap3A_154 : vector<1x16xf32> to vector<16xf32>
      %swap3A_156 = vector.shape_cast %broadcast_in_dim3A_151 : vector<16xf32> to vector<1x16xf32>
      tpu.vector_store %arg15[%swap3A_152, %swap3A_153], %swap3A_156 {strides = array<i32>} : memref<80x128xf32, #tpu.memory_space<vmem>>, vector<1x16xf32>,
      %broadcast_in_dim3A_157 = arith.constant 0.000000e+00 : f32
      %broadcast_in_dim3A_158 = vector.broadcast %broadcast_in_dim3A_157 : f32 to vector<16xf32>
      %swap3A_159 = arith.index_cast %scan3A_108 : i32 to index
      %swap3A_160 = arith.constant 112 : index
      %swap3A_161 = tpu.vector_load %arg15[%swap3A_159, %swap3A_160] {strides = array<i32>} : memref<80x128xf32, #tpu.memory_space<vmem>>, vector<1x16xf32>,
      %swap3A_162 = vector.shape_cast %swap3A_161 : vector<1x16xf32> to vector<16xf32>
      %swap3A_163 = vector.shape_cast %broadcast_in_dim3A_158 : vector<16xf32> to vector<1x16xf32>
      tpu.vector_store %arg15[%swap3A_159, %swap3A_160], %swap3A_163 {strides = array<i32>} : memref<80x128xf32, #tpu.memory_space<vmem>>, vector<1x16xf32>,
      %scan3A_164 = arith.constant 0 : i32
      scf.yield %scan3A_164 : i32
    }
    %scan3A_6 = arith.constant 80 : i32
    %scan3A_7 = arith.constant 0 : i32
    %scan3A_8 = arith.constant 0 : i32
    %scan3A_9 = arith.constant 8 : i32
    %scan3A_10 = arith.addi %scan3A_8, %scan3A_9 : i32
    %scan3A_11 = arith.constant 1 : i32
    %scan3A_12 = scf.for %scan3A_108 = %scan3A_8 to %scan3A_10 step %scan3A_11 iter_args(%scan3A_109 = %scan3A_7) -> (i32)  : i32 {
      %mul3A_110 = arith.constant 640 : i32
      %mul3A_111 = arith.muli %arg1, %mul3A_110 : i32
      %mul3A_112 = arith.constant 80 : i32
      %mul3A_113 = arith.muli %scan3A_108, %mul3A_112 : i32
      %add3A_114 = arith.addi %mul3A_111, %mul3A_113 : i32
      "tpu.region"() ({
        %run_scoped3A = tpu.sem_alloc : memref<!tpu.dma_semaphore, #tpu.memory_space<semaphore_mem>>
        %dma_start3A_116 = arith.constant 0 : i32
        %dma_start3A_117 = tpu.memref_slice %arg6[%add3A_114, %dma_start3A_116] : memref<10240x128xf32, #tpu.memory_space<vmem_shared>> -> memref<80x128xf32, #tpu.memory_space<vmem_shared>>
        %dma_start3A_118 = arith.constant 0 : i32
        %dma_start3A_119 = tpu.memref_slice %arg6[%add3A_114, %dma_start3A_118] : memref<10240x128xf32, #tpu.memory_space<vmem_shared>> -> memref<80x128xf32, #tpu.memory_space<vmem_shared>>
        tpu.enqueue_dma source(%arg15 : memref<80x128xf32, #tpu.memory_space<vmem>>) target(%dma_start3A_119 : memref<80x128xf32, #tpu.memory_space<vmem_shared>>) target_semaphore(%run_scoped3A : memref<!tpu.dma_semaphore, #tpu.memory_space<semaphore_mem>>)
        %dma_wait3A_120 = arith.constant 0 : i32
        %dma_wait3A_121 = tpu.memref_slice %arg6[%add3A_114, %dma_wait3A_120] : memref<10240x128xf32, #tpu.memory_space<vmem_shared>> -> memref<80x128xf32, #tpu.memory_space<vmem_shared>>
        %dma_wait3A_122 = arith.constant 0 : i32
        %dma_wait3A_123 = tpu.memref_slice %arg6[%add3A_114, %dma_wait3A_122] : memref<10240x128xf32, #tpu.memory_space<vmem_shared>> -> memref<80x128xf32, #tpu.memory_space<vmem_shared>>
        tpu.wait_dma2 semaphore(%run_scoped3A : memref<!tpu.dma_semaphore, #tpu.memory_space<semaphore_mem>>) src(%arg15 : memref<80x128xf32, #tpu.memory_space<vmem>>) dst(%dma_wait3A_123 : memref<80x128xf32, #tpu.memory_space<vmem_shared>>)
        tpu.yield
      }) : () -> ()
      %scan3A_115 = arith.constant 0 : i32
      scf.yield %scan3A_115 : i32
    }
    %scan3A_13 = arith.constant 8 : i32
    %barrier3A = arith.constant 0 : index
    tpu.barrier barrier_id(%barrier3A)
    %mul3A_14 = arith.constant 10000 : i32
    %mul3A_15 = arith.muli %add3A, %mul3A_14 : i32
    %add3A_16 = arith.constant 0 : i32
    %add3A_17 = arith.addi %mul3A_15, %add3A_16 : i32
    %dma_start3A = tpu.memref_slice %arg3[%add3A_17] : memref<320000xi32, #tpu.memory_space<hbm>> -> memref<80xi32, #tpu.memory_space<hbm>>
    %dma_start3A_18 = tpu.memref_slice %arg3[%add3A_17] : memref<320000xi32, #tpu.memory_space<hbm>> -> memref<80xi32, #tpu.memory_space<hbm>>
    tpu.enqueue_dma source(%dma_start3A_18 : memref<80xi32, #tpu.memory_space<hbm>>) target(%arg7 : memref<80xi32, #tpu.memory_space<vmem>>) target_semaphore(%arg19 : memref<!tpu.dma_semaphore, #tpu.memory_space<semaphore_mem>>)
    %mul3A_19 = arith.constant 10000 : i32
    %mul3A_20 = arith.muli %add3A, %mul3A_19 : i32
    %add3A_21 = arith.constant 0 : i32
    %add3A_22 = arith.addi %mul3A_20, %add3A_21 : i32
    %dma_start3A_23 = tpu.memref_slice %arg4[%add3A_22] : memref<320000xi32, #tpu.memory_space<hbm>> -> memref<80xi32, #tpu.memory_space<hbm>>
    %dma_start3A_24 = tpu.memref_slice %arg4[%add3A_22] : memref<320000xi32, #tpu.memory_space<hbm>> -> memref<80xi32, #tpu.memory_space<hbm>>
    tpu.enqueue_dma source(%dma_start3A_24 : memref<80xi32, #tpu.memory_space<hbm>>) target(%arg11 : memref<80xi32, #tpu.memory_space<vmem>>) target_semaphore(%arg23 : memref<!tpu.dma_semaphore, #tpu.memory_space<semaphore_mem>>)
    %mul3A_25 = arith.constant 10000 : i32
    %mul3A_26 = arith.muli %add3A, %mul3A_25 : i32
    %add3A_27 = arith.constant 80 : i32
    %add3A_28 = arith.addi %mul3A_26, %add3A_27 : i32
    %dma_start3A_29 = tpu.memref_slice %arg3[%add3A_28] : memref<320000xi32, #tpu.memory_space<hbm>> -> memref<80xi32, #tpu.memory_space<hbm>>
    %dma_start3A_30 = tpu.memref_slice %arg3[%add3A_28] : memref<320000xi32, #tpu.memory_space<hbm>> -> memref<80xi32, #tpu.memory_space<hbm>>
    tpu.enqueue_dma source(%dma_start3A_30 : memref<80xi32, #tpu.memory_space<hbm>>) target(%arg8 : memref<80xi32, #tpu.memory_space<vmem>>) target_semaphore(%arg20 : memref<!tpu.dma_semaphore, #tpu.memory_space<semaphore_mem>>)
    %mul3A_31 = arith.constant 10000 : i32
    %mul3A_32 = arith.muli %add3A, %mul3A_31 : i32
    %add3A_33 = arith.constant 80 : i32
    %add3A_34 = arith.addi %mul3A_32, %add3A_33 : i32
    %dma_start3A_35 = tpu.memref_slice %arg4[%add3A_34] : memref<320000xi32, #tpu.memory_space<hbm>> -> memref<80xi32, #tpu.memory_space<hbm>>
    %dma_start3A_36 = tpu.memref_slice %arg4[%add3A_34] : memref<320000xi32, #tpu.memory_space<hbm>> -> memref<80xi32, #tpu.memory_space<hbm>>
    tpu.enqueue_dma source(%dma_start3A_36 : memref<80xi32, #tpu.memory_space<hbm>>) target(%arg12 : memref<80xi32, #tpu.memory_space<vmem>>) target_semaphore(%arg24 : memref<!tpu.dma_semaphore, #tpu.memory_space<semaphore_mem>>)
    %mul3A_37 = arith.constant 10000 : i32
    %mul3A_38 = arith.muli %add3A, %mul3A_37 : i32
    %add3A_39 = arith.constant 160 : i32
    %add3A_40 = arith.addi %mul3A_38, %add3A_39 : i32
    %dma_start3A_41 = tpu.memref_slice %arg3[%add3A_40] : memref<320000xi32, #tpu.memory_space<hbm>> -> memref<80xi32, #tpu.memory_space<hbm>>
    %dma_start3A_42 = tpu.memref_slice %arg3[%add3A_40] : memref<320000xi32, #tpu.memory_space<hbm>> -> memref<80xi32, #tpu.memory_space<hbm>>
    tpu.enqueue_dma source(%dma_start3A_42 : memref<80xi32, #tpu.memory_space<hbm>>) target(%arg9 : memref<80xi32, #tpu.memory_space<vmem>>) target_semaphore(%arg21 : memref<!tpu.dma_semaphore, #tpu.memory_space<semaphore_mem>>)
    %mul3A_43 = arith.constant 10000 : i32
    %mul3A_44 = arith.muli %add3A, %mul3A_43 : i32
    %add3A_45 = arith.constant 160 : i32
    %add3A_46 = arith.addi %mul3A_44, %add3A_45 : i32
    %dma_start3A_47 = tpu.memref_slice %arg4[%add3A_46] : memref<320000xi32, #tpu.memory_space<hbm>> -> memref<80xi32, #tpu.memory_space<hbm>>
    %dma_start3A_48 = tpu.memref_slice %arg4[%add3A_46] : memref<320000xi32, #tpu.memory_space<hbm>> -> memref<80xi32, #tpu.memory_space<hbm>>
    tpu.enqueue_dma source(%dma_start3A_48 : memref<80xi32, #tpu.memory_space<hbm>>) target(%arg13 : memref<80xi32, #tpu.memory_space<vmem>>) target_semaphore(%arg25 : memref<!tpu.dma_semaphore, #tpu.memory_space<semaphore_mem>>)
    %mul3A_49 = arith.constant 10000 : i32
    %mul3A_50 = arith.muli %add3A, %mul3A_49 : i32
    %add3A_51 = arith.constant 240 : i32
    %add3A_52 = arith.addi %mul3A_50, %add3A_51 : i32
    %dma_start3A_53 = tpu.memref_slice %arg3[%add3A_52] : memref<320000xi32, #tpu.memory_space<hbm>> -> memref<80xi32, #tpu.memory_space<hbm>>
    %dma_start3A_54 = tpu.memref_slice %arg3[%add3A_52] : memref<320000xi32, #tpu.memory_space<hbm>> -> memref<80xi32, #tpu.memory_space<hbm>>
    tpu.enqueue_dma source(%dma_start3A_54 : memref<80xi32, #tpu.memory_space<hbm>>) target(%arg10 : memref<80xi32, #tpu.memory_space<vmem>>) target_semaphore(%arg22 : memref<!tpu.dma_semaphore, #tpu.memory_space<semaphore_mem>>)
    %mul3A_55 = arith.constant 10000 : i32
    %mul3A_56 = arith.muli %add3A, %mul3A_55 : i32
    %add3A_57 = arith.constant 240 : i32
    %add3A_58 = arith.addi %mul3A_56, %add3A_57 : i32
    %dma_start3A_59 = tpu.memref_slice %arg4[%add3A_58] : memref<320000xi32, #tpu.memory_space<hbm>> -> memref<80xi32, #tpu.memory_space<hbm>>
    %dma_start3A_60 = tpu.memref_slice %arg4[%add3A_58] : memref<320000xi32, #tpu.memory_space<hbm>> -> memref<80xi32, #tpu.memory_space<hbm>>
    tpu.enqueue_dma source(%dma_start3A_60 : memref<80xi32, #tpu.memory_space<hbm>>) target(%arg14 : memref<80xi32, #tpu.memory_space<vmem>>) target_semaphore(%arg26 : memref<!tpu.dma_semaphore, #tpu.memory_space<semaphore_mem>>)
    %mul3A_61 = arith.constant 10000 : i32
    %mul3A_62 = arith.muli %add3A, %mul3A_61 : i32
    %add3A_63 = arith.constant 0 : i32
    %add3A_64 = arith.addi %mul3A_62, %add3A_63 : i32
    %dma_wait3A = tpu.memref_slice %arg3[%add3A_64] : memref<320000xi32, #tpu.memory_space<hbm>> -> memref<80xi32, #tpu.memory_space<hbm>>
    %dma_wait3A_65 = tpu.memref_slice %arg3[%add3A_64] : memref<320000xi32, #tpu.memory_space<hbm>> -> memref<80xi32, #tpu.memory_space<hbm>>
    tpu.wait_dma2 semaphore(%arg19 : memref<!tpu.dma_semaphore, #tpu.memory_space<semaphore_mem>>) src(%dma_wait3A_65 : memref<80xi32, #tpu.memory_space<hbm>>) dst(%arg7 : memref<80xi32, #tpu.memory_space<vmem>>)
    %dma_start3A_66 = arith.constant 0 : i32
    %dma_start3A_67 = arith.constant 0 : i32
    %dma_start3A_68 = tpu.memref_slice %arg2[%dma_start3A_66, %dma_start3A_67] : memref<10000x128xf32, #tpu.memory_space<hbm>> -> memref<10000x128xf32, #tpu.memory_space<hbm>>
    tpu.enqueue_indirect_dma source(%dma_start3A_68 : memref<10000x128xf32, #tpu.memory_space<hbm>>) target(%arg15 : memref<80x128xf32, #tpu.memory_space<vmem>>) offsets(%arg7 : memref<80xi32, #tpu.memory_space<vmem>>) semaphore(%arg27 : memref<!tpu.dma_semaphore, #tpu.memory_space<semaphore_mem>>)
    %mul3A_69 = arith.constant 10000 : i32
    %mul3A_70 = arith.muli %add3A, %mul3A_69 : i32
    %add3A_71 = arith.constant 80 : i32
    %add3A_72 = arith.addi %mul3A_70, %add3A_71 : i32
    %dma_wait3A_73 = tpu.memref_slice %arg3[%add3A_72] : memref<320000xi32, #tpu.memory_space<hbm>> -> memref<80xi32, #tpu.memory_space<hbm>>
    %dma_wait3A_74 = tpu.memref_slice %arg3[%add3A_72] : memref<320000xi32, #tpu.memory_space<hbm>> -> memref<80xi32, #tpu.memory_space<hbm>>
    tpu.wait_dma2 semaphore(%arg20 : memref<!tpu.dma_semaphore, #tpu.memory_space<semaphore_mem>>) src(%dma_wait3A_74 : memref<80xi32, #tpu.memory_space<hbm>>) dst(%arg8 : memref<80xi32, #tpu.memory_space<vmem>>)
    %dma_start3A_75 = arith.constant 0 : i32
    %dma_start3A_76 = arith.constant 0 : i32
    %dma_start3A_77 = tpu.memref_slice %arg2[%dma_start3A_75, %dma_start3A_76] : memref<10000x128xf32, #tpu.memory_space<hbm>> -> memref<10000x128xf32, #tpu.memory_space<hbm>>
    tpu.enqueue_indirect_dma source(%dma_start3A_77 : memref<10000x128xf32, #tpu.memory_space<hbm>>) target(%arg16 : memref<80x128xf32, #tpu.memory_space<vmem>>) offsets(%arg8 : memref<80xi32, #tpu.memory_space<vmem>>) semaphore(%arg28 : memref<!tpu.dma_semaphore, #tpu.memory_space<semaphore_mem>>)
    %mul3A_78 = arith.constant 10000 : i32
    %mul3A_79 = arith.muli %add3A, %mul3A_78 : i32
    %add3A_80 = arith.constant 160 : i32
    %add3A_81 = arith.addi %mul3A_79, %add3A_80 : i32
    %dma_wait3A_82 = tpu.memref_slice %arg3[%add3A_81] : memref<320000xi32, #tpu.memory_space<hbm>> -> memref<80xi32, #tpu.memory_space<hbm>>
    %dma_wait3A_83 = tpu.memref_slice %arg3[%add3A_81] : memref<320000xi32, #tpu.memory_space<hbm>> -> memref<80xi32, #tpu.memory_space<hbm>>
    tpu.wait_dma2 semaphore(%arg21 : memref<!tpu.dma_semaphore, #tpu.memory_space<semaphore_mem>>) src(%dma_wait3A_83 : memref<80xi32, #tpu.memory_space<hbm>>) dst(%arg9 : memref<80xi32, #tpu.memory_space<vmem>>)
    %dma_start3A_84 = arith.constant 0 : i32
    %dma_start3A_85 = arith.constant 0 : i32
    %dma_start3A_86 = tpu.memref_slice %arg2[%dma_start3A_84, %dma_start3A_85] : memref<10000x128xf32, #tpu.memory_space<hbm>> -> memref<10000x128xf32, #tpu.memory_space<hbm>>
    tpu.enqueue_indirect_dma source(%dma_start3A_86 : memref<10000x128xf32, #tpu.memory_space<hbm>>) target(%arg17 : memref<80x128xf32, #tpu.memory_space<vmem>>) offsets(%arg9 : memref<80xi32, #tpu.memory_space<vmem>>) semaphore(%arg29 : memref<!tpu.dma_semaphore, #tpu.memory_space<semaphore_mem>>)
    %scan3A_87 = arith.constant 0 : i32
    %scan3A_88 = arith.constant 0 : i32
    %scan3A_89 = arith.constant 31 : i32
    %scan3A_90 = arith.addi %scan3A_88, %scan3A_89 : i32
    %scan3A_91 = arith.constant 1 : i32
    %scan3A_92 = scf.for %scan3A_108 = %scan3A_88 to %scan3A_90 step %scan3A_91 iter_args(%scan3A_109 = %scan3A_87) -> (i32)  : i32 {
      %mul3A_110 = arith.constant 4 : i32
      %mul3A_111 = arith.muli %scan3A_108, %mul3A_110 : i32
      %dma_wait3A_112 = arith.constant 0 : i32
      %dma_wait3A_113 = arith.constant 0 : i32
      %dma_wait3A_114 = tpu.memref_slice %arg2[%dma_wait3A_112, %dma_wait3A_113] : memref<10000x128xf32, #tpu.memory_space<hbm>> -> memref<10000x128xf32, #tpu.memory_space<hbm>>
      tpu.wait_indirect_dma semaphore(%arg27 : memref<!tpu.dma_semaphore, #tpu.memory_space<semaphore_mem>>) src(%dma_wait3A_114 : memref<10000x128xf32, #tpu.memory_space<hbm>>) dst(%arg15 : memref<80x128xf32, #tpu.memory_space<vmem>>)
      %add3A_115 = arith.constant 3 : i32
      %add3A_116 = arith.addi %mul3A_111, %add3A_115 : i32
      %lt3A = arith.constant 125 : i32
      %lt3A_117 = arith.cmpi slt, %add3A_116, %lt3A : i32
      %convert_element_type3A = arith.extui %lt3A_117 : i1 to i32
      %cond3A = arith.constant 0 : i32
      %cond3A_118 = arith.cmpi ne, %convert_element_type3A, %cond3A : i32
      scf.if %cond3A_118 {
        %add3A_212 = arith.constant 3 : i32
        %add3A_213 = arith.addi %mul3A_111, %add3A_212 : i32
        %mul3A_214 = arith.constant 10000 : i32
        %mul3A_215 = arith.muli %add3A, %mul3A_214 : i32
        %mul3A_216 = arith.constant 80 : i32
        %mul3A_217 = arith.muli %add3A_213, %mul3A_216 : i32
        %add3A_218 = arith.addi %mul3A_215, %mul3A_217 : i32
        %dma_wait3A_219 = tpu.memref_slice %arg3[%add3A_218] : memref<320000xi32, #tpu.memory_space<hbm>> -> memref<80xi32, #tpu.memory_space<hbm>>
        %dma_wait3A_220 = tpu.memref_slice %arg3[%add3A_218] : memref<320000xi32, #tpu.memory_space<hbm>> -> memref<80xi32, #tpu.memory_space<hbm>>
        tpu.wait_dma2 semaphore(%arg22 : memref<!tpu.dma_semaphore, #tpu.memory_space<semaphore_mem>>) src(%dma_wait3A_220 : memref<80xi32, #tpu.memory_space<hbm>>) dst(%arg10 : memref<80xi32, #tpu.memory_space<vmem>>)
        %add3A_221 = arith.constant 3 : i32
        %add3A_222 = arith.addi %mul3A_111, %add3A_221 : i32
        %dma_start3A_223 = arith.constant 0 : i32
        %dma_start3A_224 = arith.constant 0 : i32
        %dma_start3A_225 = tpu.memref_slice %arg2[%dma_start3A_223, %dma_start3A_224] : memref<10000x128xf32, #tpu.memory_space<hbm>> -> memref<10000x128xf32, #tpu.memory_space<hbm>>
        tpu.enqueue_indirect_dma source(%dma_start3A_225 : memref<10000x128xf32, #tpu.memory_space<hbm>>) target(%arg18 : memref<80x128xf32, #tpu.memory_space<vmem>>) offsets(%arg10 : memref<80xi32, #tpu.memory_space<vmem>>) semaphore(%arg30 : memref<!tpu.dma_semaphore, #tpu.memory_space<semaphore_mem>>)
      } else {
      }
      %mul3A_119 = arith.constant 10000 : i32
      %mul3A_120 = arith.muli %add3A, %mul3A_119 : i32
      %mul3A_121 = arith.constant 80 : i32
      %mul3A_122 = arith.muli %mul3A_111, %mul3A_121 : i32
      %add3A_123 = arith.addi %mul3A_120, %mul3A_122 : i32
      %dma_wait3A_124 = tpu.memref_slice %arg4[%add3A_123] : memref<320000xi32, #tpu.memory_space<hbm>> -> memref<80xi32, #tpu.memory_space<hbm>>
      %dma_wait3A_125 = tpu.memref_slice %arg4[%add3A_123] : memref<320000xi32, #tpu.memory_space<hbm>> -> memref<80xi32, #tpu.memory_space<hbm>>
      tpu.wait_dma2 semaphore(%arg23 : memref<!tpu.dma_semaphore, #tpu.memory_space<semaphore_mem>>) src(%dma_wait3A_125 : memref<80xi32, #tpu.memory_space<hbm>>) dst(%arg11 : memref<80xi32, #tpu.memory_space<vmem>>)
      "tpu.region"() ({
        %run_scoped3A = tpu.sem_alloc : memref<!tpu.dma_semaphore, #tpu.memory_space<semaphore_mem>>
        %dma_start3A_212 = arith.constant 0 : i32
        %dma_start3A_213 = arith.constant 0 : i32
        %dma_start3A_214 = tpu.memref_slice %arg6[%dma_start3A_212, %dma_start3A_213] : memref<10240x128xf32, #tpu.memory_space<vmem_shared>> -> memref<10240x128xf32, #tpu.memory_space<vmem_shared>>
        tpu.enqueue_indirect_dma source(%arg15 : memref<80x128xf32, #tpu.memory_space<vmem>>) target(%dma_start3A_214 : memref<10240x128xf32, #tpu.memory_space<vmem_shared>>) offsets(%arg11 : memref<80xi32, #tpu.memory_space<vmem>>) semaphore(%run_scoped3A : memref<!tpu.dma_semaphore, #tpu.memory_space<semaphore_mem>>) {add = true}
        %dma_wait3A_215 = arith.constant 0 : i32
        %dma_wait3A_216 = arith.constant 0 : i32
        %dma_wait3A_217 = tpu.memref_slice %arg6[%dma_wait3A_215, %dma_wait3A_216] : memref<10240x128xf32, #tpu.memory_space<vmem_shared>> -> memref<10240x128xf32, #tpu.memory_space<vmem_shared>>
        tpu.wait_indirect_dma semaphore(%run_scoped3A : memref<!tpu.dma_semaphore, #tpu.memory_space<semaphore_mem>>) src(%arg15 : memref<80x128xf32, #tpu.memory_space<vmem>>) dst(%dma_wait3A_217 : memref<10240x128xf32, #tpu.memory_space<vmem_shared>>)
        tpu.yield
      }) : () -> ()
      %add3A_126 = arith.constant 4 : i32
      %add3A_127 = arith.addi %mul3A_111, %add3A_126 : i32
      %lt3A_128 = arith.constant 125 : i32
      %lt3A_129 = arith.cmpi slt, %add3A_127, %lt3A_128 : i32
      %convert_element_type3A_130 = arith.extui %lt3A_129 : i1 to i32
      %cond3A_131 = arith.constant 0 : i32
      %cond3A_132 = arith.cmpi ne, %convert_element_type3A_130, %cond3A_131 : i32
      scf.if %cond3A_132 {
        %add3A_212 = arith.constant 4 : i32
        %add3A_213 = arith.addi %mul3A_111, %add3A_212 : i32
        %mul3A_214 = arith.constant 10000 : i32
        %mul3A_215 = arith.muli %add3A, %mul3A_214 : i32
        %mul3A_216 = arith.constant 80 : i32
        %mul3A_217 = arith.muli %add3A_213, %mul3A_216 : i32
        %add3A_218 = arith.addi %mul3A_215, %mul3A_217 : i32
        %dma_start3A_219 = tpu.memref_slice %arg3[%add3A_218] : memref<320000xi32, #tpu.memory_space<hbm>> -> memref<80xi32, #tpu.memory_space<hbm>>
        %dma_start3A_220 = tpu.memref_slice %arg3[%add3A_218] : memref<320000xi32, #tpu.memory_space<hbm>> -> memref<80xi32, #tpu.memory_space<hbm>>
        tpu.enqueue_dma source(%dma_start3A_220 : memref<80xi32, #tpu.memory_space<hbm>>) target(%arg7 : memref<80xi32, #tpu.memory_space<vmem>>) target_semaphore(%arg19 : memref<!tpu.dma_semaphore, #tpu.memory_space<semaphore_mem>>)
        %add3A_221 = arith.constant 4 : i32
        %add3A_222 = arith.addi %mul3A_111, %add3A_221 : i32
        %mul3A_223 = arith.constant 10000 : i32
        %mul3A_224 = arith.muli %add3A, %mul3A_223 : i32
        %mul3A_225 = arith.constant 80 : i32
        %mul3A_226 = arith.muli %add3A_222, %mul3A_225 : i32
        %add3A_227 = arith.addi %mul3A_224, %mul3A_226 : i32
        %dma_start3A_228 = tpu.memref_slice %arg4[%add3A_227] : memref<320000xi32, #tpu.memory_space<hbm>> -> memref<80xi32, #tpu.memory_space<hbm>>
        %dma_start3A_229 = tpu.memref_slice %arg4[%add3A_227] : memref<320000xi32, #tpu.memory_space<hbm>> -> memref<80xi32, #tpu.memory_space<hbm>>
        tpu.enqueue_dma source(%dma_start3A_229 : memref<80xi32, #tpu.memory_space<hbm>>) target(%arg11 : memref<80xi32, #tpu.memory_space<vmem>>) target_semaphore(%arg23 : memref<!tpu.dma_semaphore, #tpu.memory_space<semaphore_mem>>)
      } else {
      }
      %add3A_133 = arith.constant 1 : i32
      %add3A_134 = arith.addi %mul3A_111, %add3A_133 : i32
      %dma_wait3A_135 = arith.constant 0 : i32
      %dma_wait3A_136 = arith.constant 0 : i32
      %dma_wait3A_137 = tpu.memref_slice %arg2[%dma_wait3A_135, %dma_wait3A_136] : memref<10000x128xf32, #tpu.memory_space<hbm>> -> memref<10000x128xf32, #tpu.memory_space<hbm>>
      tpu.wait_indirect_dma semaphore(%arg28 : memref<!tpu.dma_semaphore, #tpu.memory_space<semaphore_mem>>) src(%dma_wait3A_137 : memref<10000x128xf32, #tpu.memory_space<hbm>>) dst(%arg16 : memref<80x128xf32, #tpu.memory_space<vmem>>)
      %add3A_138 = arith.constant 3 : i32
      %add3A_139 = arith.addi %add3A_134, %add3A_138 : i32
      %lt3A_140 = arith.constant 125 : i32
      %lt3A_141 = arith.cmpi slt, %add3A_139, %lt3A_140 : i32
      %convert_element_type3A_142 = arith.extui %lt3A_141 : i1 to i32
      %cond3A_143 = arith.constant 0 : i32
      %cond3A_144 = arith.cmpi ne, %convert_element_type3A_142, %cond3A_143 : i32
      scf.if %cond3A_144 {
        %add3A_212 = arith.constant 3 : i32
        %add3A_213 = arith.addi %add3A_134, %add3A_212 : i32
        %mul3A_214 = arith.constant 10000 : i32
        %mul3A_215 = arith.muli %add3A, %mul3A_214 : i32
        %mul3A_216 = arith.constant 80 : i32
        %mul3A_217 = arith.muli %add3A_213, %mul3A_216 : i32
        %add3A_218 = arith.addi %mul3A_215, %mul3A_217 : i32
        %dma_wait3A_219 = tpu.memref_slice %arg3[%add3A_218] : memref<320000xi32, #tpu.memory_space<hbm>> -> memref<80xi32, #tpu.memory_space<hbm>>
        %dma_wait3A_220 = tpu.memref_slice %arg3[%add3A_218] : memref<320000xi32, #tpu.memory_space<hbm>> -> memref<80xi32, #tpu.memory_space<hbm>>
        tpu.wait_dma2 semaphore(%arg19 : memref<!tpu.dma_semaphore, #tpu.memory_space<semaphore_mem>>) src(%dma_wait3A_220 : memref<80xi32, #tpu.memory_space<hbm>>) dst(%arg7 : memref<80xi32, #tpu.memory_space<vmem>>)
        %add3A_221 = arith.constant 3 : i32
        %add3A_222 = arith.addi %add3A_134, %add3A_221 : i32
        %dma_start3A_223 = arith.constant 0 : i32
        %dma_start3A_224 = arith.constant 0 : i32
        %dma_start3A_225 = tpu.memref_slice %arg2[%dma_start3A_223, %dma_start3A_224] : memref<10000x128xf32, #tpu.memory_space<hbm>> -> memref<10000x128xf32, #tpu.memory_space<hbm>>
        tpu.enqueue_indirect_dma source(%dma_start3A_225 : memref<10000x128xf32, #tpu.memory_space<hbm>>) target(%arg15 : memref<80x128xf32, #tpu.memory_space<vmem>>) offsets(%arg7 : memref<80xi32, #tpu.memory_space<vmem>>) semaphore(%arg27 : memref<!tpu.dma_semaphore, #tpu.memory_space<semaphore_mem>>)
      } else {
      }
      %mul3A_145 = arith.constant 10000 : i32
      %mul3A_146 = arith.muli %add3A, %mul3A_145 : i32
      %mul3A_147 = arith.constant 80 : i32
      %mul3A_148 = arith.muli %add3A_134, %mul3A_147 : i32
      %add3A_149 = arith.addi %mul3A_146, %mul3A_148 : i32
      %dma_wait3A_150 = tpu.memref_slice %arg4[%add3A_149] : memref<320000xi32, #tpu.memory_space<hbm>> -> memref<80xi32, #tpu.memory_space<hbm>>
      %dma_wait3A_151 = tpu.memref_slice %arg4[%add3A_149] : memref<320000xi32, #tpu.memory_space<hbm>> -> memref<80xi32, #tpu.memory_space<hbm>>
      tpu.wait_dma2 semaphore(%arg24 : memref<!tpu.dma_semaphore, #tpu.memory_space<semaphore_mem>>) src(%dma_wait3A_151 : memref<80xi32, #tpu.memory_space<hbm>>) dst(%arg12 : memref<80xi32, #tpu.memory_space<vmem>>)
      "tpu.region"() ({
        %run_scoped3A = tpu.sem_alloc : memref<!tpu.dma_semaphore, #tpu.memory_space<semaphore_mem>>
        %dma_start3A_212 = arith.constant 0 : i32
        %dma_start3A_213 = arith.constant 0 : i32
        %dma_start3A_214 = tpu.memref_slice %arg6[%dma_start3A_212, %dma_start3A_213] : memref<10240x128xf32, #tpu.memory_space<vmem_shared>> -> memref<10240x128xf32, #tpu.memory_space<vmem_shared>>
        tpu.enqueue_indirect_dma source(%arg16 : memref<80x128xf32, #tpu.memory_space<vmem>>) target(%dma_start3A_214 : memref<10240x128xf32, #tpu.memory_space<vmem_shared>>) offsets(%arg12 : memref<80xi32, #tpu.memory_space<vmem>>) semaphore(%run_scoped3A : memref<!tpu.dma_semaphore, #tpu.memory_space<semaphore_mem>>) {add = true}
        %dma_wait3A_215 = arith.constant 0 : i32
        %dma_wait3A_216 = arith.constant 0 : i32
        %dma_wait3A_217 = tpu.memref_slice %arg6[%dma_wait3A_215, %dma_wait3A_216] : memref<10240x128xf32, #tpu.memory_space<vmem_shared>> -> memref<10240x128xf32, #tpu.memory_space<vmem_shared>>
        tpu.wait_indirect_dma semaphore(%run_scoped3A : memref<!tpu.dma_semaphore, #tpu.memory_space<semaphore_mem>>) src(%arg16 : memref<80x128xf32, #tpu.memory_space<vmem>>) dst(%dma_wait3A_217 : memref<10240x128xf32, #tpu.memory_space<vmem_shared>>)
        tpu.yield
      }) : () -> ()
      %add3A_152 = arith.constant 4 : i32
      %add3A_153 = arith.addi %add3A_134, %add3A_152 : i32
      %lt3A_154 = arith.constant 125 : i32
      %lt3A_155 = arith.cmpi slt, %add3A_153, %lt3A_154 : i32
      %convert_element_type3A_156 = arith.extui %lt3A_155 : i1 to i32
      %cond3A_157 = arith.constant 0 : i32
      %cond3A_158 = arith.cmpi ne, %convert_element_type3A_156, %cond3A_157 : i32
      scf.if %cond3A_158 {
        %add3A_212 = arith.constant 4 : i32
        %add3A_213 = arith.addi %add3A_134, %add3A_212 : i32
        %mul3A_214 = arith.constant 10000 : i32
        %mul3A_215 = arith.muli %add3A, %mul3A_214 : i32
        %mul3A_216 = arith.constant 80 : i32
        %mul3A_217 = arith.muli %add3A_213, %mul3A_216 : i32
        %add3A_218 = arith.addi %mul3A_215, %mul3A_217 : i32
        %dma_start3A_219 = tpu.memref_slice %arg3[%add3A_218] : memref<320000xi32, #tpu.memory_space<hbm>> -> memref<80xi32, #tpu.memory_space<hbm>>
        %dma_start3A_220 = tpu.memref_slice %arg3[%add3A_218] : memref<320000xi32, #tpu.memory_space<hbm>> -> memref<80xi32, #tpu.memory_space<hbm>>
        tpu.enqueue_dma source(%dma_start3A_220 : memref<80xi32, #tpu.memory_space<hbm>>) target(%arg8 : memref<80xi32, #tpu.memory_space<vmem>>) target_semaphore(%arg20 : memref<!tpu.dma_semaphore, #tpu.memory_space<semaphore_mem>>)
        %add3A_221 = arith.constant 4 : i32
        %add3A_222 = arith.addi %add3A_134, %add3A_221 : i32
        %mul3A_223 = arith.constant 10000 : i32
        %mul3A_224 = arith.muli %add3A, %mul3A_223 : i32
        %mul3A_225 = arith.constant 80 : i32
        %mul3A_226 = arith.muli %add3A_222, %mul3A_225 : i32
        %add3A_227 = arith.addi %mul3A_224, %mul3A_226 : i32
        %dma_start3A_228 = tpu.memref_slice %arg4[%add3A_227] : memref<320000xi32, #tpu.memory_space<hbm>> -> memref<80xi32, #tpu.memory_space<hbm>>
        %dma_start3A_229 = tpu.memref_slice %arg4[%add3A_227] : memref<320000xi32, #tpu.memory_space<hbm>> -> memref<80xi32, #tpu.memory_space<hbm>>
        tpu.enqueue_dma source(%dma_start3A_229 : memref<80xi32, #tpu.memory_space<hbm>>) target(%arg12 : memref<80xi32, #tpu.memory_space<vmem>>) target_semaphore(%arg24 : memref<!tpu.dma_semaphore, #tpu.memory_space<semaphore_mem>>)
      } else {
      }
      %add3A_159 = arith.constant 2 : i32
      %add3A_160 = arith.addi %mul3A_111, %add3A_159 : i32
      %dma_wait3A_161 = arith.constant 0 : i32
      %dma_wait3A_162 = arith.constant 0 : i32
      %dma_wait3A_163 = tpu.memref_slice %arg2[%dma_wait3A_161, %dma_wait3A_162] : memref<10000x128xf32, #tpu.memory_space<hbm>> -> memref<10000x128xf32, #tpu.memory_space<hbm>>
      tpu.wait_indirect_dma semaphore(%arg29 : memref<!tpu.dma_semaphore, #tpu.memory_space<semaphore_mem>>) src(%dma_wait3A_163 : memref<10000x128xf32, #tpu.memory_space<hbm>>) dst(%arg17 : memref<80x128xf32, #tpu.memory_space<vmem>>)
      %add3A_164 = arith.constant 3 : i32
      %add3A_165 = arith.addi %add3A_160, %add3A_164 : i32
      %lt3A_166 = arith.constant 125 : i32
      %lt3A_167 = arith.cmpi slt, %add3A_165, %lt3A_166 : i32
      %convert_element_type3A_168 = arith.extui %lt3A_167 : i1 to i32
      %cond3A_169 = arith.constant 0 : i32
      %cond3A_170 = arith.cmpi ne, %convert_element_type3A_168, %cond3A_169 : i32
      scf.if %cond3A_170 {
        %add3A_212 = arith.constant 3 : i32
        %add3A_213 = arith.addi %add3A_160, %add3A_212 : i32
        %mul3A_214 = arith.constant 10000 : i32
        %mul3A_215 = arith.muli %add3A, %mul3A_214 : i32
        %mul3A_216 = arith.constant 80 : i32
        %mul3A_217 = arith.muli %add3A_213, %mul3A_216 : i32
        %add3A_218 = arith.addi %mul3A_215, %mul3A_217 : i32
        %dma_wait3A_219 = tpu.memref_slice %arg3[%add3A_218] : memref<320000xi32, #tpu.memory_space<hbm>> -> memref<80xi32, #tpu.memory_space<hbm>>
        %dma_wait3A_220 = tpu.memref_slice %arg3[%add3A_218] : memref<320000xi32, #tpu.memory_space<hbm>> -> memref<80xi32, #tpu.memory_space<hbm>>
        tpu.wait_dma2 semaphore(%arg20 : memref<!tpu.dma_semaphore, #tpu.memory_space<semaphore_mem>>) src(%dma_wait3A_220 : memref<80xi32, #tpu.memory_space<hbm>>) dst(%arg8 : memref<80xi32, #tpu.memory_space<vmem>>)
        %add3A_221 = arith.constant 3 : i32
        %add3A_222 = arith.addi %add3A_160, %add3A_221 : i32
        %dma_start3A_223 = arith.constant 0 : i32
        %dma_start3A_224 = arith.constant 0 : i32
        %dma_start3A_225 = tpu.memref_slice %arg2[%dma_start3A_223, %dma_start3A_224] : memref<10000x128xf32, #tpu.memory_space<hbm>> -> memref<10000x128xf32, #tpu.memory_space<hbm>>
        tpu.enqueue_indirect_dma source(%dma_start3A_225 : memref<10000x128xf32, #tpu.memory_space<hbm>>) target(%arg16 : memref<80x128xf32, #tpu.memory_space<vmem>>) offsets(%arg8 : memref<80xi32, #tpu.memory_space<vmem>>) semaphore(%arg28 : memref<!tpu.dma_semaphore, #tpu.memory_space<semaphore_mem>>)
      } else {
      }
      %mul3A_171 = arith.constant 10000 : i32
      %mul3A_172 = arith.muli %add3A, %mul3A_171 : i32
      %mul3A_173 = arith.constant 80 : i32
      %mul3A_174 = arith.muli %add3A_160, %mul3A_173 : i32
      %add3A_175 = arith.addi %mul3A_172, %mul3A_174 : i32
      %dma_wait3A_176 = tpu.memref_slice %arg4[%add3A_175] : memref<320000xi32, #tpu.memory_space<hbm>> -> memref<80xi32, #tpu.memory_space<hbm>>
      %dma_wait3A_177 = tpu.memref_slice %arg4[%add3A_175] : memref<320000xi32, #tpu.memory_space<hbm>> -> memref<80xi32, #tpu.memory_space<hbm>>
      tpu.wait_dma2 semaphore(%arg25 : memref<!tpu.dma_semaphore, #tpu.memory_space<semaphore_mem>>) src(%dma_wait3A_177 : memref<80xi32, #tpu.memory_space<hbm>>) dst(%arg13 : memref<80xi32, #tpu.memory_space<vmem>>)
      "tpu.region"() ({
        %run_scoped3A = tpu.sem_alloc : memref<!tpu.dma_semaphore, #tpu.memory_space<semaphore_mem>>
        %dma_start3A_212 = arith.constant 0 : i32
        %dma_start3A_213 = arith.constant 0 : i32
        %dma_start3A_214 = tpu.memref_slice %arg6[%dma_start3A_212, %dma_start3A_213] : memref<10240x128xf32, #tpu.memory_space<vmem_shared>> -> memref<10240x128xf32, #tpu.memory_space<vmem_shared>>
        tpu.enqueue_indirect_dma source(%arg17 : memref<80x128xf32, #tpu.memory_space<vmem>>) target(%dma_start3A_214 : memref<10240x128xf32, #tpu.memory_space<vmem_shared>>) offsets(%arg13 : memref<80xi32, #tpu.memory_space<vmem>>) semaphore(%run_scoped3A : memref<!tpu.dma_semaphore, #tpu.memory_space<semaphore_mem>>) {add = true}
        %dma_wait3A_215 = arith.constant 0 : i32
        %dma_wait3A_216 = arith.constant 0 : i32
        %dma_wait3A_217 = tpu.memref_slice %arg6[%dma_wait3A_215, %dma_wait3A_216] : memref<10240x128xf32, #tpu.memory_space<vmem_shared>> -> memref<10240x128xf32, #tpu.memory_space<vmem_shared>>
        tpu.wait_indirect_dma semaphore(%run_scoped3A : memref<!tpu.dma_semaphore, #tpu.memory_space<semaphore_mem>>) src(%arg17 : memref<80x128xf32, #tpu.memory_space<vmem>>) dst(%dma_wait3A_217 : memref<10240x128xf32, #tpu.memory_space<vmem_shared>>)
        tpu.yield
      }) : () -> ()
      %add3A_178 = arith.constant 4 : i32
      %add3A_179 = arith.addi %add3A_160, %add3A_178 : i32
      %lt3A_180 = arith.constant 125 : i32
      %lt3A_181 = arith.cmpi slt, %add3A_179, %lt3A_180 : i32
      %convert_element_type3A_182 = arith.extui %lt3A_181 : i1 to i32
      %cond3A_183 = arith.constant 0 : i32
      %cond3A_184 = arith.cmpi ne, %convert_element_type3A_182, %cond3A_183 : i32
      scf.if %cond3A_184 {
        %add3A_212 = arith.constant 4 : i32
        %add3A_213 = arith.addi %add3A_160, %add3A_212 : i32
        %mul3A_214 = arith.constant 10000 : i32
        %mul3A_215 = arith.muli %add3A, %mul3A_214 : i32
        %mul3A_216 = arith.constant 80 : i32
        %mul3A_217 = arith.muli %add3A_213, %mul3A_216 : i32
        %add3A_218 = arith.addi %mul3A_215, %mul3A_217 : i32
        %dma_start3A_219 = tpu.memref_slice %arg3[%add3A_218] : memref<320000xi32, #tpu.memory_space<hbm>> -> memref<80xi32, #tpu.memory_space<hbm>>
        %dma_start3A_220 = tpu.memref_slice %arg3[%add3A_218] : memref<320000xi32, #tpu.memory_space<hbm>> -> memref<80xi32, #tpu.memory_space<hbm>>
        tpu.enqueue_dma source(%dma_start3A_220 : memref<80xi32, #tpu.memory_space<hbm>>) target(%arg9 : memref<80xi32, #tpu.memory_space<vmem>>) target_semaphore(%arg21 : memref<!tpu.dma_semaphore, #tpu.memory_space<semaphore_mem>>)
        %add3A_221 = arith.constant 4 : i32
        %add3A_222 = arith.addi %add3A_160, %add3A_221 : i32
        %mul3A_223 = arith.constant 10000 : i32
        %mul3A_224 = arith.muli %add3A, %mul3A_223 : i32
        %mul3A_225 = arith.constant 80 : i32
        %mul3A_226 = arith.muli %add3A_222, %mul3A_225 : i32
        %add3A_227 = arith.addi %mul3A_224, %mul3A_226 : i32
        %dma_start3A_228 = tpu.memref_slice %arg4[%add3A_227] : memref<320000xi32, #tpu.memory_space<hbm>> -> memref<80xi32, #tpu.memory_space<hbm>>
        %dma_start3A_229 = tpu.memref_slice %arg4[%add3A_227] : memref<320000xi32, #tpu.memory_space<hbm>> -> memref<80xi32, #tpu.memory_space<hbm>>
        tpu.enqueue_dma source(%dma_start3A_229 : memref<80xi32, #tpu.memory_space<hbm>>) target(%arg13 : memref<80xi32, #tpu.memory_space<vmem>>) target_semaphore(%arg25 : memref<!tpu.dma_semaphore, #tpu.memory_space<semaphore_mem>>)
      } else {
      }
      %add3A_185 = arith.constant 3 : i32
      %add3A_186 = arith.addi %mul3A_111, %add3A_185 : i32
      %dma_wait3A_187 = arith.constant 0 : i32
      %dma_wait3A_188 = arith.constant 0 : i32
      %dma_wait3A_189 = tpu.memref_slice %arg2[%dma_wait3A_187, %dma_wait3A_188] : memref<10000x128xf32, #tpu.memory_space<hbm>> -> memref<10000x128xf32, #tpu.memory_space<hbm>>
      tpu.wait_indirect_dma semaphore(%arg30 : memref<!tpu.dma_semaphore, #tpu.memory_space<semaphore_mem>>) src(%dma_wait3A_189 : memref<10000x128xf32, #tpu.memory_space<hbm>>) dst(%arg18 : memref<80x128xf32, #tpu.memory_space<vmem>>)
      %add3A_190 = arith.constant 3 : i32
      %add3A_191 = arith.addi %add3A_186, %add3A_190 : i32
      %lt3A_192 = arith.constant 125 : i32
      %lt3A_193 = arith.cmpi slt, %add3A_191, %lt3A_192 : i32
      %convert_element_type3A_194 = arith.extui %lt3A_193 : i1 to i32
      %cond3A_195 = arith.constant 0 : i32
      %cond3A_196 = arith.cmpi ne, %convert_element_type3A_194, %cond3A_195 : i32
      scf.if %cond3A_196 {
        %add3A_212 = arith.constant 3 : i32
        %add3A_213 = arith.addi %add3A_186, %add3A_212 : i32
        %mul3A_214 = arith.constant 10000 : i32
        %mul3A_215 = arith.muli %add3A, %mul3A_214 : i32
        %mul3A_216 = arith.constant 80 : i32
        %mul3A_217 = arith.muli %add3A_213, %mul3A_216 : i32
        %add3A_218 = arith.addi %mul3A_215, %mul3A_217 : i32
        %dma_wait3A_219 = tpu.memref_slice %arg3[%add3A_218] : memref<320000xi32, #tpu.memory_space<hbm>> -> memref<80xi32, #tpu.memory_space<hbm>>
        %dma_wait3A_220 = tpu.memref_slice %arg3[%add3A_218] : memref<320000xi32, #tpu.memory_space<hbm>> -> memref<80xi32, #tpu.memory_space<hbm>>
        tpu.wait_dma2 semaphore(%arg21 : memref<!tpu.dma_semaphore, #tpu.memory_space<semaphore_mem>>) src(%dma_wait3A_220 : memref<80xi32, #tpu.memory_space<hbm>>) dst(%arg9 : memref<80xi32, #tpu.memory_space<vmem>>)
        %add3A_221 = arith.constant 3 : i32
        %add3A_222 = arith.addi %add3A_186, %add3A_221 : i32
        %dma_start3A_223 = arith.constant 0 : i32
        %dma_start3A_224 = arith.constant 0 : i32
        %dma_start3A_225 = tpu.memref_slice %arg2[%dma_start3A_223, %dma_start3A_224] : memref<10000x128xf32, #tpu.memory_space<hbm>> -> memref<10000x128xf32, #tpu.memory_space<hbm>>
        tpu.enqueue_indirect_dma source(%dma_start3A_225 : memref<10000x128xf32, #tpu.memory_space<hbm>>) target(%arg17 : memref<80x128xf32, #tpu.memory_space<vmem>>) offsets(%arg9 : memref<80xi32, #tpu.memory_space<vmem>>) semaphore(%arg29 : memref<!tpu.dma_semaphore, #tpu.memory_space<semaphore_mem>>)
      } else {
      }
      %mul3A_197 = arith.constant 10000 : i32
      %mul3A_198 = arith.muli %add3A, %mul3A_197 : i32
      %mul3A_199 = arith.constant 80 : i32
      %mul3A_200 = arith.muli %add3A_186, %mul3A_199 : i32
      %add3A_201 = arith.addi %mul3A_198, %mul3A_200 : i32
      %dma_wait3A_202 = tpu.memref_slice %arg4[%add3A_201] : memref<320000xi32, #tpu.memory_space<hbm>> -> memref<80xi32, #tpu.memory_space<hbm>>
      %dma_wait3A_203 = tpu.memref_slice %arg4[%add3A_201] : memref<320000xi32, #tpu.memory_space<hbm>> -> memref<80xi32, #tpu.memory_space<hbm>>
      tpu.wait_dma2 semaphore(%arg26 : memref<!tpu.dma_semaphore, #tpu.memory_space<semaphore_mem>>) src(%dma_wait3A_203 : memref<80xi32, #tpu.memory_space<hbm>>) dst(%arg14 : memref<80xi32, #tpu.memory_space<vmem>>)
      "tpu.region"() ({
        %run_scoped3A = tpu.sem_alloc : memref<!tpu.dma_semaphore, #tpu.memory_space<semaphore_mem>>
        %dma_start3A_212 = arith.constant 0 : i32
        %dma_start3A_213 = arith.constant 0 : i32
        %dma_start3A_214 = tpu.memref_slice %arg6[%dma_start3A_212, %dma_start3A_213] : memref<10240x128xf32, #tpu.memory_space<vmem_shared>> -> memref<10240x128xf32, #tpu.memory_space<vmem_shared>>
        tpu.enqueue_indirect_dma source(%arg18 : memref<80x128xf32, #tpu.memory_space<vmem>>) target(%dma_start3A_214 : memref<10240x128xf32, #tpu.memory_space<vmem_shared>>) offsets(%arg14 : memref<80xi32, #tpu.memory_space<vmem>>) semaphore(%run_scoped3A : memref<!tpu.dma_semaphore, #tpu.memory_space<semaphore_mem>>) {add = true}
        %dma_wait3A_215 = arith.constant 0 : i32
        %dma_wait3A_216 = arith.constant 0 : i32
        %dma_wait3A_217 = tpu.memref_slice %arg6[%dma_wait3A_215, %dma_wait3A_216] : memref<10240x128xf32, #tpu.memory_space<vmem_shared>> -> memref<10240x128xf32, #tpu.memory_space<vmem_shared>>
        tpu.wait_indirect_dma semaphore(%run_scoped3A : memref<!tpu.dma_semaphore, #tpu.memory_space<semaphore_mem>>) src(%arg18 : memref<80x128xf32, #tpu.memory_space<vmem>>) dst(%dma_wait3A_217 : memref<10240x128xf32, #tpu.memory_space<vmem_shared>>)
        tpu.yield
      }) : () -> ()
      %add3A_204 = arith.constant 4 : i32
      %add3A_205 = arith.addi %add3A_186, %add3A_204 : i32
      %lt3A_206 = arith.constant 125 : i32
      %lt3A_207 = arith.cmpi slt, %add3A_205, %lt3A_206 : i32
      %convert_element_type3A_208 = arith.extui %lt3A_207 : i1 to i32
      %cond3A_209 = arith.constant 0 : i32
      %cond3A_210 = arith.cmpi ne, %convert_element_type3A_208, %cond3A_209 : i32
      scf.if %cond3A_210 {
        %add3A_212 = arith.constant 4 : i32
        %add3A_213 = arith.addi %add3A_186, %add3A_212 : i32
        %mul3A_214 = arith.constant 10000 : i32
        %mul3A_215 = arith.muli %add3A, %mul3A_214 : i32
        %mul3A_216 = arith.constant 80 : i32
        %mul3A_217 = arith.muli %add3A_213, %mul3A_216 : i32
        %add3A_218 = arith.addi %mul3A_215, %mul3A_217 : i32
        %dma_start3A_219 = tpu.memref_slice %arg3[%add3A_218] : memref<320000xi32, #tpu.memory_space<hbm>> -> memref<80xi32, #tpu.memory_space<hbm>>
        %dma_start3A_220 = tpu.memref_slice %arg3[%add3A_218] : memref<320000xi32, #tpu.memory_space<hbm>> -> memref<80xi32, #tpu.memory_space<hbm>>
        tpu.enqueue_dma source(%dma_start3A_220 : memref<80xi32, #tpu.memory_space<hbm>>) target(%arg10 : memref<80xi32, #tpu.memory_space<vmem>>) target_semaphore(%arg22 : memref<!tpu.dma_semaphore, #tpu.memory_space<semaphore_mem>>)
        %add3A_221 = arith.constant 4 : i32
        %add3A_222 = arith.addi %add3A_186, %add3A_221 : i32
        %mul3A_223 = arith.constant 10000 : i32
        %mul3A_224 = arith.muli %add3A, %mul3A_223 : i32
        %mul3A_225 = arith.constant 80 : i32
        %mul3A_226 = arith.muli %add3A_222, %mul3A_225 : i32
        %add3A_227 = arith.addi %mul3A_224, %mul3A_226 : i32
        %dma_start3A_228 = tpu.memref_slice %arg4[%add3A_227] : memref<320000xi32, #tpu.memory_space<hbm>> -> memref<80xi32, #tpu.memory_space<hbm>>
        %dma_start3A_229 = tpu.memref_slice %arg4[%add3A_227] : memref<320000xi32, #tpu.memory_space<hbm>> -> memref<80xi32, #tpu.memory_space<hbm>>
        tpu.enqueue_dma source(%dma_start3A_229 : memref<80xi32, #tpu.memory_space<hbm>>) target(%arg14 : memref<80xi32, #tpu.memory_space<vmem>>) target_semaphore(%arg26 : memref<!tpu.dma_semaphore, #tpu.memory_space<semaphore_mem>>)
      } else {
      }
      %scan3A_211 = arith.constant 0 : i32
      scf.yield %scan3A_211 : i32
    }
    %scan3A_93 = arith.constant 31 : i32
    %dma_wait3A_94 = arith.constant 0 : i32
    %dma_wait3A_95 = arith.constant 0 : i32
    %dma_wait3A_96 = tpu.memref_slice %arg2[%dma_wait3A_94, %dma_wait3A_95] : memref<10000x128xf32, #tpu.memory_space<hbm>> -> memref<10000x128xf32, #tpu.memory_space<hbm>>
    tpu.wait_indirect_dma semaphore(%arg27 : memref<!tpu.dma_semaphore, #tpu.memory_space<semaphore_mem>>) src(%dma_wait3A_96 : memref<10000x128xf32, #tpu.memory_space<hbm>>) dst(%arg15 : memref<80x128xf32, #tpu.memory_space<vmem>>)
    %mul3A_97 = arith.constant 10000 : i32
    %mul3A_98 = arith.muli %add3A, %mul3A_97 : i32
    %add3A_99 = arith.constant 9920 : i32
    %add3A_100 = arith.addi %mul3A_98, %add3A_99 : i32
    %dma_wait3A_101 = tpu.memref_slice %arg4[%add3A_100] : memref<320000xi32, #tpu.memory_space<hbm>> -> memref<80xi32, #tpu.memory_space<hbm>>
    %dma_wait3A_102 = tpu.memref_slice %arg4[%add3A_100] : memref<320000xi32, #tpu.memory_space<hbm>> -> memref<80xi32, #tpu.memory_space<hbm>>
    tpu.wait_dma2 semaphore(%arg23 : memref<!tpu.dma_semaphore, #tpu.memory_space<semaphore_mem>>) src(%dma_wait3A_102 : memref<80xi32, #tpu.memory_space<hbm>>) dst(%arg11 : memref<80xi32, #tpu.memory_space<vmem>>)
    "tpu.region"() ({
      %run_scoped3A = tpu.sem_alloc : memref<!tpu.dma_semaphore, #tpu.memory_space<semaphore_mem>>
      %dma_start3A_108 = arith.constant 0 : i32
      %dma_start3A_109 = arith.constant 0 : i32
      %dma_start3A_110 = tpu.memref_slice %arg6[%dma_start3A_108, %dma_start3A_109] : memref<10240x128xf32, #tpu.memory_space<vmem_shared>> -> memref<10240x128xf32, #tpu.memory_space<vmem_shared>>
      tpu.enqueue_indirect_dma source(%arg15 : memref<80x128xf32, #tpu.memory_space<vmem>>) target(%dma_start3A_110 : memref<10240x128xf32, #tpu.memory_space<vmem_shared>>) offsets(%arg11 : memref<80xi32, #tpu.memory_space<vmem>>) semaphore(%run_scoped3A : memref<!tpu.dma_semaphore, #tpu.memory_space<semaphore_mem>>) {add = true}
      %dma_wait3A_111 = arith.constant 0 : i32
      %dma_wait3A_112 = arith.constant 0 : i32
      %dma_wait3A_113 = tpu.memref_slice %arg6[%dma_wait3A_111, %dma_wait3A_112] : memref<10240x128xf32, #tpu.memory_space<vmem_shared>> -> memref<10240x128xf32, #tpu.memory_space<vmem_shared>>
      tpu.wait_indirect_dma semaphore(%run_scoped3A : memref<!tpu.dma_semaphore, #tpu.memory_space<semaphore_mem>>) src(%arg15 : memref<80x128xf32, #tpu.memory_space<vmem>>) dst(%dma_wait3A_113 : memref<10240x128xf32, #tpu.memory_space<vmem_shared>>)
      tpu.yield
    }) : () -> ()
    %barrier3A_103 = arith.constant 0 : index
    tpu.barrier barrier_id(%barrier3A_103)
    %mul3A_104 = arith.constant 640 : i32
    %mul3A_105 = arith.muli %arg1, %mul3A_104 : i32
    %mul3A_106 = arith.constant 640 : i32
    %mul3A_107 = arith.muli %arg1, %mul3A_106 : i32
    "tpu.region"() ({
      %run_scoped3A = tpu.sem_alloc : memref<!tpu.dma_semaphore, #tpu.memory_space<semaphore_mem>>
      %dma_start3A_108 = arith.constant 0 : i32
      %dma_start3A_109 = tpu.memref_slice %arg5[%arg0, %mul3A_107, %dma_start3A_108] : memref<2x10240x128xf32, #tpu.memory_space<hbm>> -> memref<1x640x128xf32, #tpu.memory_space<hbm>>
      %dma_start3A_110 = tpu.memref_squeeze %dma_start3A_109 : memref<1x640x128xf32, #tpu.memory_space<hbm>> -> memref<640x128xf32, #tpu.memory_space<hbm>>
      %dma_start3A_111 = arith.constant 0 : i32
      %dma_start3A_112 = tpu.memref_slice %arg6[%mul3A_105, %dma_start3A_111] : memref<10240x128xf32, #tpu.memory_space<vmem_shared>> -> memref<640x128xf32, #tpu.memory_space<vmem_shared>>
      tpu.enqueue_dma source(%dma_start3A_112 : memref<640x128xf32, #tpu.memory_space<vmem_shared>>) target(%dma_start3A_110 : memref<640x128xf32, #tpu.memory_space<hbm>>) target_semaphore(%run_scoped3A : memref<!tpu.dma_semaphore, #tpu.memory_space<semaphore_mem>>)
      %dma_wait3A_113 = arith.constant 0 : i32
      %dma_wait3A_114 = tpu.memref_slice %arg5[%arg0, %mul3A_107, %dma_wait3A_113] : memref<2x10240x128xf32, #tpu.memory_space<hbm>> -> memref<1x640x128xf32, #tpu.memory_space<hbm>>
      %dma_wait3A_115 = tpu.memref_squeeze %dma_wait3A_114 : memref<1x640x128xf32, #tpu.memory_space<hbm>> -> memref<640x128xf32, #tpu.memory_space<hbm>>
      %dma_wait3A_116 = arith.constant 0 : i32
      %dma_wait3A_117 = tpu.memref_slice %arg6[%mul3A_105, %dma_wait3A_116] : memref<10240x128xf32, #tpu.memory_space<vmem_shared>> -> memref<640x128xf32, #tpu.memory_space<vmem_shared>>
      tpu.wait_dma2 semaphore(%run_scoped3A : memref<!tpu.dma_semaphore, #tpu.memory_space<semaphore_mem>>) src(%dma_wait3A_117 : memref<640x128xf32, #tpu.memory_space<vmem_shared>>) dst(%dma_wait3A_115 : memref<640x128xf32, #tpu.memory_space<hbm>>)
      tpu.yield
    }) : () -> ()
    return
  }
}

#map = affine_map<(d0, d1) -> (0, 0)>
#map1 = affine_map<(d0, d1) -> (0)>
#map2 = affine_map<(d0, d1) -> (0, 0, 0)>
module attributes {stable_mosaic.version = 14 : i64} {
  func.func @_sc_msg(%arg0: i32, %arg1: i32, %arg2: memref<10000x128xf32, #tpu.memory_space<hbm>>, %arg3: memref<320000xi32, #tpu.memory_space<hbm>>, %arg4: memref<320000xi32, #tpu.memory_space<hbm>>, %arg5: memref<2x10240x128xf32, #tpu.memory_space<hbm>>, %arg6: memref<10240x128xf32, #tpu.memory_space<vmem_shared>>, %arg7: memref<80xi32, #tpu.memory_space<vmem>>, %arg8: memref<80xi32, #tpu.memory_space<vmem>>, %arg9: memref<80xi32, #tpu.memory_space<vmem>>, %arg10: memref<80xi32, #tpu.memory_space<vmem>>, %arg11: memref<80xi32, #tpu.memory_space<vmem>>, %arg12: memref<80xi32, #tpu.memory_space<vmem>>, %arg13: memref<80xi32, #tpu.memory_space<vmem>>, %arg14: memref<80xi32, #tpu.memory_space<vmem>>, %arg15: memref<80x128xf32, #tpu.memory_space<vmem>>, %arg16: memref<80x128xf32, #tpu.memory_space<vmem>>, %arg17: memref<80x128xf32, #tpu.memory_space<vmem>>, %arg18: memref<80x128xf32, #tpu.memory_space<vmem>>, %arg19: memref<!tpu.dma_semaphore, #tpu.memory_space<semaphore_mem>>, %arg20: memref<!tpu.dma_semaphore, #tpu.memory_space<semaphore_mem>>, %arg21: memref<!tpu.dma_semaphore, #tpu.memory_space<semaphore_mem>>, %arg22: memref<!tpu.dma_semaphore, #tpu.memory_space<semaphore_mem>>, %arg23: memref<!tpu.dma_semaphore, #tpu.memory_space<semaphore_mem>>, %arg24: memref<!tpu.dma_semaphore, #tpu.memory_space<semaphore_mem>>, %arg25: memref<!tpu.dma_semaphore, #tpu.memory_space<semaphore_mem>>, %arg26: memref<!tpu.dma_semaphore, #tpu.memory_space<semaphore_mem>>, %arg27: memref<!tpu.dma_semaphore, #tpu.memory_space<semaphore_mem>>, %arg28: memref<!tpu.dma_semaphore, #tpu.memory_space<semaphore_mem>>, %arg29: memref<!tpu.dma_semaphore, #tpu.memory_space<semaphore_mem>>, %arg30: memref<!tpu.dma_semaphore, #tpu.memory_space<semaphore_mem>>) attributes {dimension_semantics = [#tpu.dimension_semantics<core_parallel>, #tpu.dimension_semantics<subcore_parallel>], iteration_bounds = array<i64: 2, 16>, scalar_prefetch = 0 : i64, scratch_operands = 25 : i64, tpu.core_type = #tpu.core_type<sc_vector_subcore>, window_params = [{transform_indices = #map}, {transform_indices = #map1}, {transform_indices = #map1}, {transform_indices = #map2}]} {
    %mul3A = arith.constant 16 : i32
    %mul3A_0 = arith.muli %arg0, %mul3A : i32
    %add3A = arith.addi %mul3A_0, %arg1 : i32
    %scan3A = arith.constant 0 : i32
    %scan3A_1 = arith.constant 0 : i32
    %scan3A_2 = arith.constant 80 : i32
    %scan3A_3 = arith.addi %scan3A_1, %scan3A_2 : i32
    %scan3A_4 = arith.constant 1 : i32
    %scan3A_5 = scf.for %scan3A_108 = %scan3A_1 to %scan3A_3 step %scan3A_4 iter_args(%scan3A_109 = %scan3A) -> (i32)  : i32 {
      %broadcast_in_dim3A = arith.constant 0.000000e+00 : f32
      %broadcast_in_dim3A_110 = vector.broadcast %broadcast_in_dim3A : f32 to vector<16xf32>
      %swap3A = arith.index_cast %scan3A_108 : i32 to index
      %swap3A_111 = arith.constant 0 : index
      %swap3A_112 = tpu.vector_load %arg15[%swap3A, %swap3A_111] {strides = array<i32>} : memref<80x128xf32, #tpu.memory_space<vmem>>, vector<1x16xf32>,
      %swap3A_113 = vector.shape_cast %swap3A_112 : vector<1x16xf32> to vector<16xf32>
      %swap3A_114 = vector.shape_cast %broadcast_in_dim3A_110 : vector<16xf32> to vector<1x16xf32>
      tpu.vector_store %arg15[%swap3A, %swap3A_111], %swap3A_114 {strides = array<i32>} : memref<80x128xf32, #tpu.memory_space<vmem>>, vector<1x16xf32>,
      %broadcast_in_dim3A_115 = arith.constant 0.000000e+00 : f32
      %broadcast_in_dim3A_116 = vector.broadcast %broadcast_in_dim3A_115 : f32 to vector<16xf32>
      %swap3A_117 = arith.index_cast %scan3A_108 : i32 to index
      %swap3A_118 = arith.constant 16 : index
      %swap3A_119 = tpu.vector_load %arg15[%swap3A_117, %swap3A_118] {strides = array<i32>} : memref<80x128xf32, #tpu.memory_space<vmem>>, vector<1x16xf32>,
      %swap3A_120 = vector.shape_cast %swap3A_119 : vector<1x16xf32> to vector<16xf32>
      %swap3A_121 = vector.shape_cast %broadcast_in_dim3A_116 : vector<16xf32> to vector<1x16xf32>
      tpu.vector_store %arg15[%swap3A_117, %swap3A_118], %swap3A_121 {strides = array<i32>} : memref<80x128xf32, #tpu.memory_space<vmem>>, vector<1x16xf32>,
      %broadcast_in_dim3A_122 = arith.constant 0.000000e+00 : f32
      %broadcast_in_dim3A_123 = vector.broadcast %broadcast_in_dim3A_122 : f32 to vector<16xf32>
      %swap3A_124 = arith.index_cast %scan3A_108 : i32 to index
      %swap3A_125 = arith.constant 32 : index
      %swap3A_126 = tpu.vector_load %arg15[%swap3A_124, %swap3A_125] {strides = array<i32>} : memref<80x128xf32, #tpu.memory_space<vmem>>, vector<1x16xf32>,
      %swap3A_127 = vector.shape_cast %swap3A_126 : vector<1x16xf32> to vector<16xf32>
      %swap3A_128 = vector.shape_cast %broadcast_in_dim3A_123 : vector<16xf32> to vector<1x16xf32>
      tpu.vector_store %arg15[%swap3A_124, %swap3A_125], %swap3A_128 {strides = array<i32>} : memref<80x128xf32, #tpu.memory_space<vmem>>, vector<1x16xf32>,
      %broadcast_in_dim3A_129 = arith.constant 0.000000e+00 : f32
      %broadcast_in_dim3A_130 = vector.broadcast %broadcast_in_dim3A_129 : f32 to vector<16xf32>
      %swap3A_131 = arith.index_cast %scan3A_108 : i32 to index
      %swap3A_132 = arith.constant 48 : index
      %swap3A_133 = tpu.vector_load %arg15[%swap3A_131, %swap3A_132] {strides = array<i32>} : memref<80x128xf32, #tpu.memory_space<vmem>>, vector<1x16xf32>,
      %swap3A_134 = vector.shape_cast %swap3A_133 : vector<1x16xf32> to vector<16xf32>
      %swap3A_135 = vector.shape_cast %broadcast_in_dim3A_130 : vector<16xf32> to vector<1x16xf32>
      tpu.vector_store %arg15[%swap3A_131, %swap3A_132], %swap3A_135 {strides = array<i32>} : memref<80x128xf32, #tpu.memory_space<vmem>>, vector<1x16xf32>,
      %broadcast_in_dim3A_136 = arith.constant 0.000000e+00 : f32
      %broadcast_in_dim3A_137 = vector.broadcast %broadcast_in_dim3A_136 : f32 to vector<16xf32>
      %swap3A_138 = arith.index_cast %scan3A_108 : i32 to index
      %swap3A_139 = arith.constant 64 : index
      %swap3A_140 = tpu.vector_load %arg15[%swap3A_138, %swap3A_139] {strides = array<i32>} : memref<80x128xf32, #tpu.memory_space<vmem>>, vector<1x16xf32>,
      %swap3A_141 = vector.shape_cast %swap3A_140 : vector<1x16xf32> to vector<16xf32>
      %swap3A_142 = vector.shape_cast %broadcast_in_dim3A_137 : vector<16xf32> to vector<1x16xf32>
      tpu.vector_store %arg15[%swap3A_138, %swap3A_139], %swap3A_142 {strides = array<i32>} : memref<80x128xf32, #tpu.memory_space<vmem>>, vector<1x16xf32>,
      %broadcast_in_dim3A_143 = arith.constant 0.000000e+00 : f32
      %broadcast_in_dim3A_144 = vector.broadcast %broadcast_in_dim3A_143 : f32 to vector<16xf32>
      %swap3A_145 = arith.index_cast %scan3A_108 : i32 to index
      %swap3A_146 = arith.constant 80 : index
      %swap3A_147 = tpu.vector_load %arg15[%swap3A_145, %swap3A_146] {strides = array<i32>} : memref<80x128xf32, #tpu.memory_space<vmem>>, vector<1x16xf32>,
      %swap3A_148 = vector.shape_cast %swap3A_147 : vector<1x16xf32> to vector<16xf32>
      %swap3A_149 = vector.shape_cast %broadcast_in_dim3A_144 : vector<16xf32> to vector<1x16xf32>
      tpu.vector_store %arg15[%swap3A_145, %swap3A_146], %swap3A_149 {strides = array<i32>} : memref<80x128xf32, #tpu.memory_space<vmem>>, vector<1x16xf32>,
      %broadcast_in_dim3A_150 = arith.constant 0.000000e+00 : f32
      %broadcast_in_dim3A_151 = vector.broadcast %broadcast_in_dim3A_150 : f32 to vector<16xf32>
      %swap3A_152 = arith.index_cast %scan3A_108 : i32 to index
      %swap3A_153 = arith.constant 96 : index
      %swap3A_154 = tpu.vector_load %arg15[%swap3A_152, %swap3A_153] {strides = array<i32>} : memref<80x128xf32, #tpu.memory_space<vmem>>, vector<1x16xf32>,
      %swap3A_155 = vector.shape_cast %swap3A_154 : vector<1x16xf32> to vector<16xf32>
      %swap3A_156 = vector.shape_cast %broadcast_in_dim3A_151 : vector<16xf32> to vector<1x16xf32>
      tpu.vector_store %arg15[%swap3A_152, %swap3A_153], %swap3A_156 {strides = array<i32>} : memref<80x128xf32, #tpu.memory_space<vmem>>, vector<1x16xf32>,
      %broadcast_in_dim3A_157 = arith.constant 0.000000e+00 : f32
      %broadcast_in_dim3A_158 = vector.broadcast %broadcast_in_dim3A_157 : f32 to vector<16xf32>
      %swap3A_159 = arith.index_cast %scan3A_108 : i32 to index
      %swap3A_160 = arith.constant 112 : index
      %swap3A_161 = tpu.vector_load %arg15[%swap3A_159, %swap3A_160] {strides = array<i32>} : memref<80x128xf32, #tpu.memory_space<vmem>>, vector<1x16xf32>,
      %swap3A_162 = vector.shape_cast %swap3A_161 : vector<1x16xf32> to vector<16xf32>
      %swap3A_163 = vector.shape_cast %broadcast_in_dim3A_158 : vector<16xf32> to vector<1x16xf32>
      tpu.vector_store %arg15[%swap3A_159, %swap3A_160], %swap3A_163 {strides = array<i32>} : memref<80x128xf32, #tpu.memory_space<vmem>>, vector<1x16xf32>,
      %scan3A_164 = arith.constant 0 : i32
      scf.yield %scan3A_164 : i32
    }
    %scan3A_6 = arith.constant 80 : i32
    %scan3A_7 = arith.constant 0 : i32
    %scan3A_8 = arith.constant 0 : i32
    %scan3A_9 = arith.constant 8 : i32
    %scan3A_10 = arith.addi %scan3A_8, %scan3A_9 : i32
    %scan3A_11 = arith.constant 1 : i32
    %scan3A_12 = scf.for %scan3A_108 = %scan3A_8 to %scan3A_10 step %scan3A_11 iter_args(%scan3A_109 = %scan3A_7) -> (i32)  : i32 {
      %mul3A_110 = arith.constant 640 : i32
      %mul3A_111 = arith.muli %arg1, %mul3A_110 : i32
      %mul3A_112 = arith.constant 80 : i32
      %mul3A_113 = arith.muli %scan3A_108, %mul3A_112 : i32
      %add3A_114 = arith.addi %mul3A_111, %mul3A_113 : i32
      "tpu.region"() ({
        %run_scoped3A = tpu.sem_alloc : memref<!tpu.dma_semaphore, #tpu.memory_space<semaphore_mem>>
        %dma_start3A_116 = arith.constant 0 : i32
        %dma_start3A_117 = tpu.memref_slice %arg6[%add3A_114, %dma_start3A_116] : memref<10240x128xf32, #tpu.memory_space<vmem_shared>> -> memref<80x128xf32, #tpu.memory_space<vmem_shared>>
        %dma_start3A_118 = arith.constant 0 : i32
        %dma_start3A_119 = tpu.memref_slice %arg6[%add3A_114, %dma_start3A_118] : memref<10240x128xf32, #tpu.memory_space<vmem_shared>> -> memref<80x128xf32, #tpu.memory_space<vmem_shared>>
        tpu.enqueue_dma source(%arg15 : memref<80x128xf32, #tpu.memory_space<vmem>>) target(%dma_start3A_119 : memref<80x128xf32, #tpu.memory_space<vmem_shared>>) target_semaphore(%run_scoped3A : memref<!tpu.dma_semaphore, #tpu.memory_space<semaphore_mem>>)
        %dma_wait3A_120 = arith.constant 0 : i32
        %dma_wait3A_121 = tpu.memref_slice %arg6[%add3A_114, %dma_wait3A_120] : memref<10240x128xf32, #tpu.memory_space<vmem_shared>> -> memref<80x128xf32, #tpu.memory_space<vmem_shared>>
        %dma_wait3A_122 = arith.constant 0 : i32
        %dma_wait3A_123 = tpu.memref_slice %arg6[%add3A_114, %dma_wait3A_122] : memref<10240x128xf32, #tpu.memory_space<vmem_shared>> -> memref<80x128xf32, #tpu.memory_space<vmem_shared>>
        tpu.wait_dma2 semaphore(%run_scoped3A : memref<!tpu.dma_semaphore, #tpu.memory_space<semaphore_mem>>) src(%arg15 : memref<80x128xf32, #tpu.memory_space<vmem>>) dst(%dma_wait3A_123 : memref<80x128xf32, #tpu.memory_space<vmem_shared>>)
        tpu.yield
      }) : () -> ()
      %scan3A_115 = arith.constant 0 : i32
      scf.yield %scan3A_115 : i32
    }
    %scan3A_13 = arith.constant 8 : i32
    %barrier3A = arith.constant 0 : index
    tpu.barrier barrier_id(%barrier3A)
    %mul3A_14 = arith.constant 10000 : i32
    %mul3A_15 = arith.muli %add3A, %mul3A_14 : i32
    %add3A_16 = arith.constant 0 : i32
    %add3A_17 = arith.addi %mul3A_15, %add3A_16 : i32
    %dma_start3A = tpu.memref_slice %arg3[%add3A_17] : memref<320000xi32, #tpu.memory_space<hbm>> -> memref<80xi32, #tpu.memory_space<hbm>>
    %dma_start3A_18 = tpu.memref_slice %arg3[%add3A_17] : memref<320000xi32, #tpu.memory_space<hbm>> -> memref<80xi32, #tpu.memory_space<hbm>>
    tpu.enqueue_dma source(%dma_start3A_18 : memref<80xi32, #tpu.memory_space<hbm>>) target(%arg7 : memref<80xi32, #tpu.memory_space<vmem>>) target_semaphore(%arg19 : memref<!tpu.dma_semaphore, #tpu.memory_space<semaphore_mem>>)
    %mul3A_19 = arith.constant 10000 : i32
    %mul3A_20 = arith.muli %add3A, %mul3A_19 : i32
    %add3A_21 = arith.constant 0 : i32
    %add3A_22 = arith.addi %mul3A_20, %add3A_21 : i32
    %dma_start3A_23 = tpu.memref_slice %arg4[%add3A_22] : memref<320000xi32, #tpu.memory_space<hbm>> -> memref<80xi32, #tpu.memory_space<hbm>>
    %dma_start3A_24 = tpu.memref_slice %arg4[%add3A_22] : memref<320000xi32, #tpu.memory_space<hbm>> -> memref<80xi32, #tpu.memory_space<hbm>>
    tpu.enqueue_dma source(%dma_start3A_24 : memref<80xi32, #tpu.memory_space<hbm>>) target(%arg11 : memref<80xi32, #tpu.memory_space<vmem>>) target_semaphore(%arg23 : memref<!tpu.dma_semaphore, #tpu.memory_space<semaphore_mem>>)
    %mul3A_25 = arith.constant 10000 : i32
    %mul3A_26 = arith.muli %add3A, %mul3A_25 : i32
    %add3A_27 = arith.constant 80 : i32
    %add3A_28 = arith.addi %mul3A_26, %add3A_27 : i32
    %dma_start3A_29 = tpu.memref_slice %arg3[%add3A_28] : memref<320000xi32, #tpu.memory_space<hbm>> -> memref<80xi32, #tpu.memory_space<hbm>>
    %dma_start3A_30 = tpu.memref_slice %arg3[%add3A_28] : memref<320000xi32, #tpu.memory_space<hbm>> -> memref<80xi32, #tpu.memory_space<hbm>>
    tpu.enqueue_dma source(%dma_start3A_30 : memref<80xi32, #tpu.memory_space<hbm>>) target(%arg8 : memref<80xi32, #tpu.memory_space<vmem>>) target_semaphore(%arg20 : memref<!tpu.dma_semaphore, #tpu.memory_space<semaphore_mem>>)
    %mul3A_31 = arith.constant 10000 : i32
    %mul3A_32 = arith.muli %add3A, %mul3A_31 : i32
    %add3A_33 = arith.constant 80 : i32
    %add3A_34 = arith.addi %mul3A_32, %add3A_33 : i32
    %dma_start3A_35 = tpu.memref_slice %arg4[%add3A_34] : memref<320000xi32, #tpu.memory_space<hbm>> -> memref<80xi32, #tpu.memory_space<hbm>>
    %dma_start3A_36 = tpu.memref_slice %arg4[%add3A_34] : memref<320000xi32, #tpu.memory_space<hbm>> -> memref<80xi32, #tpu.memory_space<hbm>>
    tpu.enqueue_dma source(%dma_start3A_36 : memref<80xi32, #tpu.memory_space<hbm>>) target(%arg12 : memref<80xi32, #tpu.memory_space<vmem>>) target_semaphore(%arg24 : memref<!tpu.dma_semaphore, #tpu.memory_space<semaphore_mem>>)
    %mul3A_37 = arith.constant 10000 : i32
    %mul3A_38 = arith.muli %add3A, %mul3A_37 : i32
    %add3A_39 = arith.constant 160 : i32
    %add3A_40 = arith.addi %mul3A_38, %add3A_39 : i32
    %dma_start3A_41 = tpu.memref_slice %arg3[%add3A_40] : memref<320000xi32, #tpu.memory_space<hbm>> -> memref<80xi32, #tpu.memory_space<hbm>>
    %dma_start3A_42 = tpu.memref_slice %arg3[%add3A_40] : memref<320000xi32, #tpu.memory_space<hbm>> -> memref<80xi32, #tpu.memory_space<hbm>>
    tpu.enqueue_dma source(%dma_start3A_42 : memref<80xi32, #tpu.memory_space<hbm>>) target(%arg9 : memref<80xi32, #tpu.memory_space<vmem>>) target_semaphore(%arg21 : memref<!tpu.dma_semaphore, #tpu.memory_space<semaphore_mem>>)
    %mul3A_43 = arith.constant 10000 : i32
    %mul3A_44 = arith.muli %add3A, %mul3A_43 : i32
    %add3A_45 = arith.constant 160 : i32
    %add3A_46 = arith.addi %mul3A_44, %add3A_45 : i32
    %dma_start3A_47 = tpu.memref_slice %arg4[%add3A_46] : memref<320000xi32, #tpu.memory_space<hbm>> -> memref<80xi32, #tpu.memory_space<hbm>>
    %dma_start3A_48 = tpu.memref_slice %arg4[%add3A_46] : memref<320000xi32, #tpu.memory_space<hbm>> -> memref<80xi32, #tpu.memory_space<hbm>>
    tpu.enqueue_dma source(%dma_start3A_48 : memref<80xi32, #tpu.memory_space<hbm>>) target(%arg13 : memref<80xi32, #tpu.memory_space<vmem>>) target_semaphore(%arg25 : memref<!tpu.dma_semaphore, #tpu.memory_space<semaphore_mem>>)
    %mul3A_49 = arith.constant 10000 : i32
    %mul3A_50 = arith.muli %add3A, %mul3A_49 : i32
    %add3A_51 = arith.constant 240 : i32
    %add3A_52 = arith.addi %mul3A_50, %add3A_51 : i32
    %dma_start3A_53 = tpu.memref_slice %arg3[%add3A_52] : memref<320000xi32, #tpu.memory_space<hbm>> -> memref<80xi32, #tpu.memory_space<hbm>>
    %dma_start3A_54 = tpu.memref_slice %arg3[%add3A_52] : memref<320000xi32, #tpu.memory_space<hbm>> -> memref<80xi32, #tpu.memory_space<hbm>>
    tpu.enqueue_dma source(%dma_start3A_54 : memref<80xi32, #tpu.memory_space<hbm>>) target(%arg10 : memref<80xi32, #tpu.memory_space<vmem>>) target_semaphore(%arg22 : memref<!tpu.dma_semaphore, #tpu.memory_space<semaphore_mem>>)
    %mul3A_55 = arith.constant 10000 : i32
    %mul3A_56 = arith.muli %add3A, %mul3A_55 : i32
    %add3A_57 = arith.constant 240 : i32
    %add3A_58 = arith.addi %mul3A_56, %add3A_57 : i32
    %dma_start3A_59 = tpu.memref_slice %arg4[%add3A_58] : memref<320000xi32, #tpu.memory_space<hbm>> -> memref<80xi32, #tpu.memory_space<hbm>>
    %dma_start3A_60 = tpu.memref_slice %arg4[%add3A_58] : memref<320000xi32, #tpu.memory_space<hbm>> -> memref<80xi32, #tpu.memory_space<hbm>>
    tpu.enqueue_dma source(%dma_start3A_60 : memref<80xi32, #tpu.memory_space<hbm>>) target(%arg14 : memref<80xi32, #tpu.memory_space<vmem>>) target_semaphore(%arg26 : memref<!tpu.dma_semaphore, #tpu.memory_space<semaphore_mem>>)
    %mul3A_61 = arith.constant 10000 : i32
    %mul3A_62 = arith.muli %add3A, %mul3A_61 : i32
    %add3A_63 = arith.constant 0 : i32
    %add3A_64 = arith.addi %mul3A_62, %add3A_63 : i32
    %dma_wait3A = tpu.memref_slice %arg3[%add3A_64] : memref<320000xi32, #tpu.memory_space<hbm>> -> memref<80xi32, #tpu.memory_space<hbm>>
    %dma_wait3A_65 = tpu.memref_slice %arg3[%add3A_64] : memref<320000xi32, #tpu.memory_space<hbm>> -> memref<80xi32, #tpu.memory_space<hbm>>
    tpu.wait_dma2 semaphore(%arg19 : memref<!tpu.dma_semaphore, #tpu.memory_space<semaphore_mem>>) src(%dma_wait3A_65 : memref<80xi32, #tpu.memory_space<hbm>>) dst(%arg7 : memref<80xi32, #tpu.memory_space<vmem>>)
    %dma_start3A_66 = arith.constant 0 : i32
    %dma_start3A_67 = arith.constant 0 : i32
    %dma_start3A_68 = tpu.memref_slice %arg2[%dma_start3A_66, %dma_start3A_67] : memref<10000x128xf32, #tpu.memory_space<hbm>> -> memref<10000x128xf32, #tpu.memory_space<hbm>>
    tpu.enqueue_indirect_dma source(%dma_start3A_68 : memref<10000x128xf32, #tpu.memory_space<hbm>>) target(%arg15 : memref<80x128xf32, #tpu.memory_space<vmem>>) offsets(%arg7 : memref<80xi32, #tpu.memory_space<vmem>>) semaphore(%arg27 : memref<!tpu.dma_semaphore, #tpu.memory_space<semaphore_mem>>)
    %mul3A_69 = arith.constant 10000 : i32
    %mul3A_70 = arith.muli %add3A, %mul3A_69 : i32
    %add3A_71 = arith.constant 80 : i32
    %add3A_72 = arith.addi %mul3A_70, %add3A_71 : i32
    %dma_wait3A_73 = tpu.memref_slice %arg3[%add3A_72] : memref<320000xi32, #tpu.memory_space<hbm>> -> memref<80xi32, #tpu.memory_space<hbm>>
    %dma_wait3A_74 = tpu.memref_slice %arg3[%add3A_72] : memref<320000xi32, #tpu.memory_space<hbm>> -> memref<80xi32, #tpu.memory_space<hbm>>
    tpu.wait_dma2 semaphore(%arg20 : memref<!tpu.dma_semaphore, #tpu.memory_space<semaphore_mem>>) src(%dma_wait3A_74 : memref<80xi32, #tpu.memory_space<hbm>>) dst(%arg8 : memref<80xi32, #tpu.memory_space<vmem>>)
    %dma_start3A_75 = arith.constant 0 : i32
    %dma_start3A_76 = arith.constant 0 : i32
    %dma_start3A_77 = tpu.memref_slice %arg2[%dma_start3A_75, %dma_start3A_76] : memref<10000x128xf32, #tpu.memory_space<hbm>> -> memref<10000x128xf32, #tpu.memory_space<hbm>>
    tpu.enqueue_indirect_dma source(%dma_start3A_77 : memref<10000x128xf32, #tpu.memory_space<hbm>>) target(%arg16 : memref<80x128xf32, #tpu.memory_space<vmem>>) offsets(%arg8 : memref<80xi32, #tpu.memory_space<vmem>>) semaphore(%arg28 : memref<!tpu.dma_semaphore, #tpu.memory_space<semaphore_mem>>)
    %mul3A_78 = arith.constant 10000 : i32
    %mul3A_79 = arith.muli %add3A, %mul3A_78 : i32
    %add3A_80 = arith.constant 160 : i32
    %add3A_81 = arith.addi %mul3A_79, %add3A_80 : i32
    %dma_wait3A_82 = tpu.memref_slice %arg3[%add3A_81] : memref<320000xi32, #tpu.memory_space<hbm>> -> memref<80xi32, #tpu.memory_space<hbm>>
    %dma_wait3A_83 = tpu.memref_slice %arg3[%add3A_81] : memref<320000xi32, #tpu.memory_space<hbm>> -> memref<80xi32, #tpu.memory_space<hbm>>
    tpu.wait_dma2 semaphore(%arg21 : memref<!tpu.dma_semaphore, #tpu.memory_space<semaphore_mem>>) src(%dma_wait3A_83 : memref<80xi32, #tpu.memory_space<hbm>>) dst(%arg9 : memref<80xi32, #tpu.memory_space<vmem>>)
    %dma_start3A_84 = arith.constant 0 : i32
    %dma_start3A_85 = arith.constant 0 : i32
    %dma_start3A_86 = tpu.memref_slice %arg2[%dma_start3A_84, %dma_start3A_85] : memref<10000x128xf32, #tpu.memory_space<hbm>> -> memref<10000x128xf32, #tpu.memory_space<hbm>>
    tpu.enqueue_indirect_dma source(%dma_start3A_86 : memref<10000x128xf32, #tpu.memory_space<hbm>>) target(%arg17 : memref<80x128xf32, #tpu.memory_space<vmem>>) offsets(%arg9 : memref<80xi32, #tpu.memory_space<vmem>>) semaphore(%arg29 : memref<!tpu.dma_semaphore, #tpu.memory_space<semaphore_mem>>)
    %scan3A_87 = arith.constant 0 : i32
    %scan3A_88 = arith.constant 0 : i32
    %scan3A_89 = arith.constant 31 : i32
    %scan3A_90 = arith.addi %scan3A_88, %scan3A_89 : i32
    %scan3A_91 = arith.constant 1 : i32
    %scan3A_92 = scf.for %scan3A_108 = %scan3A_88 to %scan3A_90 step %scan3A_91 iter_args(%scan3A_109 = %scan3A_87) -> (i32)  : i32 {
      %mul3A_110 = arith.constant 4 : i32
      %mul3A_111 = arith.muli %scan3A_108, %mul3A_110 : i32
      %dma_wait3A_112 = arith.constant 0 : i32
      %dma_wait3A_113 = arith.constant 0 : i32
      %dma_wait3A_114 = tpu.memref_slice %arg2[%dma_wait3A_112, %dma_wait3A_113] : memref<10000x128xf32, #tpu.memory_space<hbm>> -> memref<10000x128xf32, #tpu.memory_space<hbm>>
      tpu.wait_indirect_dma semaphore(%arg27 : memref<!tpu.dma_semaphore, #tpu.memory_space<semaphore_mem>>) src(%dma_wait3A_114 : memref<10000x128xf32, #tpu.memory_space<hbm>>) dst(%arg15 : memref<80x128xf32, #tpu.memory_space<vmem>>)
      %add3A_115 = arith.constant 3 : i32
      %add3A_116 = arith.addi %mul3A_111, %add3A_115 : i32
      %lt3A = arith.constant 125 : i32
      %lt3A_117 = arith.cmpi slt, %add3A_116, %lt3A : i32
      %convert_element_type3A = arith.extui %lt3A_117 : i1 to i32
      %cond3A = arith.constant 0 : i32
      %cond3A_118 = arith.cmpi ne, %convert_element_type3A, %cond3A : i32
      scf.if %cond3A_118 {
        %add3A_212 = arith.constant 3 : i32
        %add3A_213 = arith.addi %mul3A_111, %add3A_212 : i32
        %mul3A_214 = arith.constant 10000 : i32
        %mul3A_215 = arith.muli %add3A, %mul3A_214 : i32
        %mul3A_216 = arith.constant 80 : i32
        %mul3A_217 = arith.muli %add3A_213, %mul3A_216 : i32
        %add3A_218 = arith.addi %mul3A_215, %mul3A_217 : i32
        %dma_wait3A_219 = tpu.memref_slice %arg3[%add3A_218] : memref<320000xi32, #tpu.memory_space<hbm>> -> memref<80xi32, #tpu.memory_space<hbm>>
        %dma_wait3A_220 = tpu.memref_slice %arg3[%add3A_218] : memref<320000xi32, #tpu.memory_space<hbm>> -> memref<80xi32, #tpu.memory_space<hbm>>
        tpu.wait_dma2 semaphore(%arg22 : memref<!tpu.dma_semaphore, #tpu.memory_space<semaphore_mem>>) src(%dma_wait3A_220 : memref<80xi32, #tpu.memory_space<hbm>>) dst(%arg10 : memref<80xi32, #tpu.memory_space<vmem>>)
        %add3A_221 = arith.constant 3 : i32
        %add3A_222 = arith.addi %mul3A_111, %add3A_221 : i32
        %dma_start3A_223 = arith.constant 0 : i32
        %dma_start3A_224 = arith.constant 0 : i32
        %dma_start3A_225 = tpu.memref_slice %arg2[%dma_start3A_223, %dma_start3A_224] : memref<10000x128xf32, #tpu.memory_space<hbm>> -> memref<10000x128xf32, #tpu.memory_space<hbm>>
        tpu.enqueue_indirect_dma source(%dma_start3A_225 : memref<10000x128xf32, #tpu.memory_space<hbm>>) target(%arg18 : memref<80x128xf32, #tpu.memory_space<vmem>>) offsets(%arg10 : memref<80xi32, #tpu.memory_space<vmem>>) semaphore(%arg30 : memref<!tpu.dma_semaphore, #tpu.memory_space<semaphore_mem>>)
      } else {
      }
      %mul3A_119 = arith.constant 10000 : i32
      %mul3A_120 = arith.muli %add3A, %mul3A_119 : i32
      %mul3A_121 = arith.constant 80 : i32
      %mul3A_122 = arith.muli %mul3A_111, %mul3A_121 : i32
      %add3A_123 = arith.addi %mul3A_120, %mul3A_122 : i32
      %dma_wait3A_124 = tpu.memref_slice %arg4[%add3A_123] : memref<320000xi32, #tpu.memory_space<hbm>> -> memref<80xi32, #tpu.memory_space<hbm>>
      %dma_wait3A_125 = tpu.memref_slice %arg4[%add3A_123] : memref<320000xi32, #tpu.memory_space<hbm>> -> memref<80xi32, #tpu.memory_space<hbm>>
      tpu.wait_dma2 semaphore(%arg23 : memref<!tpu.dma_semaphore, #tpu.memory_space<semaphore_mem>>) src(%dma_wait3A_125 : memref<80xi32, #tpu.memory_space<hbm>>) dst(%arg11 : memref<80xi32, #tpu.memory_space<vmem>>)
      "tpu.region"() ({
        %run_scoped3A = tpu.sem_alloc : memref<!tpu.dma_semaphore, #tpu.memory_space<semaphore_mem>>
        %dma_start3A_212 = arith.constant 0 : i32
        %dma_start3A_213 = arith.constant 0 : i32
        %dma_start3A_214 = tpu.memref_slice %arg6[%dma_start3A_212, %dma_start3A_213] : memref<10240x128xf32, #tpu.memory_space<vmem_shared>> -> memref<10240x128xf32, #tpu.memory_space<vmem_shared>>
        tpu.enqueue_indirect_dma source(%arg15 : memref<80x128xf32, #tpu.memory_space<vmem>>) target(%dma_start3A_214 : memref<10240x128xf32, #tpu.memory_space<vmem_shared>>) offsets(%arg11 : memref<80xi32, #tpu.memory_space<vmem>>) semaphore(%run_scoped3A : memref<!tpu.dma_semaphore, #tpu.memory_space<semaphore_mem>>) {add = true}
        %dma_wait3A_215 = arith.constant 0 : i32
        %dma_wait3A_216 = arith.constant 0 : i32
        %dma_wait3A_217 = tpu.memref_slice %arg6[%dma_wait3A_215, %dma_wait3A_216] : memref<10240x128xf32, #tpu.memory_space<vmem_shared>> -> memref<10240x128xf32, #tpu.memory_space<vmem_shared>>
        tpu.wait_indirect_dma semaphore(%run_scoped3A : memref<!tpu.dma_semaphore, #tpu.memory_space<semaphore_mem>>) src(%arg15 : memref<80x128xf32, #tpu.memory_space<vmem>>) dst(%dma_wait3A_217 : memref<10240x128xf32, #tpu.memory_space<vmem_shared>>)
        tpu.yield
      }) : () -> ()
      %add3A_126 = arith.constant 4 : i32
      %add3A_127 = arith.addi %mul3A_111, %add3A_126 : i32
      %lt3A_128 = arith.constant 125 : i32
      %lt3A_129 = arith.cmpi slt, %add3A_127, %lt3A_128 : i32
      %convert_element_type3A_130 = arith.extui %lt3A_129 : i1 to i32
      %cond3A_131 = arith.constant 0 : i32
      %cond3A_132 = arith.cmpi ne, %convert_element_type3A_130, %cond3A_131 : i32
      scf.if %cond3A_132 {
        %add3A_212 = arith.constant 4 : i32
        %add3A_213 = arith.addi %mul3A_111, %add3A_212 : i32
        %mul3A_214 = arith.constant 10000 : i32
        %mul3A_215 = arith.muli %add3A, %mul3A_214 : i32
        %mul3A_216 = arith.constant 80 : i32
        %mul3A_217 = arith.muli %add3A_213, %mul3A_216 : i32
        %add3A_218 = arith.addi %mul3A_215, %mul3A_217 : i32
        %dma_start3A_219 = tpu.memref_slice %arg3[%add3A_218] : memref<320000xi32, #tpu.memory_space<hbm>> -> memref<80xi32, #tpu.memory_space<hbm>>
        %dma_start3A_220 = tpu.memref_slice %arg3[%add3A_218] : memref<320000xi32, #tpu.memory_space<hbm>> -> memref<80xi32, #tpu.memory_space<hbm>>
        tpu.enqueue_dma source(%dma_start3A_220 : memref<80xi32, #tpu.memory_space<hbm>>) target(%arg7 : memref<80xi32, #tpu.memory_space<vmem>>) target_semaphore(%arg19 : memref<!tpu.dma_semaphore, #tpu.memory_space<semaphore_mem>>)
        %add3A_221 = arith.constant 4 : i32
        %add3A_222 = arith.addi %mul3A_111, %add3A_221 : i32
        %mul3A_223 = arith.constant 10000 : i32
        %mul3A_224 = arith.muli %add3A, %mul3A_223 : i32
        %mul3A_225 = arith.constant 80 : i32
        %mul3A_226 = arith.muli %add3A_222, %mul3A_225 : i32
        %add3A_227 = arith.addi %mul3A_224, %mul3A_226 : i32
        %dma_start3A_228 = tpu.memref_slice %arg4[%add3A_227] : memref<320000xi32, #tpu.memory_space<hbm>> -> memref<80xi32, #tpu.memory_space<hbm>>
        %dma_start3A_229 = tpu.memref_slice %arg4[%add3A_227] : memref<320000xi32, #tpu.memory_space<hbm>> -> memref<80xi32, #tpu.memory_space<hbm>>
        tpu.enqueue_dma source(%dma_start3A_229 : memref<80xi32, #tpu.memory_space<hbm>>) target(%arg11 : memref<80xi32, #tpu.memory_space<vmem>>) target_semaphore(%arg23 : memref<!tpu.dma_semaphore, #tpu.memory_space<semaphore_mem>>)
      } else {
      }
      %add3A_133 = arith.constant 1 : i32
      %add3A_134 = arith.addi %mul3A_111, %add3A_133 : i32
      %dma_wait3A_135 = arith.constant 0 : i32
      %dma_wait3A_136 = arith.constant 0 : i32
      %dma_wait3A_137 = tpu.memref_slice %arg2[%dma_wait3A_135, %dma_wait3A_136] : memref<10000x128xf32, #tpu.memory_space<hbm>> -> memref<10000x128xf32, #tpu.memory_space<hbm>>
      tpu.wait_indirect_dma semaphore(%arg28 : memref<!tpu.dma_semaphore, #tpu.memory_space<semaphore_mem>>) src(%dma_wait3A_137 : memref<10000x128xf32, #tpu.memory_space<hbm>>) dst(%arg16 : memref<80x128xf32, #tpu.memory_space<vmem>>)
      %add3A_138 = arith.constant 3 : i32
      %add3A_139 = arith.addi %add3A_134, %add3A_138 : i32
      %lt3A_140 = arith.constant 125 : i32
      %lt3A_141 = arith.cmpi slt, %add3A_139, %lt3A_140 : i32
      %convert_element_type3A_142 = arith.extui %lt3A_141 : i1 to i32
      %cond3A_143 = arith.constant 0 : i32
      %cond3A_144 = arith.cmpi ne, %convert_element_type3A_142, %cond3A_143 : i32
      scf.if %cond3A_144 {
        %add3A_212 = arith.constant 3 : i32
        %add3A_213 = arith.addi %add3A_134, %add3A_212 : i32
        %mul3A_214 = arith.constant 10000 : i32
        %mul3A_215 = arith.muli %add3A, %mul3A_214 : i32
        %mul3A_216 = arith.constant 80 : i32
        %mul3A_217 = arith.muli %add3A_213, %mul3A_216 : i32
        %add3A_218 = arith.addi %mul3A_215, %mul3A_217 : i32
        %dma_wait3A_219 = tpu.memref_slice %arg3[%add3A_218] : memref<320000xi32, #tpu.memory_space<hbm>> -> memref<80xi32, #tpu.memory_space<hbm>>
        %dma_wait3A_220 = tpu.memref_slice %arg3[%add3A_218] : memref<320000xi32, #tpu.memory_space<hbm>> -> memref<80xi32, #tpu.memory_space<hbm>>
        tpu.wait_dma2 semaphore(%arg19 : memref<!tpu.dma_semaphore, #tpu.memory_space<semaphore_mem>>) src(%dma_wait3A_220 : memref<80xi32, #tpu.memory_space<hbm>>) dst(%arg7 : memref<80xi32, #tpu.memory_space<vmem>>)
        %add3A_221 = arith.constant 3 : i32
        %add3A_222 = arith.addi %add3A_134, %add3A_221 : i32
        %dma_start3A_223 = arith.constant 0 : i32
        %dma_start3A_224 = arith.constant 0 : i32
        %dma_start3A_225 = tpu.memref_slice %arg2[%dma_start3A_223, %dma_start3A_224] : memref<10000x128xf32, #tpu.memory_space<hbm>> -> memref<10000x128xf32, #tpu.memory_space<hbm>>
        tpu.enqueue_indirect_dma source(%dma_start3A_225 : memref<10000x128xf32, #tpu.memory_space<hbm>>) target(%arg15 : memref<80x128xf32, #tpu.memory_space<vmem>>) offsets(%arg7 : memref<80xi32, #tpu.memory_space<vmem>>) semaphore(%arg27 : memref<!tpu.dma_semaphore, #tpu.memory_space<semaphore_mem>>)
      } else {
      }
      %mul3A_145 = arith.constant 10000 : i32
      %mul3A_146 = arith.muli %add3A, %mul3A_145 : i32
      %mul3A_147 = arith.constant 80 : i32
      %mul3A_148 = arith.muli %add3A_134, %mul3A_147 : i32
      %add3A_149 = arith.addi %mul3A_146, %mul3A_148 : i32
      %dma_wait3A_150 = tpu.memref_slice %arg4[%add3A_149] : memref<320000xi32, #tpu.memory_space<hbm>> -> memref<80xi32, #tpu.memory_space<hbm>>
      %dma_wait3A_151 = tpu.memref_slice %arg4[%add3A_149] : memref<320000xi32, #tpu.memory_space<hbm>> -> memref<80xi32, #tpu.memory_space<hbm>>
      tpu.wait_dma2 semaphore(%arg24 : memref<!tpu.dma_semaphore, #tpu.memory_space<semaphore_mem>>) src(%dma_wait3A_151 : memref<80xi32, #tpu.memory_space<hbm>>) dst(%arg12 : memref<80xi32, #tpu.memory_space<vmem>>)
      "tpu.region"() ({
        %run_scoped3A = tpu.sem_alloc : memref<!tpu.dma_semaphore, #tpu.memory_space<semaphore_mem>>
        %dma_start3A_212 = arith.constant 0 : i32
        %dma_start3A_213 = arith.constant 0 : i32
        %dma_start3A_214 = tpu.memref_slice %arg6[%dma_start3A_212, %dma_start3A_213] : memref<10240x128xf32, #tpu.memory_space<vmem_shared>> -> memref<10240x128xf32, #tpu.memory_space<vmem_shared>>
        tpu.enqueue_indirect_dma source(%arg16 : memref<80x128xf32, #tpu.memory_space<vmem>>) target(%dma_start3A_214 : memref<10240x128xf32, #tpu.memory_space<vmem_shared>>) offsets(%arg12 : memref<80xi32, #tpu.memory_space<vmem>>) semaphore(%run_scoped3A : memref<!tpu.dma_semaphore, #tpu.memory_space<semaphore_mem>>) {add = true}
        %dma_wait3A_215 = arith.constant 0 : i32
        %dma_wait3A_216 = arith.constant 0 : i32
        %dma_wait3A_217 = tpu.memref_slice %arg6[%dma_wait3A_215, %dma_wait3A_216] : memref<10240x128xf32, #tpu.memory_space<vmem_shared>> -> memref<10240x128xf32, #tpu.memory_space<vmem_shared>>
        tpu.wait_indirect_dma semaphore(%run_scoped3A : memref<!tpu.dma_semaphore, #tpu.memory_space<semaphore_mem>>) src(%arg16 : memref<80x128xf32, #tpu.memory_space<vmem>>) dst(%dma_wait3A_217 : memref<10240x128xf32, #tpu.memory_space<vmem_shared>>)
        tpu.yield
      }) : () -> ()
      %add3A_152 = arith.constant 4 : i32
      %add3A_153 = arith.addi %add3A_134, %add3A_152 : i32
      %lt3A_154 = arith.constant 125 : i32
      %lt3A_155 = arith.cmpi slt, %add3A_153, %lt3A_154 : i32
      %convert_element_type3A_156 = arith.extui %lt3A_155 : i1 to i32
      %cond3A_157 = arith.constant 0 : i32
      %cond3A_158 = arith.cmpi ne, %convert_element_type3A_156, %cond3A_157 : i32
      scf.if %cond3A_158 {
        %add3A_212 = arith.constant 4 : i32
        %add3A_213 = arith.addi %add3A_134, %add3A_212 : i32
        %mul3A_214 = arith.constant 10000 : i32
        %mul3A_215 = arith.muli %add3A, %mul3A_214 : i32
        %mul3A_216 = arith.constant 80 : i32
        %mul3A_217 = arith.muli %add3A_213, %mul3A_216 : i32
        %add3A_218 = arith.addi %mul3A_215, %mul3A_217 : i32
        %dma_start3A_219 = tpu.memref_slice %arg3[%add3A_218] : memref<320000xi32, #tpu.memory_space<hbm>> -> memref<80xi32, #tpu.memory_space<hbm>>
        %dma_start3A_220 = tpu.memref_slice %arg3[%add3A_218] : memref<320000xi32, #tpu.memory_space<hbm>> -> memref<80xi32, #tpu.memory_space<hbm>>
        tpu.enqueue_dma source(%dma_start3A_220 : memref<80xi32, #tpu.memory_space<hbm>>) target(%arg8 : memref<80xi32, #tpu.memory_space<vmem>>) target_semaphore(%arg20 : memref<!tpu.dma_semaphore, #tpu.memory_space<semaphore_mem>>)
        %add3A_221 = arith.constant 4 : i32
        %add3A_222 = arith.addi %add3A_134, %add3A_221 : i32
        %mul3A_223 = arith.constant 10000 : i32
        %mul3A_224 = arith.muli %add3A, %mul3A_223 : i32
        %mul3A_225 = arith.constant 80 : i32
        %mul3A_226 = arith.muli %add3A_222, %mul3A_225 : i32
        %add3A_227 = arith.addi %mul3A_224, %mul3A_226 : i32
        %dma_start3A_228 = tpu.memref_slice %arg4[%add3A_227] : memref<320000xi32, #tpu.memory_space<hbm>> -> memref<80xi32, #tpu.memory_space<hbm>>
        %dma_start3A_229 = tpu.memref_slice %arg4[%add3A_227] : memref<320000xi32, #tpu.memory_space<hbm>> -> memref<80xi32, #tpu.memory_space<hbm>>
        tpu.enqueue_dma source(%dma_start3A_229 : memref<80xi32, #tpu.memory_space<hbm>>) target(%arg12 : memref<80xi32, #tpu.memory_space<vmem>>) target_semaphore(%arg24 : memref<!tpu.dma_semaphore, #tpu.memory_space<semaphore_mem>>)
      } else {
      }
      %add3A_159 = arith.constant 2 : i32
      %add3A_160 = arith.addi %mul3A_111, %add3A_159 : i32
      %dma_wait3A_161 = arith.constant 0 : i32
      %dma_wait3A_162 = arith.constant 0 : i32
      %dma_wait3A_163 = tpu.memref_slice %arg2[%dma_wait3A_161, %dma_wait3A_162] : memref<10000x128xf32, #tpu.memory_space<hbm>> -> memref<10000x128xf32, #tpu.memory_space<hbm>>
      tpu.wait_indirect_dma semaphore(%arg29 : memref<!tpu.dma_semaphore, #tpu.memory_space<semaphore_mem>>) src(%dma_wait3A_163 : memref<10000x128xf32, #tpu.memory_space<hbm>>) dst(%arg17 : memref<80x128xf32, #tpu.memory_space<vmem>>)
      %add3A_164 = arith.constant 3 : i32
      %add3A_165 = arith.addi %add3A_160, %add3A_164 : i32
      %lt3A_166 = arith.constant 125 : i32
      %lt3A_167 = arith.cmpi slt, %add3A_165, %lt3A_166 : i32
      %convert_element_type3A_168 = arith.extui %lt3A_167 : i1 to i32
      %cond3A_169 = arith.constant 0 : i32
      %cond3A_170 = arith.cmpi ne, %convert_element_type3A_168, %cond3A_169 : i32
      scf.if %cond3A_170 {
        %add3A_212 = arith.constant 3 : i32
        %add3A_213 = arith.addi %add3A_160, %add3A_212 : i32
        %mul3A_214 = arith.constant 10000 : i32
        %mul3A_215 = arith.muli %add3A, %mul3A_214 : i32
        %mul3A_216 = arith.constant 80 : i32
        %mul3A_217 = arith.muli %add3A_213, %mul3A_216 : i32
        %add3A_218 = arith.addi %mul3A_215, %mul3A_217 : i32
        %dma_wait3A_219 = tpu.memref_slice %arg3[%add3A_218] : memref<320000xi32, #tpu.memory_space<hbm>> -> memref<80xi32, #tpu.memory_space<hbm>>
        %dma_wait3A_220 = tpu.memref_slice %arg3[%add3A_218] : memref<320000xi32, #tpu.memory_space<hbm>> -> memref<80xi32, #tpu.memory_space<hbm>>
        tpu.wait_dma2 semaphore(%arg20 : memref<!tpu.dma_semaphore, #tpu.memory_space<semaphore_mem>>) src(%dma_wait3A_220 : memref<80xi32, #tpu.memory_space<hbm>>) dst(%arg8 : memref<80xi32, #tpu.memory_space<vmem>>)
        %add3A_221 = arith.constant 3 : i32
        %add3A_222 = arith.addi %add3A_160, %add3A_221 : i32
        %dma_start3A_223 = arith.constant 0 : i32
        %dma_start3A_224 = arith.constant 0 : i32
        %dma_start3A_225 = tpu.memref_slice %arg2[%dma_start3A_223, %dma_start3A_224] : memref<10000x128xf32, #tpu.memory_space<hbm>> -> memref<10000x128xf32, #tpu.memory_space<hbm>>
        tpu.enqueue_indirect_dma source(%dma_start3A_225 : memref<10000x128xf32, #tpu.memory_space<hbm>>) target(%arg16 : memref<80x128xf32, #tpu.memory_space<vmem>>) offsets(%arg8 : memref<80xi32, #tpu.memory_space<vmem>>) semaphore(%arg28 : memref<!tpu.dma_semaphore, #tpu.memory_space<semaphore_mem>>)
      } else {
      }
      %mul3A_171 = arith.constant 10000 : i32
      %mul3A_172 = arith.muli %add3A, %mul3A_171 : i32
      %mul3A_173 = arith.constant 80 : i32
      %mul3A_174 = arith.muli %add3A_160, %mul3A_173 : i32
      %add3A_175 = arith.addi %mul3A_172, %mul3A_174 : i32
      %dma_wait3A_176 = tpu.memref_slice %arg4[%add3A_175] : memref<320000xi32, #tpu.memory_space<hbm>> -> memref<80xi32, #tpu.memory_space<hbm>>
      %dma_wait3A_177 = tpu.memref_slice %arg4[%add3A_175] : memref<320000xi32, #tpu.memory_space<hbm>> -> memref<80xi32, #tpu.memory_space<hbm>>
      tpu.wait_dma2 semaphore(%arg25 : memref<!tpu.dma_semaphore, #tpu.memory_space<semaphore_mem>>) src(%dma_wait3A_177 : memref<80xi32, #tpu.memory_space<hbm>>) dst(%arg13 : memref<80xi32, #tpu.memory_space<vmem>>)
      "tpu.region"() ({
        %run_scoped3A = tpu.sem_alloc : memref<!tpu.dma_semaphore, #tpu.memory_space<semaphore_mem>>
        %dma_start3A_212 = arith.constant 0 : i32
        %dma_start3A_213 = arith.constant 0 : i32
        %dma_start3A_214 = tpu.memref_slice %arg6[%dma_start3A_212, %dma_start3A_213] : memref<10240x128xf32, #tpu.memory_space<vmem_shared>> -> memref<10240x128xf32, #tpu.memory_space<vmem_shared>>
        tpu.enqueue_indirect_dma source(%arg17 : memref<80x128xf32, #tpu.memory_space<vmem>>) target(%dma_start3A_214 : memref<10240x128xf32, #tpu.memory_space<vmem_shared>>) offsets(%arg13 : memref<80xi32, #tpu.memory_space<vmem>>) semaphore(%run_scoped3A : memref<!tpu.dma_semaphore, #tpu.memory_space<semaphore_mem>>) {add = true}
        %dma_wait3A_215 = arith.constant 0 : i32
        %dma_wait3A_216 = arith.constant 0 : i32
        %dma_wait3A_217 = tpu.memref_slice %arg6[%dma_wait3A_215, %dma_wait3A_216] : memref<10240x128xf32, #tpu.memory_space<vmem_shared>> -> memref<10240x128xf32, #tpu.memory_space<vmem_shared>>
        tpu.wait_indirect_dma semaphore(%run_scoped3A : memref<!tpu.dma_semaphore, #tpu.memory_space<semaphore_mem>>) src(%arg17 : memref<80x128xf32, #tpu.memory_space<vmem>>) dst(%dma_wait3A_217 : memref<10240x128xf32, #tpu.memory_space<vmem_shared>>)
        tpu.yield
      }) : () -> ()
      %add3A_178 = arith.constant 4 : i32
      %add3A_179 = arith.addi %add3A_160, %add3A_178 : i32
      %lt3A_180 = arith.constant 125 : i32
      %lt3A_181 = arith.cmpi slt, %add3A_179, %lt3A_180 : i32
      %convert_element_type3A_182 = arith.extui %lt3A_181 : i1 to i32
      %cond3A_183 = arith.constant 0 : i32
      %cond3A_184 = arith.cmpi ne, %convert_element_type3A_182, %cond3A_183 : i32
      scf.if %cond3A_184 {
        %add3A_212 = arith.constant 4 : i32
        %add3A_213 = arith.addi %add3A_160, %add3A_212 : i32
        %mul3A_214 = arith.constant 10000 : i32
        %mul3A_215 = arith.muli %add3A, %mul3A_214 : i32
        %mul3A_216 = arith.constant 80 : i32
        %mul3A_217 = arith.muli %add3A_213, %mul3A_216 : i32
        %add3A_218 = arith.addi %mul3A_215, %mul3A_217 : i32
        %dma_start3A_219 = tpu.memref_slice %arg3[%add3A_218] : memref<320000xi32, #tpu.memory_space<hbm>> -> memref<80xi32, #tpu.memory_space<hbm>>
        %dma_start3A_220 = tpu.memref_slice %arg3[%add3A_218] : memref<320000xi32, #tpu.memory_space<hbm>> -> memref<80xi32, #tpu.memory_space<hbm>>
        tpu.enqueue_dma source(%dma_start3A_220 : memref<80xi32, #tpu.memory_space<hbm>>) target(%arg9 : memref<80xi32, #tpu.memory_space<vmem>>) target_semaphore(%arg21 : memref<!tpu.dma_semaphore, #tpu.memory_space<semaphore_mem>>)
        %add3A_221 = arith.constant 4 : i32
        %add3A_222 = arith.addi %add3A_160, %add3A_221 : i32
        %mul3A_223 = arith.constant 10000 : i32
        %mul3A_224 = arith.muli %add3A, %mul3A_223 : i32
        %mul3A_225 = arith.constant 80 : i32
        %mul3A_226 = arith.muli %add3A_222, %mul3A_225 : i32
        %add3A_227 = arith.addi %mul3A_224, %mul3A_226 : i32
        %dma_start3A_228 = tpu.memref_slice %arg4[%add3A_227] : memref<320000xi32, #tpu.memory_space<hbm>> -> memref<80xi32, #tpu.memory_space<hbm>>
        %dma_start3A_229 = tpu.memref_slice %arg4[%add3A_227] : memref<320000xi32, #tpu.memory_space<hbm>> -> memref<80xi32, #tpu.memory_space<hbm>>
        tpu.enqueue_dma source(%dma_start3A_229 : memref<80xi32, #tpu.memory_space<hbm>>) target(%arg13 : memref<80xi32, #tpu.memory_space<vmem>>) target_semaphore(%arg25 : memref<!tpu.dma_semaphore, #tpu.memory_space<semaphore_mem>>)
      } else {
      }
      %add3A_185 = arith.constant 3 : i32
      %add3A_186 = arith.addi %mul3A_111, %add3A_185 : i32
      %dma_wait3A_187 = arith.constant 0 : i32
      %dma_wait3A_188 = arith.constant 0 : i32
      %dma_wait3A_189 = tpu.memref_slice %arg2[%dma_wait3A_187, %dma_wait3A_188] : memref<10000x128xf32, #tpu.memory_space<hbm>> -> memref<10000x128xf32, #tpu.memory_space<hbm>>
      tpu.wait_indirect_dma semaphore(%arg30 : memref<!tpu.dma_semaphore, #tpu.memory_space<semaphore_mem>>) src(%dma_wait3A_189 : memref<10000x128xf32, #tpu.memory_space<hbm>>) dst(%arg18 : memref<80x128xf32, #tpu.memory_space<vmem>>)
      %add3A_190 = arith.constant 3 : i32
      %add3A_191 = arith.addi %add3A_186, %add3A_190 : i32
      %lt3A_192 = arith.constant 125 : i32
      %lt3A_193 = arith.cmpi slt, %add3A_191, %lt3A_192 : i32
      %convert_element_type3A_194 = arith.extui %lt3A_193 : i1 to i32
      %cond3A_195 = arith.constant 0 : i32
      %cond3A_196 = arith.cmpi ne, %convert_element_type3A_194, %cond3A_195 : i32
      scf.if %cond3A_196 {
        %add3A_212 = arith.constant 3 : i32
        %add3A_213 = arith.addi %add3A_186, %add3A_212 : i32
        %mul3A_214 = arith.constant 10000 : i32
        %mul3A_215 = arith.muli %add3A, %mul3A_214 : i32
        %mul3A_216 = arith.constant 80 : i32
        %mul3A_217 = arith.muli %add3A_213, %mul3A_216 : i32
        %add3A_218 = arith.addi %mul3A_215, %mul3A_217 : i32
        %dma_wait3A_219 = tpu.memref_slice %arg3[%add3A_218] : memref<320000xi32, #tpu.memory_space<hbm>> -> memref<80xi32, #tpu.memory_space<hbm>>
        %dma_wait3A_220 = tpu.memref_slice %arg3[%add3A_218] : memref<320000xi32, #tpu.memory_space<hbm>> -> memref<80xi32, #tpu.memory_space<hbm>>
        tpu.wait_dma2 semaphore(%arg21 : memref<!tpu.dma_semaphore, #tpu.memory_space<semaphore_mem>>) src(%dma_wait3A_220 : memref<80xi32, #tpu.memory_space<hbm>>) dst(%arg9 : memref<80xi32, #tpu.memory_space<vmem>>)
        %add3A_221 = arith.constant 3 : i32
        %add3A_222 = arith.addi %add3A_186, %add3A_221 : i32
        %dma_start3A_223 = arith.constant 0 : i32
        %dma_start3A_224 = arith.constant 0 : i32
        %dma_start3A_225 = tpu.memref_slice %arg2[%dma_start3A_223, %dma_start3A_224] : memref<10000x128xf32, #tpu.memory_space<hbm>> -> memref<10000x128xf32, #tpu.memory_space<hbm>>
        tpu.enqueue_indirect_dma source(%dma_start3A_225 : memref<10000x128xf32, #tpu.memory_space<hbm>>) target(%arg17 : memref<80x128xf32, #tpu.memory_space<vmem>>) offsets(%arg9 : memref<80xi32, #tpu.memory_space<vmem>>) semaphore(%arg29 : memref<!tpu.dma_semaphore, #tpu.memory_space<semaphore_mem>>)
      } else {
      }
      %mul3A_197 = arith.constant 10000 : i32
      %mul3A_198 = arith.muli %add3A, %mul3A_197 : i32
      %mul3A_199 = arith.constant 80 : i32
      %mul3A_200 = arith.muli %add3A_186, %mul3A_199 : i32
      %add3A_201 = arith.addi %mul3A_198, %mul3A_200 : i32
      %dma_wait3A_202 = tpu.memref_slice %arg4[%add3A_201] : memref<320000xi32, #tpu.memory_space<hbm>> -> memref<80xi32, #tpu.memory_space<hbm>>
      %dma_wait3A_203 = tpu.memref_slice %arg4[%add3A_201] : memref<320000xi32, #tpu.memory_space<hbm>> -> memref<80xi32, #tpu.memory_space<hbm>>
      tpu.wait_dma2 semaphore(%arg26 : memref<!tpu.dma_semaphore, #tpu.memory_space<semaphore_mem>>) src(%dma_wait3A_203 : memref<80xi32, #tpu.memory_space<hbm>>) dst(%arg14 : memref<80xi32, #tpu.memory_space<vmem>>)
      "tpu.region"() ({
        %run_scoped3A = tpu.sem_alloc : memref<!tpu.dma_semaphore, #tpu.memory_space<semaphore_mem>>
        %dma_start3A_212 = arith.constant 0 : i32
        %dma_start3A_213 = arith.constant 0 : i32
        %dma_start3A_214 = tpu.memref_slice %arg6[%dma_start3A_212, %dma_start3A_213] : memref<10240x128xf32, #tpu.memory_space<vmem_shared>> -> memref<10240x128xf32, #tpu.memory_space<vmem_shared>>
        tpu.enqueue_indirect_dma source(%arg18 : memref<80x128xf32, #tpu.memory_space<vmem>>) target(%dma_start3A_214 : memref<10240x128xf32, #tpu.memory_space<vmem_shared>>) offsets(%arg14 : memref<80xi32, #tpu.memory_space<vmem>>) semaphore(%run_scoped3A : memref<!tpu.dma_semaphore, #tpu.memory_space<semaphore_mem>>) {add = true}
        %dma_wait3A_215 = arith.constant 0 : i32
        %dma_wait3A_216 = arith.constant 0 : i32
        %dma_wait3A_217 = tpu.memref_slice %arg6[%dma_wait3A_215, %dma_wait3A_216] : memref<10240x128xf32, #tpu.memory_space<vmem_shared>> -> memref<10240x128xf32, #tpu.memory_space<vmem_shared>>
        tpu.wait_indirect_dma semaphore(%run_scoped3A : memref<!tpu.dma_semaphore, #tpu.memory_space<semaphore_mem>>) src(%arg18 : memref<80x128xf32, #tpu.memory_space<vmem>>) dst(%dma_wait3A_217 : memref<10240x128xf32, #tpu.memory_space<vmem_shared>>)
        tpu.yield
      }) : () -> ()
      %add3A_204 = arith.constant 4 : i32
      %add3A_205 = arith.addi %add3A_186, %add3A_204 : i32
      %lt3A_206 = arith.constant 125 : i32
      %lt3A_207 = arith.cmpi slt, %add3A_205, %lt3A_206 : i32
      %convert_element_type3A_208 = arith.extui %lt3A_207 : i1 to i32
      %cond3A_209 = arith.constant 0 : i32
      %cond3A_210 = arith.cmpi ne, %convert_element_type3A_208, %cond3A_209 : i32
      scf.if %cond3A_210 {
        %add3A_212 = arith.constant 4 : i32
        %add3A_213 = arith.addi %add3A_186, %add3A_212 : i32
        %mul3A_214 = arith.constant 10000 : i32
        %mul3A_215 = arith.muli %add3A, %mul3A_214 : i32
        %mul3A_216 = arith.constant 80 : i32
        %mul3A_217 = arith.muli %add3A_213, %mul3A_216 : i32
        %add3A_218 = arith.addi %mul3A_215, %mul3A_217 : i32
        %dma_start3A_219 = tpu.memref_slice %arg3[%add3A_218] : memref<320000xi32, #tpu.memory_space<hbm>> -> memref<80xi32, #tpu.memory_space<hbm>>
        %dma_start3A_220 = tpu.memref_slice %arg3[%add3A_218] : memref<320000xi32, #tpu.memory_space<hbm>> -> memref<80xi32, #tpu.memory_space<hbm>>
        tpu.enqueue_dma source(%dma_start3A_220 : memref<80xi32, #tpu.memory_space<hbm>>) target(%arg10 : memref<80xi32, #tpu.memory_space<vmem>>) target_semaphore(%arg22 : memref<!tpu.dma_semaphore, #tpu.memory_space<semaphore_mem>>)
        %add3A_221 = arith.constant 4 : i32
        %add3A_222 = arith.addi %add3A_186, %add3A_221 : i32
        %mul3A_223 = arith.constant 10000 : i32
        %mul3A_224 = arith.muli %add3A, %mul3A_223 : i32
        %mul3A_225 = arith.constant 80 : i32
        %mul3A_226 = arith.muli %add3A_222, %mul3A_225 : i32
        %add3A_227 = arith.addi %mul3A_224, %mul3A_226 : i32
        %dma_start3A_228 = tpu.memref_slice %arg4[%add3A_227] : memref<320000xi32, #tpu.memory_space<hbm>> -> memref<80xi32, #tpu.memory_space<hbm>>
        %dma_start3A_229 = tpu.memref_slice %arg4[%add3A_227] : memref<320000xi32, #tpu.memory_space<hbm>> -> memref<80xi32, #tpu.memory_space<hbm>>
        tpu.enqueue_dma source(%dma_start3A_229 : memref<80xi32, #tpu.memory_space<hbm>>) target(%arg14 : memref<80xi32, #tpu.memory_space<vmem>>) target_semaphore(%arg26 : memref<!tpu.dma_semaphore, #tpu.memory_space<semaphore_mem>>)
      } else {
      }
      %scan3A_211 = arith.constant 0 : i32
      scf.yield %scan3A_211 : i32
    }
    %scan3A_93 = arith.constant 31 : i32
    %dma_wait3A_94 = arith.constant 0 : i32
    %dma_wait3A_95 = arith.constant 0 : i32
    %dma_wait3A_96 = tpu.memref_slice %arg2[%dma_wait3A_94, %dma_wait3A_95] : memref<10000x128xf32, #tpu.memory_space<hbm>> -> memref<10000x128xf32, #tpu.memory_space<hbm>>
    tpu.wait_indirect_dma semaphore(%arg27 : memref<!tpu.dma_semaphore, #tpu.memory_space<semaphore_mem>>) src(%dma_wait3A_96 : memref<10000x128xf32, #tpu.memory_space<hbm>>) dst(%arg15 : memref<80x128xf32, #tpu.memory_space<vmem>>)
    %mul3A_97 = arith.constant 10000 : i32
    %mul3A_98 = arith.muli %add3A, %mul3A_97 : i32
    %add3A_99 = arith.constant 9920 : i32
    %add3A_100 = arith.addi %mul3A_98, %add3A_99 : i32
    %dma_wait3A_101 = tpu.memref_slice %arg4[%add3A_100] : memref<320000xi32, #tpu.memory_space<hbm>> -> memref<80xi32, #tpu.memory_space<hbm>>
    %dma_wait3A_102 = tpu.memref_slice %arg4[%add3A_100] : memref<320000xi32, #tpu.memory_space<hbm>> -> memref<80xi32, #tpu.memory_space<hbm>>
    tpu.wait_dma2 semaphore(%arg23 : memref<!tpu.dma_semaphore, #tpu.memory_space<semaphore_mem>>) src(%dma_wait3A_102 : memref<80xi32, #tpu.memory_space<hbm>>) dst(%arg11 : memref<80xi32, #tpu.memory_space<vmem>>)
    "tpu.region"() ({
      %run_scoped3A = tpu.sem_alloc : memref<!tpu.dma_semaphore, #tpu.memory_space<semaphore_mem>>
      %dma_start3A_108 = arith.constant 0 : i32
      %dma_start3A_109 = arith.constant 0 : i32
      %dma_start3A_110 = tpu.memref_slice %arg6[%dma_start3A_108, %dma_start3A_109] : memref<10240x128xf32, #tpu.memory_space<vmem_shared>> -> memref<10240x128xf32, #tpu.memory_space<vmem_shared>>
      tpu.enqueue_indirect_dma source(%arg15 : memref<80x128xf32, #tpu.memory_space<vmem>>) target(%dma_start3A_110 : memref<10240x128xf32, #tpu.memory_space<vmem_shared>>) offsets(%arg11 : memref<80xi32, #tpu.memory_space<vmem>>) semaphore(%run_scoped3A : memref<!tpu.dma_semaphore, #tpu.memory_space<semaphore_mem>>) {add = true}
      %dma_wait3A_111 = arith.constant 0 : i32
      %dma_wait3A_112 = arith.constant 0 : i32
      %dma_wait3A_113 = tpu.memref_slice %arg6[%dma_wait3A_111, %dma_wait3A_112] : memref<10240x128xf32, #tpu.memory_space<vmem_shared>> -> memref<10240x128xf32, #tpu.memory_space<vmem_shared>>
      tpu.wait_indirect_dma semaphore(%run_scoped3A : memref<!tpu.dma_semaphore, #tpu.memory_space<semaphore_mem>>) src(%arg15 : memref<80x128xf32, #tpu.memory_space<vmem>>) dst(%dma_wait3A_113 : memref<10240x128xf32, #tpu.memory_space<vmem_shared>>)
      tpu.yield
    }) : () -> ()
    %barrier3A_103 = arith.constant 0 : index
    tpu.barrier barrier_id(%barrier3A_103)
    %mul3A_104 = arith.constant 640 : i32
    %mul3A_105 = arith.muli %arg1, %mul3A_104 : i32
    %mul3A_106 = arith.constant 640 : i32
    %mul3A_107 = arith.muli %arg1, %mul3A_106 : i32
    "tpu.region"() ({
      %run_scoped3A = tpu.sem_alloc : memref<!tpu.dma_semaphore, #tpu.memory_space<semaphore_mem>>
      %dma_start3A_108 = arith.constant 0 : i32
      %dma_start3A_109 = tpu.memref_slice %arg5[%arg0, %mul3A_107, %dma_start3A_108] : memref<2x10240x128xf32, #tpu.memory_space<hbm>> -> memref<1x640x128xf32, #tpu.memory_space<hbm>>
      %dma_start3A_110 = tpu.memref_squeeze %dma_start3A_109 : memref<1x640x128xf32, #tpu.memory_space<hbm>> -> memref<640x128xf32, #tpu.memory_space<hbm>>
      %dma_start3A_111 = arith.constant 0 : i32
      %dma_start3A_112 = tpu.memref_slice %arg6[%mul3A_105, %dma_start3A_111] : memref<10240x128xf32, #tpu.memory_space<vmem_shared>> -> memref<640x128xf32, #tpu.memory_space<vmem_shared>>
      tpu.enqueue_dma source(%dma_start3A_112 : memref<640x128xf32, #tpu.memory_space<vmem_shared>>) target(%dma_start3A_110 : memref<640x128xf32, #tpu.memory_space<hbm>>) target_semaphore(%run_scoped3A : memref<!tpu.dma_semaphore, #tpu.memory_space<semaphore_mem>>)
      %dma_wait3A_113 = arith.constant 0 : i32
      %dma_wait3A_114 = tpu.memref_slice %arg5[%arg0, %mul3A_107, %dma_wait3A_113] : memref<2x10240x128xf32, #tpu.memory_space<hbm>> -> memref<1x640x128xf32, #tpu.memory_space<hbm>>
      %dma_wait3A_115 = tpu.memref_squeeze %dma_wait3A_114 : memref<1x640x128xf32, #tpu.memory_space<hbm>> -> memref<640x128xf32, #tpu.memory_space<hbm>>
      %dma_wait3A_116 = arith.constant 0 : i32
      %dma_wait3A_117 = tpu.memref_slice %arg6[%mul3A_105, %dma_wait3A_116] : memref<10240x128xf32, #tpu.memory_space<vmem_shared>> -> memref<640x128xf32, #tpu.memory_space<vmem_shared>>
      tpu.wait_dma2 semaphore(%run_scoped3A : memref<!tpu.dma_semaphore, #tpu.memory_space<semaphore_mem>>) src(%dma_wait3A_117 : memref<640x128xf32, #tpu.memory_space<vmem_shared>>) dst(%dma_wait3A_115 : memref<640x128xf32, #tpu.memory_space<hbm>>)
      tpu.yield
    }) : () -> ()
    return
  }
}

#map = affine_map<(d0, d1) -> (0, 0, 0)>
#map1 = affine_map<(d0, d1) -> (0, 0)>
module attributes {stable_mosaic.version = 14 : i64} {
  func.func @_sc_deg(%arg0: i32, %arg1: i32, %arg2: memref<32x80x128xi32, #tpu.memory_space<hbm>>, %arg3: memref<2x10240xf32, #tpu.memory_space<hbm>>, %arg4: memref<10240xf32, #tpu.memory_space<vmem_shared>>, %arg5: memref<80x128xi32, #tpu.memory_space<vmem>>, %arg6: memref<128xf32, #tpu.memory_space<vmem>>, %arg7: memref<640xf32, #tpu.memory_space<vmem>>) attributes {dimension_semantics = [#tpu.dimension_semantics<core_parallel>, #tpu.dimension_semantics<subcore_parallel>], iteration_bounds = array<i64: 2, 16>, scalar_prefetch = 0 : i64, scratch_operands = 4 : i64, tpu.core_type = #tpu.core_type<sc_vector_subcore>, window_params = [{transform_indices = #map}, {transform_indices = #map1}]} {
    %mul3A = arith.constant 16 : i32
    %mul3A_0 = arith.muli %arg0, %mul3A : i32
    %add3A = arith.addi %mul3A_0, %arg1 : i32
    "tpu.region"() ({
      %run_scoped3A = tpu.sem_alloc : memref<!tpu.dma_semaphore, #tpu.memory_space<semaphore_mem>>
      %dma_start3A = arith.constant 0 : i32
      %dma_start3A_67 = arith.constant 0 : i32
      %dma_start3A_68 = tpu.memref_slice %arg2[%add3A, %dma_start3A, %dma_start3A_67] : memref<32x80x128xi32, #tpu.memory_space<hbm>> -> memref<1x80x128xi32, #tpu.memory_space<hbm>>
      %dma_start3A_69 = tpu.memref_squeeze %dma_start3A_68 : memref<1x80x128xi32, #tpu.memory_space<hbm>> -> memref<80x128xi32, #tpu.memory_space<hbm>>
      %dma_start3A_70 = arith.constant 0 : i32
      %dma_start3A_71 = arith.constant 0 : i32
      %dma_start3A_72 = tpu.memref_slice %arg2[%add3A, %dma_start3A_70, %dma_start3A_71] : memref<32x80x128xi32, #tpu.memory_space<hbm>> -> memref<1x80x128xi32, #tpu.memory_space<hbm>>
      %dma_start3A_73 = tpu.memref_squeeze %dma_start3A_72 : memref<1x80x128xi32, #tpu.memory_space<hbm>> -> memref<80x128xi32, #tpu.memory_space<hbm>>
      tpu.enqueue_dma source(%dma_start3A_73 : memref<80x128xi32, #tpu.memory_space<hbm>>) target(%arg5 : memref<80x128xi32, #tpu.memory_space<vmem>>) target_semaphore(%run_scoped3A : memref<!tpu.dma_semaphore, #tpu.memory_space<semaphore_mem>>)
      %dma_wait3A = arith.constant 0 : i32
      %dma_wait3A_74 = arith.constant 0 : i32
      %dma_wait3A_75 = tpu.memref_slice %arg2[%add3A, %dma_wait3A, %dma_wait3A_74] : memref<32x80x128xi32, #tpu.memory_space<hbm>> -> memref<1x80x128xi32, #tpu.memory_space<hbm>>
      %dma_wait3A_76 = tpu.memref_squeeze %dma_wait3A_75 : memref<1x80x128xi32, #tpu.memory_space<hbm>> -> memref<80x128xi32, #tpu.memory_space<hbm>>
      %dma_wait3A_77 = arith.constant 0 : i32
      %dma_wait3A_78 = arith.constant 0 : i32
      %dma_wait3A_79 = tpu.memref_slice %arg2[%add3A, %dma_wait3A_77, %dma_wait3A_78] : memref<32x80x128xi32, #tpu.memory_space<hbm>> -> memref<1x80x128xi32, #tpu.memory_space<hbm>>
      %dma_wait3A_80 = tpu.memref_squeeze %dma_wait3A_79 : memref<1x80x128xi32, #tpu.memory_space<hbm>> -> memref<80x128xi32, #tpu.memory_space<hbm>>
      tpu.wait_dma2 semaphore(%run_scoped3A : memref<!tpu.dma_semaphore, #tpu.memory_space<semaphore_mem>>) src(%dma_wait3A_80 : memref<80x128xi32, #tpu.memory_space<hbm>>) dst(%arg5 : memref<80x128xi32, #tpu.memory_space<vmem>>)
      tpu.yield
    }) : () -> ()
    %scan3A = arith.constant 0 : i32
    %scan3A_1 = arith.constant 0 : i32
    %scan3A_2 = arith.constant 40 : i32
    %scan3A_3 = arith.addi %scan3A_1, %scan3A_2 : i32
    %scan3A_4 = arith.constant 1 : i32
    %scan3A_5 = scf.for %scan3A_67 = %scan3A_1 to %scan3A_3 step %scan3A_4 iter_args(%scan3A_68 = %scan3A) -> (i32)  : i32 {
      %broadcast_in_dim3A_69 = arith.constant 0.000000e+00 : f32
      %broadcast_in_dim3A_70 = vector.broadcast %broadcast_in_dim3A_69 : f32 to vector<16xf32>
      %mul3A_71 = arith.constant 16 : i32
      %mul3A_72 = arith.muli %scan3A_67, %mul3A_71 : i32
      %swap3A_73 = arith.index_cast %mul3A_72 : i32 to index
      %swap3A_74 = tpu.vector_load %arg7[%swap3A_73] {strides = array<i32>} : memref<640xf32, #tpu.memory_space<vmem>>, vector<16xf32>,
      %swap3A_75 = vector.shape_cast %swap3A_74 : vector<16xf32> to vector<16xf32>
      %swap3A_76 = vector.shape_cast %broadcast_in_dim3A_70 : vector<16xf32> to vector<16xf32>
      tpu.vector_store %arg7[%swap3A_73], %swap3A_76 {strides = array<i32>} : memref<640xf32, #tpu.memory_space<vmem>>, vector<16xf32>,
      %scan3A_77 = arith.constant 0 : i32
      scf.yield %scan3A_77 : i32
    }
    %scan3A_6 = arith.constant 40 : i32
    %broadcast_in_dim3A = arith.constant 1.000000e+00 : f32
    %broadcast_in_dim3A_7 = vector.broadcast %broadcast_in_dim3A : f32 to vector<16xf32>
    %swap3A = arith.constant 0 : index
    %swap3A_8 = tpu.vector_load %arg6[%swap3A] {strides = array<i32>} : memref<128xf32, #tpu.memory_space<vmem>>, vector<16xf32>,
    %swap3A_9 = vector.shape_cast %swap3A_8 : vector<16xf32> to vector<16xf32>
    %swap3A_10 = vector.shape_cast %broadcast_in_dim3A_7 : vector<16xf32> to vector<16xf32>
    tpu.vector_store %arg6[%swap3A], %swap3A_10 {strides = array<i32>} : memref<128xf32, #tpu.memory_space<vmem>>, vector<16xf32>,
    %broadcast_in_dim3A_11 = arith.constant 1.000000e+00 : f32
    %broadcast_in_dim3A_12 = vector.broadcast %broadcast_in_dim3A_11 : f32 to vector<16xf32>
    %swap3A_13 = arith.constant 16 : index
    %swap3A_14 = tpu.vector_load %arg6[%swap3A_13] {strides = array<i32>} : memref<128xf32, #tpu.memory_space<vmem>>, vector<16xf32>,
    %swap3A_15 = vector.shape_cast %swap3A_14 : vector<16xf32> to vector<16xf32>
    %swap3A_16 = vector.shape_cast %broadcast_in_dim3A_12 : vector<16xf32> to vector<16xf32>
    tpu.vector_store %arg6[%swap3A_13], %swap3A_16 {strides = array<i32>} : memref<128xf32, #tpu.memory_space<vmem>>, vector<16xf32>,
    %broadcast_in_dim3A_17 = arith.constant 1.000000e+00 : f32
    %broadcast_in_dim3A_18 = vector.broadcast %broadcast_in_dim3A_17 : f32 to vector<16xf32>
    %swap3A_19 = arith.constant 32 : index
    %swap3A_20 = tpu.vector_load %arg6[%swap3A_19] {strides = array<i32>} : memref<128xf32, #tpu.memory_space<vmem>>, vector<16xf32>,
    %swap3A_21 = vector.shape_cast %swap3A_20 : vector<16xf32> to vector<16xf32>
    %swap3A_22 = vector.shape_cast %broadcast_in_dim3A_18 : vector<16xf32> to vector<16xf32>
    tpu.vector_store %arg6[%swap3A_19], %swap3A_22 {strides = array<i32>} : memref<128xf32, #tpu.memory_space<vmem>>, vector<16xf32>,
    %broadcast_in_dim3A_23 = arith.constant 1.000000e+00 : f32
    %broadcast_in_dim3A_24 = vector.broadcast %broadcast_in_dim3A_23 : f32 to vector<16xf32>
    %swap3A_25 = arith.constant 48 : index
    %swap3A_26 = tpu.vector_load %arg6[%swap3A_25] {strides = array<i32>} : memref<128xf32, #tpu.memory_space<vmem>>, vector<16xf32>,
    %swap3A_27 = vector.shape_cast %swap3A_26 : vector<16xf32> to vector<16xf32>
    %swap3A_28 = vector.shape_cast %broadcast_in_dim3A_24 : vector<16xf32> to vector<16xf32>
    tpu.vector_store %arg6[%swap3A_25], %swap3A_28 {strides = array<i32>} : memref<128xf32, #tpu.memory_space<vmem>>, vector<16xf32>,
    %broadcast_in_dim3A_29 = arith.constant 1.000000e+00 : f32
    %broadcast_in_dim3A_30 = vector.broadcast %broadcast_in_dim3A_29 : f32 to vector<16xf32>
    %swap3A_31 = arith.constant 64 : index
    %swap3A_32 = tpu.vector_load %arg6[%swap3A_31] {strides = array<i32>} : memref<128xf32, #tpu.memory_space<vmem>>, vector<16xf32>,
    %swap3A_33 = vector.shape_cast %swap3A_32 : vector<16xf32> to vector<16xf32>
    %swap3A_34 = vector.shape_cast %broadcast_in_dim3A_30 : vector<16xf32> to vector<16xf32>
    tpu.vector_store %arg6[%swap3A_31], %swap3A_34 {strides = array<i32>} : memref<128xf32, #tpu.memory_space<vmem>>, vector<16xf32>,
    %broadcast_in_dim3A_35 = arith.constant 1.000000e+00 : f32
    %broadcast_in_dim3A_36 = vector.broadcast %broadcast_in_dim3A_35 : f32 to vector<16xf32>
    %swap3A_37 = arith.constant 80 : index
    %swap3A_38 = tpu.vector_load %arg6[%swap3A_37] {strides = array<i32>} : memref<128xf32, #tpu.memory_space<vmem>>, vector<16xf32>,
    %swap3A_39 = vector.shape_cast %swap3A_38 : vector<16xf32> to vector<16xf32>
    %swap3A_40 = vector.shape_cast %broadcast_in_dim3A_36 : vector<16xf32> to vector<16xf32>
    tpu.vector_store %arg6[%swap3A_37], %swap3A_40 {strides = array<i32>} : memref<128xf32, #tpu.memory_space<vmem>>, vector<16xf32>,
    %broadcast_in_dim3A_41 = arith.constant 1.000000e+00 : f32
    %broadcast_in_dim3A_42 = vector.broadcast %broadcast_in_dim3A_41 : f32 to vector<16xf32>
    %swap3A_43 = arith.constant 96 : index
    %swap3A_44 = tpu.vector_load %arg6[%swap3A_43] {strides = array<i32>} : memref<128xf32, #tpu.memory_space<vmem>>, vector<16xf32>,
    %swap3A_45 = vector.shape_cast %swap3A_44 : vector<16xf32> to vector<16xf32>
    %swap3A_46 = vector.shape_cast %broadcast_in_dim3A_42 : vector<16xf32> to vector<16xf32>
    tpu.vector_store %arg6[%swap3A_43], %swap3A_46 {strides = array<i32>} : memref<128xf32, #tpu.memory_space<vmem>>, vector<16xf32>,
    %broadcast_in_dim3A_47 = arith.constant 1.000000e+00 : f32
    %broadcast_in_dim3A_48 = vector.broadcast %broadcast_in_dim3A_47 : f32 to vector<16xf32>
    %swap3A_49 = arith.constant 112 : index
    %swap3A_50 = tpu.vector_load %arg6[%swap3A_49] {strides = array<i32>} : memref<128xf32, #tpu.memory_space<vmem>>, vector<16xf32>,
    %swap3A_51 = vector.shape_cast %swap3A_50 : vector<16xf32> to vector<16xf32>
    %swap3A_52 = vector.shape_cast %broadcast_in_dim3A_48 : vector<16xf32> to vector<16xf32>
    tpu.vector_store %arg6[%swap3A_49], %swap3A_52 {strides = array<i32>} : memref<128xf32, #tpu.memory_space<vmem>>, vector<16xf32>,
    %mul3A_53 = arith.constant 640 : i32
    %mul3A_54 = arith.muli %arg1, %mul3A_53 : i32
    "tpu.region"() ({
      %run_scoped3A = tpu.sem_alloc : memref<!tpu.dma_semaphore, #tpu.memory_space<semaphore_mem>>
      %dma_start3A = tpu.memref_slice %arg4[%mul3A_54] : memref<10240xf32, #tpu.memory_space<vmem_shared>> -> memref<640xf32, #tpu.memory_space<vmem_shared>>
      %dma_start3A_67 = tpu.memref_slice %arg4[%mul3A_54] : memref<10240xf32, #tpu.memory_space<vmem_shared>> -> memref<640xf32, #tpu.memory_space<vmem_shared>>
      tpu.enqueue_dma source(%arg7 : memref<640xf32, #tpu.memory_space<vmem>>) target(%dma_start3A_67 : memref<640xf32, #tpu.memory_space<vmem_shared>>) target_semaphore(%run_scoped3A : memref<!tpu.dma_semaphore, #tpu.memory_space<semaphore_mem>>)
      %dma_wait3A = tpu.memref_slice %arg4[%mul3A_54] : memref<10240xf32, #tpu.memory_space<vmem_shared>> -> memref<640xf32, #tpu.memory_space<vmem_shared>>
      %dma_wait3A_68 = tpu.memref_slice %arg4[%mul3A_54] : memref<10240xf32, #tpu.memory_space<vmem_shared>> -> memref<640xf32, #tpu.memory_space<vmem_shared>>
      tpu.wait_dma2 semaphore(%run_scoped3A : memref<!tpu.dma_semaphore, #tpu.memory_space<semaphore_mem>>) src(%arg7 : memref<640xf32, #tpu.memory_space<vmem>>) dst(%dma_wait3A_68 : memref<640xf32, #tpu.memory_space<vmem_shared>>)
      tpu.yield
    }) : () -> ()
    %barrier3A = arith.constant 0 : index
    tpu.barrier barrier_id(%barrier3A)
    %scan3A_55 = arith.constant 0 : i32
    %scan3A_56 = arith.constant 0 : i32
    %scan3A_57 = arith.constant 80 : i32
    %scan3A_58 = arith.addi %scan3A_56, %scan3A_57 : i32
    %scan3A_59 = arith.constant 1 : i32
    %scan3A_60 = scf.for %scan3A_67 = %scan3A_56 to %scan3A_58 step %scan3A_59 iter_args(%scan3A_68 = %scan3A_55) -> (i32)  : i32 {
      "tpu.region"() ({
        %run_scoped3A = tpu.sem_alloc : memref<!tpu.dma_semaphore, #tpu.memory_space<semaphore_mem>>
        %dma_start3A = arith.constant 0 : i32
        %dma_start3A_70 = tpu.memref_slice %arg5[%scan3A_67, %dma_start3A] : memref<80x128xi32, #tpu.memory_space<vmem>> -> memref<1x128xi32, #tpu.memory_space<vmem>>
        %dma_start3A_71 = tpu.memref_squeeze %dma_start3A_70 : memref<1x128xi32, #tpu.memory_space<vmem>> -> memref<128xi32, #tpu.memory_space<vmem>>
        %dma_start3A_72 = arith.constant 0 : i32
        %dma_start3A_73 = tpu.memref_slice %arg4[%dma_start3A_72] : memref<10240xf32, #tpu.memory_space<vmem_shared>> -> memref<10240xf32, #tpu.memory_space<vmem_shared>>
        tpu.enqueue_indirect_dma source(%arg6 : memref<128xf32, #tpu.memory_space<vmem>>) target(%dma_start3A_73 : memref<10240xf32, #tpu.memory_space<vmem_shared>>) offsets(%dma_start3A_71 : memref<128xi32, #tpu.memory_space<vmem>>) semaphore(%run_scoped3A : memref<!tpu.dma_semaphore, #tpu.memory_space<semaphore_mem>>) {add = true}
        %dma_wait3A = arith.constant 0 : i32
        %dma_wait3A_74 = tpu.memref_slice %arg5[%scan3A_67, %dma_wait3A] : memref<80x128xi32, #tpu.memory_space<vmem>> -> memref<1x128xi32, #tpu.memory_space<vmem>>
        %dma_wait3A_75 = tpu.memref_squeeze %dma_wait3A_74 : memref<1x128xi32, #tpu.memory_space<vmem>> -> memref<128xi32, #tpu.memory_space<vmem>>
        %dma_wait3A_76 = arith.constant 0 : i32
        %dma_wait3A_77 = tpu.memref_slice %arg4[%dma_wait3A_76] : memref<10240xf32, #tpu.memory_space<vmem_shared>> -> memref<10240xf32, #tpu.memory_space<vmem_shared>>
        tpu.wait_indirect_dma semaphore(%run_scoped3A : memref<!tpu.dma_semaphore, #tpu.memory_space<semaphore_mem>>) src(%arg6 : memref<128xf32, #tpu.memory_space<vmem>>) dst(%dma_wait3A_77 : memref<10240xf32, #tpu.memory_space<vmem_shared>>)
        tpu.yield
      }) : () -> ()
      %scan3A_69 = arith.constant 0 : i32
      scf.yield %scan3A_69 : i32
    }
    %scan3A_61 = arith.constant 80 : i32
    %barrier3A_62 = arith.constant 0 : index
    tpu.barrier barrier_id(%barrier3A_62)
    %mul3A_63 = arith.constant 640 : i32
    %mul3A_64 = arith.muli %arg1, %mul3A_63 : i32
    %mul3A_65 = arith.constant 640 : i32
    %mul3A_66 = arith.muli %arg1, %mul3A_65 : i32
    "tpu.region"() ({
      %run_scoped3A = tpu.sem_alloc : memref<!tpu.dma_semaphore, #tpu.memory_space<semaphore_mem>>
      %dma_start3A = tpu.memref_slice %arg3[%arg0, %mul3A_66] : memref<2x10240xf32, #tpu.memory_space<hbm>> -> memref<1x640xf32, #tpu.memory_space<hbm>>
      %dma_start3A_67 = tpu.memref_squeeze %dma_start3A : memref<1x640xf32, #tpu.memory_space<hbm>> -> memref<640xf32, #tpu.memory_space<hbm>>
      %dma_start3A_68 = tpu.memref_slice %arg4[%mul3A_64] : memref<10240xf32, #tpu.memory_space<vmem_shared>> -> memref<640xf32, #tpu.memory_space<vmem_shared>>
      tpu.enqueue_dma source(%dma_start3A_68 : memref<640xf32, #tpu.memory_space<vmem_shared>>) target(%dma_start3A_67 : memref<640xf32, #tpu.memory_space<hbm>>) target_semaphore(%run_scoped3A : memref<!tpu.dma_semaphore, #tpu.memory_space<semaphore_mem>>)
      %dma_wait3A = tpu.memref_slice %arg3[%arg0, %mul3A_66] : memref<2x10240xf32, #tpu.memory_space<hbm>> -> memref<1x640xf32, #tpu.memory_space<hbm>>
      %dma_wait3A_69 = tpu.memref_squeeze %dma_wait3A : memref<1x640xf32, #tpu.memory_space<hbm>> -> memref<640xf32, #tpu.memory_space<hbm>>
      %dma_wait3A_70 = tpu.memref_slice %arg4[%mul3A_64] : memref<10240xf32, #tpu.memory_space<vmem_shared>> -> memref<640xf32, #tpu.memory_space<vmem_shared>>
      tpu.wait_dma2 semaphore(%run_scoped3A : memref<!tpu.dma_semaphore, #tpu.memory_space<semaphore_mem>>) src(%dma_wait3A_70 : memref<640xf32, #tpu.memory_space<vmem_shared>>) dst(%dma_wait3A_69 : memref<640xf32, #tpu.memory_space<hbm>>)
      tpu.yield
    }) : () -> ()
    return
  }
}

module attributes {stable_mosaic.version = 14 : i64} {
  func.func @_tc_pre_body(%arg0: i32, %arg1: memref<1024x128xf32, #tpu.memory_space<vmem>>, %arg2: memref<128x128xf32, #tpu.memory_space<vmem>>, %arg3: memref<2x1024xf32, #tpu.memory_space<vmem>>, %arg4: memref<1024x128xf32, #tpu.memory_space<vmem>>) attributes {dimension_semantics = [#tpu.dimension_semantics<arbitrary>], iteration_bounds = array<i64: 10>, scalar_prefetch = 0 : i64, scratch_operands = 0 : i64, tpu.core_type = #tpu.core_type<tc>, window_params = [{transform_indices = @transform_0, window_bounds = array<i64: 1024, 128>}, {pipeline_mode = #tpu.pipeline_mode<synchronous>, transform_indices = @transform_1, window_bounds = array<i64: 128, 128>}, {transform_indices = @transform_2, window_bounds = array<i64: 2, 1024>}, {transform_indices = @transform_3, window_bounds = array<i64: 1024, 128>}]} {
    %get3A = arith.constant 0 : index
    %get3A_0 = arith.constant 0 : index
    %get3A_1 = vector.load %arg1[%get3A, %get3A_0] : memref<1024x128xf32, #tpu.memory_space<vmem>>, vector<1024x128xf32>
    %get3A_2 = arith.constant 0 : index
    %get3A_3 = arith.constant 0 : index
    %get3A_4 = vector.load %arg2[%get3A_2, %get3A_3] : memref<128x128xf32, #tpu.memory_space<vmem>>, vector<128x128xf32>
    %dot_general3A = arith.constant dense<0.000000e+00> : vector<1024x128xf32>
    %dot_general3A_5 = tpu.matmul %get3A_1, %get3A_4, %dot_general3A {dimension_numbers = #tpu.dot_dimension_numbers<[1], [0], [0], [1], [0, 0, 1, 1], [], []>, transpose_lhs_hint = false} : vector<1024x128xf32>, vector<128x128xf32>, vector<1024x128xf32> -> vector<1024x128xf32>
    %get3A_6 = arith.constant 0 : index
    %get3A_7 = arith.constant 0 : index
    %get3A_8 = vector.load %arg3[%get3A_6, %get3A_7] : memref<2x1024xf32, #tpu.memory_space<vmem>>, vector<1x1024xf32>
    %get3A_9 = vector.shape_cast %get3A_8 : vector<1x1024xf32> to vector<1024xf32>
    %get3A_10 = arith.constant 1 : index
    %get3A_11 = arith.constant 0 : index
    %get3A_12 = vector.load %arg3[%get3A_10, %get3A_11] : memref<2x1024xf32, #tpu.memory_space<vmem>>, vector<1x1024xf32>
    %get3A_13 = vector.shape_cast %get3A_12 : vector<1x1024xf32> to vector<1024xf32>
    %add3A = arith.addf %get3A_9, %get3A_13 : vector<1024xf32>
    %add3A_14 = arith.constant 1.000000e+00 : f32
    %add3A_15 = vector.broadcast %add3A_14 : f32 to vector<1024xf32>
    %add3A_16 = arith.addf %add3A, %add3A_15 : vector<1024xf32>
    %rsqrt3A = math.rsqrt %add3A_16 : vector<1024xf32>
    %broadcast_in_dim3A = vector.shape_cast %rsqrt3A : vector<1024xf32> to vector<1024x1xf32>
    %mul3A = vector.broadcast %broadcast_in_dim3A : vector<1024x1xf32> to vector<1024x128xf32>
    %mul3A_17 = arith.mulf %dot_general3A_5, %mul3A : vector<1024x128xf32>
    %swap3A = arith.constant 0 : index
    %swap3A_18 = arith.constant 0 : index
    %swap3A_19 = vector.load %arg4[%swap3A, %swap3A_18] : memref<1024x128xf32, #tpu.memory_space<vmem>>, vector<1024x128xf32>
    tpu.vector_store %arg4[%swap3A, %swap3A_18], %mul3A_17 {strides = array<i32>} : memref<1024x128xf32, #tpu.memory_space<vmem>>, vector<1024x128xf32>,
    return
  }
  func.func @transform_0(%arg0: i32) -> (i32, i32) {
    %c0_i32 = arith.constant 0 : i32
    %c0_i32_0 = arith.constant 0 : i32
    return %arg0, %c0_i32 : i32, i32
  }
  func.func @transform_1(%arg0: i32) -> (i32, i32) {
    %c0_i32 = arith.constant 0 : i32
    %c0_i32_0 = arith.constant 0 : i32
    %c0_i32_1 = arith.constant 0 : i32
    return %c0_i32, %c0_i32_0 : i32, i32
  }
  func.func @transform_2(%arg0: i32) -> (i32, i32) {
    %c0_i32 = arith.constant 0 : i32
    %c0_i32_0 = arith.constant 0 : i32
    return %c0_i32, %arg0 : i32, i32
  }
  func.func @transform_3(%arg0: i32) -> (i32, i32) {
    %c0_i32 = arith.constant 0 : i32
    %c0_i32_0 = arith.constant 0 : i32
    return %arg0, %c0_i32 : i32, i32
  }
}

module attributes {stable_mosaic.version = 14 : i64} {
  func.func @_tc_mid_body(%arg0: i32, %arg1: memref<2x1024x128xf32, #tpu.memory_space<vmem>>, %arg2: memref<1024x128xf32, #tpu.memory_space<vmem>>, %arg3: memref<2x1024xf32, #tpu.memory_space<vmem>>, %arg4: memref<1x128xf32, #tpu.memory_space<vmem>>, %arg5: memref<128x128xf32, #tpu.memory_space<vmem>>, %arg6: memref<1024x128xf32, #tpu.memory_space<vmem>>) attributes {dimension_semantics = [#tpu.dimension_semantics<arbitrary>], iteration_bounds = array<i64: 10>, scalar_prefetch = 0 : i64, scratch_operands = 0 : i64, tpu.core_type = #tpu.core_type<tc>, window_params = [{transform_indices = @transform_0, window_bounds = array<i64: 2, 1024, 128>}, {transform_indices = @transform_1, window_bounds = array<i64: 1024, 128>}, {transform_indices = @transform_2, window_bounds = array<i64: 2, 1024>}, {pipeline_mode = #tpu.pipeline_mode<synchronous>, transform_indices = @transform_3, window_bounds = array<i64: 1, 128>}, {pipeline_mode = #tpu.pipeline_mode<synchronous>, transform_indices = @transform_4, window_bounds = array<i64: 128, 128>}, {transform_indices = @transform_5, window_bounds = array<i64: 1024, 128>}]} {
    %get3A = arith.constant 0 : index
    %get3A_0 = arith.constant 0 : index
    %get3A_1 = vector.load %arg3[%get3A, %get3A_0] : memref<2x1024xf32, #tpu.memory_space<vmem>>, vector<1x1024xf32>
    %get3A_2 = vector.shape_cast %get3A_1 : vector<1x1024xf32> to vector<1024xf32>
    %get3A_3 = arith.constant 1 : index
    %get3A_4 = arith.constant 0 : index
    %get3A_5 = vector.load %arg3[%get3A_3, %get3A_4] : memref<2x1024xf32, #tpu.memory_space<vmem>>, vector<1x1024xf32>
    %get3A_6 = vector.shape_cast %get3A_5 : vector<1x1024xf32> to vector<1024xf32>
    %add3A = arith.addf %get3A_2, %get3A_6 : vector<1024xf32>
    %add3A_7 = arith.constant 1.000000e+00 : f32
    %add3A_8 = vector.broadcast %add3A_7 : f32 to vector<1024xf32>
    %add3A_9 = arith.addf %add3A, %add3A_8 : vector<1024xf32>
    %rsqrt3A = math.rsqrt %add3A_9 : vector<1024xf32>
    %broadcast_in_dim3A = vector.shape_cast %rsqrt3A : vector<1024xf32> to vector<1024x1xf32>
    %get3A_10 = arith.constant 0 : index
    %get3A_11 = arith.constant 0 : index
    %get3A_12 = arith.constant 0 : index
    %get3A_13 = vector.load %arg1[%get3A_10, %get3A_11, %get3A_12] : memref<2x1024x128xf32, #tpu.memory_space<vmem>>, vector<1x1024x128xf32>
    %get3A_14 = vector.shape_cast %get3A_13 : vector<1x1024x128xf32> to vector<1024x128xf32>
    %get3A_15 = arith.constant 1 : index
    %get3A_16 = arith.constant 0 : index
    %get3A_17 = arith.constant 0 : index
    %get3A_18 = vector.load %arg1[%get3A_15, %get3A_16, %get3A_17] : memref<2x1024x128xf32, #tpu.memory_space<vmem>>, vector<1x1024x128xf32>
    %get3A_19 = vector.shape_cast %get3A_18 : vector<1x1024x128xf32> to vector<1024x128xf32>
    %add3A_20 = arith.addf %get3A_14, %get3A_19 : vector<1024x128xf32>
    %get3A_21 = arith.constant 0 : index
    %get3A_22 = arith.constant 0 : index
    %get3A_23 = vector.load %arg2[%get3A_21, %get3A_22] : memref<1024x128xf32, #tpu.memory_space<vmem>>, vector<1024x128xf32>
    %add3A_24 = arith.addf %add3A_20, %get3A_23 : vector<1024x128xf32>
    %mul3A = vector.broadcast %broadcast_in_dim3A : vector<1024x1xf32> to vector<1024x128xf32>
    %mul3A_25 = arith.mulf %mul3A, %add3A_24 : vector<1024x128xf32>
    %get3A_26 = arith.constant 0 : index
    %get3A_27 = arith.constant 0 : index
    %get3A_28 = vector.load %arg4[%get3A_26, %get3A_27] : memref<1x128xf32, #tpu.memory_space<vmem>>, vector<1x128xf32>
    %add3A_29 = vector.broadcast %get3A_28 : vector<1x128xf32> to vector<1024x128xf32>
    %add3A_30 = arith.addf %mul3A_25, %add3A_29 : vector<1024x128xf32>
    %max3A = arith.constant 0.000000e+00 : f32
    %max3A_31 = vector.broadcast %max3A : f32 to vector<1024x128xf32>
    %max3A_32 = arith.maximumf %add3A_30, %max3A_31 : vector<1024x128xf32>
    %get3A_33 = arith.constant 0 : index
    %get3A_34 = arith.constant 0 : index
    %get3A_35 = vector.load %arg5[%get3A_33, %get3A_34] : memref<128x128xf32, #tpu.memory_space<vmem>>, vector<128x128xf32>
    %dot_general3A = arith.constant dense<0.000000e+00> : vector<1024x128xf32>
    %dot_general3A_36 = tpu.matmul %max3A_32, %get3A_35, %dot_general3A {dimension_numbers = #tpu.dot_dimension_numbers<[1], [0], [0], [1], [0, 0, 1, 1], [], []>, transpose_lhs_hint = false} : vector<1024x128xf32>, vector<128x128xf32>, vector<1024x128xf32> -> vector<1024x128xf32>
    %mul3A_37 = vector.broadcast %broadcast_in_dim3A : vector<1024x1xf32> to vector<1024x128xf32>
    %mul3A_38 = arith.mulf %dot_general3A_36, %mul3A_37 : vector<1024x128xf32>
    %swap3A = arith.constant 0 : index
    %swap3A_39 = arith.constant 0 : index
    %swap3A_40 = vector.load %arg6[%swap3A, %swap3A_39] : memref<1024x128xf32, #tpu.memory_space<vmem>>, vector<1024x128xf32>
    tpu.vector_store %arg6[%swap3A, %swap3A_39], %mul3A_38 {strides = array<i32>} : memref<1024x128xf32, #tpu.memory_space<vmem>>, vector<1024x128xf32>,
    return
  }
  func.func @transform_0(%arg0: i32) -> (i32, i32, i32) {
    %c0_i32 = arith.constant 0 : i32
    %c0_i32_0 = arith.constant 0 : i32
    %c0_i32_1 = arith.constant 0 : i32
    return %c0_i32, %arg0, %c0_i32_0 : i32, i32, i32
  }
  func.func @transform_1(%arg0: i32) -> (i32, i32) {
    %c0_i32 = arith.constant 0 : i32
    %c0_i32_0 = arith.constant 0 : i32
    return %arg0, %c0_i32 : i32, i32
  }
  func.func @transform_2(%arg0: i32) -> (i32, i32) {
    %c0_i32 = arith.constant 0 : i32
    %c0_i32_0 = arith.constant 0 : i32
    return %c0_i32, %arg0 : i32, i32
  }
  func.func @transform_3(%arg0: i32) -> (i32, i32) {
    %c0_i32 = arith.constant 0 : i32
    %c0_i32_0 = arith.constant 0 : i32
    %c0_i32_1 = arith.constant 0 : i32
    return %c0_i32, %c0_i32_0 : i32, i32
  }
  func.func @transform_4(%arg0: i32) -> (i32, i32) {
    %c0_i32 = arith.constant 0 : i32
    %c0_i32_0 = arith.constant 0 : i32
    %c0_i32_1 = arith.constant 0 : i32
    return %c0_i32, %c0_i32_0 : i32, i32
  }
  func.func @transform_5(%arg0: i32) -> (i32, i32) {
    %c0_i32 = arith.constant 0 : i32
    %c0_i32_0 = arith.constant 0 : i32
    return %arg0, %c0_i32 : i32, i32
  }
}

module attributes {stable_mosaic.version = 14 : i64} {
  func.func @_tc_post_body(%arg0: i32, %arg1: memref<2x1024x128xf32, #tpu.memory_space<vmem>>, %arg2: memref<1024x128xf32, #tpu.memory_space<vmem>>, %arg3: memref<2x1024xf32, #tpu.memory_space<vmem>>, %arg4: memref<1x128xf32, #tpu.memory_space<vmem>>, %arg5: memref<1024x128xf32, #tpu.memory_space<vmem>>) attributes {dimension_semantics = [#tpu.dimension_semantics<arbitrary>], iteration_bounds = array<i64: 10>, scalar_prefetch = 0 : i64, scratch_operands = 0 : i64, tpu.core_type = #tpu.core_type<tc>, window_params = [{transform_indices = @transform_0, window_bounds = array<i64: 2, 1024, 128>}, {transform_indices = @transform_1, window_bounds = array<i64: 1024, 128>}, {transform_indices = @transform_2, window_bounds = array<i64: 2, 1024>}, {pipeline_mode = #tpu.pipeline_mode<synchronous>, transform_indices = @transform_3, window_bounds = array<i64: 1, 128>}, {transform_indices = @transform_4, window_bounds = array<i64: 1024, 128>}]} {
    %get3A = arith.constant 0 : index
    %get3A_0 = arith.constant 0 : index
    %get3A_1 = vector.load %arg3[%get3A, %get3A_0] : memref<2x1024xf32, #tpu.memory_space<vmem>>, vector<1x1024xf32>
    %get3A_2 = vector.shape_cast %get3A_1 : vector<1x1024xf32> to vector<1024xf32>
    %get3A_3 = arith.constant 1 : index
    %get3A_4 = arith.constant 0 : index
    %get3A_5 = vector.load %arg3[%get3A_3, %get3A_4] : memref<2x1024xf32, #tpu.memory_space<vmem>>, vector<1x1024xf32>
    %get3A_6 = vector.shape_cast %get3A_5 : vector<1x1024xf32> to vector<1024xf32>
    %add3A = arith.addf %get3A_2, %get3A_6 : vector<1024xf32>
    %add3A_7 = arith.constant 1.000000e+00 : f32
    %add3A_8 = vector.broadcast %add3A_7 : f32 to vector<1024xf32>
    %add3A_9 = arith.addf %add3A, %add3A_8 : vector<1024xf32>
    %rsqrt3A = math.rsqrt %add3A_9 : vector<1024xf32>
    %broadcast_in_dim3A = vector.shape_cast %rsqrt3A : vector<1024xf32> to vector<1024x1xf32>
    %get3A_10 = arith.constant 0 : index
    %get3A_11 = arith.constant 0 : index
    %get3A_12 = arith.constant 0 : index
    %get3A_13 = vector.load %arg1[%get3A_10, %get3A_11, %get3A_12] : memref<2x1024x128xf32, #tpu.memory_space<vmem>>, vector<1x1024x128xf32>
    %get3A_14 = vector.shape_cast %get3A_13 : vector<1x1024x128xf32> to vector<1024x128xf32>
    %get3A_15 = arith.constant 1 : index
    %get3A_16 = arith.constant 0 : index
    %get3A_17 = arith.constant 0 : index
    %get3A_18 = vector.load %arg1[%get3A_15, %get3A_16, %get3A_17] : memref<2x1024x128xf32, #tpu.memory_space<vmem>>, vector<1x1024x128xf32>
    %get3A_19 = vector.shape_cast %get3A_18 : vector<1x1024x128xf32> to vector<1024x128xf32>
    %add3A_20 = arith.addf %get3A_14, %get3A_19 : vector<1024x128xf32>
    %get3A_21 = arith.constant 0 : index
    %get3A_22 = arith.constant 0 : index
    %get3A_23 = vector.load %arg2[%get3A_21, %get3A_22] : memref<1024x128xf32, #tpu.memory_space<vmem>>, vector<1024x128xf32>
    %add3A_24 = arith.addf %add3A_20, %get3A_23 : vector<1024x128xf32>
    %mul3A = vector.broadcast %broadcast_in_dim3A : vector<1024x1xf32> to vector<1024x128xf32>
    %mul3A_25 = arith.mulf %mul3A, %add3A_24 : vector<1024x128xf32>
    %get3A_26 = arith.constant 0 : index
    %get3A_27 = arith.constant 0 : index
    %get3A_28 = vector.load %arg4[%get3A_26, %get3A_27] : memref<1x128xf32, #tpu.memory_space<vmem>>, vector<1x128xf32>
    %add3A_29 = vector.broadcast %get3A_28 : vector<1x128xf32> to vector<1024x128xf32>
    %add3A_30 = arith.addf %mul3A_25, %add3A_29 : vector<1024x128xf32>
    %max3A = arith.constant 0.000000e+00 : f32
    %max3A_31 = vector.broadcast %max3A : f32 to vector<1024x128xf32>
    %max3A_32 = arith.maximumf %add3A_30, %max3A_31 : vector<1024x128xf32>
    %swap3A = arith.constant 0 : index
    %swap3A_33 = arith.constant 0 : index
    %swap3A_34 = vector.load %arg5[%swap3A, %swap3A_33] : memref<1024x128xf32, #tpu.memory_space<vmem>>, vector<1024x128xf32>
    tpu.vector_store %arg5[%swap3A, %swap3A_33], %max3A_32 {strides = array<i32>} : memref<1024x128xf32, #tpu.memory_space<vmem>>, vector<1024x128xf32>,
    return
  }
  func.func @transform_0(%arg0: i32) -> (i32, i32, i32) {
    %c0_i32 = arith.constant 0 : i32
    %c0_i32_0 = arith.constant 0 : i32
    %c0_i32_1 = arith.constant 0 : i32
    return %c0_i32, %arg0, %c0_i32_0 : i32, i32, i32
  }
  func.func @transform_1(%arg0: i32) -> (i32, i32) {
    %c0_i32 = arith.constant 0 : i32
    %c0_i32_0 = arith.constant 0 : i32
    return %arg0, %c0_i32 : i32, i32
  }
  func.func @transform_2(%arg0: i32) -> (i32, i32) {
    %c0_i32 = arith.constant 0 : i32
    %c0_i32_0 = arith.constant 0 : i32
    return %c0_i32, %arg0 : i32, i32
  }
  func.func @transform_3(%arg0: i32) -> (i32, i32) {
    %c0_i32 = arith.constant 0 : i32
    %c0_i32_0 = arith.constant 0 : i32
    %c0_i32_1 = arith.constant 0 : i32
    return %c0_i32, %c0_i32_0 : i32, i32
  }
  func.func @transform_4(%arg0: i32) -> (i32, i32) {
    %c0_i32 = arith.constant 0 : i32
    %c0_i32_0 = arith.constant 0 : i32
    return %arg0, %c0_i32 : i32, i32
  }
}

</mosaic_0001>

<sc_bundles>
// kernel: kernel.11.cloned.1.call-start
scs
__scs_entry_jumppad:
0x0: {  	(pc) =	sbr.rel $0x88, $3  }
0x1: {  	(tag) =	ssettag $0x0;
	lr =	simm.s32 $0x1  }
0x2: {  	[smem:$0x3F9B] =	sst lr;
	_ =	strace $0xD0000000  }
0x3: {  	_ = 	snop  }
0x4: {  	_ = 	snop  }
0x5: {  	_ = 	snop  }
0x6: {  	_ = 	snop  }
0x7: {  	_ = 	snop  }
__scs_overlays_trampoline_lowered:
0x8: {  	[smem:$0x3FAA] =	sst s0  }
0x9: {  	[smem:$0x3FAB] =	sst s1  }
0xa: {  	[smem:$0x3FAC] =	sst s2  }
0xb: {  	[smem:$0x3FAD] =	sst s3  }
0xc: {  	[smem:$0x3FAE] =	sst s4  }
0xd: {  	[smem:$0x3FAF] =	sst s5  }
0xe: {  	[smem:$0x3FB0] =	sst s6  }
0xf: {  	[smem:$0x3FB1] =	sst s7  }
0x10: {  	[smem:$0x3FB2] =	sst s8  }
0x11: {  	[smem:$0x3FB3] =	sst s9;
	s0 =	simm.s32 @!p0 $0x0  }
0x12: {  	s1 =	sld [smem:$0x3F99];
	s0 =	simm.s32 @p0 $0x1  }
0x13: {  	[smem:$0x3FB4] =	sst s0;
	s0 =	simm.s32 @!p1 $0x0  }
0x14: {  	s2 =	sld [smem:$0x3F98];
	s0 =	simm.s32 @p1 $0x1  }
0x15: {  	[smem:$0x3FB5] =	sst s0;
	s0 =	simm.s32 @!p2 $0x0  }
0x16: {  	s3 =	sld [smem:$0x3FDB];
	s0 =	simm.s32 @p2 $0x1  }
0x17: {  	s4 =	simm.s32 $0x1BF5;
	[smem:$0x3FB7] =	sst s0  }
0x18: {  	s0 =	sld [smem:$0x3F9A];
	_ =	swait.ge [sflag:s4], $0x0  }
0x19: {  	s7 =	sld [smem:$0x3F9B]  }
0x1a: {  	s8 =	sadd.s32 $0xFFFFE003, lr  }
0x1b: {  	s9 =	sadd.s32 $0xFFFFFEF7, lr;
	s5 =	simm.s32 $0xFFFFFFFF;
	p2 =	slt.u32 s8, $0xFFFFF086  }
0x1c: {  	p1 =	slt.u32 s9, $0xF7A;
	s5 =	simm.s32 @!p2 $0x0  }
0x1d: {  	s5 =	simm.s32 @p1 $0x1;
	p0 =	seq.s32 s7, s2  }
0x1e: {  	s7 =	smul.u32 @!p0 $0xF7A, s2;
	p2 =	seq.s32 @!p0 s5, $0x0  }
0x1f: {  	s9 =	smul.u32 $0xF7A, s1;
	s8 =	simm.s32 @!p0 $0x1BF5;
	p2 =	por !p2, p0  }
0x20: {  	[sflag:s8] =	ssyncset.s32 @!p0 $0xFFFFF086;
	s6 =	sadd.s32 @!p0 s3, s7;
	s7 =	simm.s32 @!p0 $0x108  }
0x21: {  	s3 =	sadd.s32 s3, s9;
	s6 =	sadd.s32 @!p0 $0x88, s6;
	s7 =	simm.s32 @p2 $0x1082  }
0x22: {  	[simem:s7], [sflag:s8] =	dma.local @!p0 [hbm:s6], $0xF7A  }
0x23: {  	s9 =	sor.u32 $0xD0000000, s2;
	s6 =	simm.s32 $0x108;
	_ =	swait.ge @!p0 [sflag:s8], $0x0  }
0x24: {  	s3 =	sadd.s32 $0x88, s3;
	s6 =	simm.s32 @!p1 $0x1082;
	[sflag:s4] =	ssyncset.s32 $0xFFFFF086  }
0x25: {  	[simem:s6], [sflag:s4] =	dma.local [hbm:s3], $0xF7A  }
0x26: {  	[smem:$0x3F9B] =	sst s1;
	(tag) =	ssettag s2;
	_ =	strace s9  }
0x27: {  	s1 =	sld [smem:$0x3FAB]  }
0x28: {  	s2 =	sld [smem:$0x3FAC]  }
0x29: {  	s4 =	sld [smem:$0x3FAE]  }
0x2a: {  	p0 =	seq.s32 s5, $0x0;
	s5 =	sld [smem:$0x3FAF]  }
0x2b: {  	s6 =	sld [smem:$0x3FB0]  }
0x2c: {  	s7 =	sld [smem:$0x3FB1]  }
0x2d: {  	s3 =	simm.s32 $0x108;
	s8 =	sld [smem:$0x3FB2]  }
0x2e: {  	s3 =	simm.s32 @!p0 $0x1082;
	s9 =	sld [smem:$0x3FB3]  }
0x2f: {  	lr =	sadd.s32 s0, s3;
	s0 =	sld [smem:$0x3FAA]  }
0x30: {  	s3 =	sld [smem:$0x3FAD]  }
0x31: {  	[smem:$0x3FB6] =	sst s10  }
0x32: {  	s10 =	sld [smem:$0x3FB4];
	_ =	sdelay $0x3  }
0x33: {  	p0 =	seq.s32 s10, $0x1;
	s10 =	sld [smem:$0x3FB6];
	_ =	sdelay $0x3  }
0x34: {  	[smem:$0x3FB6] =	sst s10  }
0x35: {  	s10 =	sld [smem:$0x3FB5];
	_ =	sdelay $0x3  }
0x36: {  	p1 =	seq.s32 s10, $0x1;
	s10 =	sld [smem:$0x3FB6];
	_ =	sdelay $0x3  }
0x37: {  	[smem:$0x3FB6] =	sst s10  }
0x38: {  	s10 =	sld [smem:$0x3FB7]  }
0x39: {  	_ = 	snop;
	(pc) =	sbr.ind lr, $3  }
0x3a: {  	_ = 	snop  }
0x3b: {  	_ = 	snop  }
0x3c: {  	p2 =	seq.s32 s10, $0x1;
	s10 =	sld [smem:$0x3FB6]  }
0x3d: {  	_ =	shalt  }
0x3e: {  	_ =	shalt  }
0x3f: {  	_ =	shalt  }
0x40: {  	_ =	shalt  }
0x41: {  	_ =	shalt  }
0x42: {  	_ =	shalt  }
0x43: {  	_ =	shalt  }
0x44: {  	_ =	shalt  }
0x45: {  	_ =	shalt  }
0x46: {  	_ =	shalt  }
0x47: {  	_ =	shalt  }
0x48: {  	_ =	shalt  }
0x49: {  	_ =	shalt  }
0x4a: {  	_ =	shalt  }
0x4b: {  	_ =	shalt  }
0x4c: {  	_ =	shalt  }
0x4d: {  	_ =	shalt  }
0x4e: {  	_ =	shalt  }
0x4f: {  	_ =	shalt  }
0x50: {  	_ =	shalt  }
0x51: {  	_ =	shalt  }
0x52: {  	_ =	shalt  }
0x53: {  	_ =	shalt  }
0x54: {  	_ =	shalt  }
0x55: {  	_ =	shalt  }
0x56: {  	_ =	shalt  }
0x57: {  	_ =	shalt  }
0x58: {  	_ =	shalt  }
0x59: {  	_ =	shalt  }
0x5a: {  	_ =	shalt  }
0x5b: {  	_ =	shalt  }
0x5c: {  	_ =	shalt  }
0x5d: {  	_ =	shalt  }
0x5e: {  	_ =	shalt  }
0x5f: {  	_ =	shalt  }
0x60: {  	_ =	shalt  }
0x61: {  	_ =	shalt  }
0x62: {  	_ =	shalt  }
0x63: {  	_ =	shalt  }
0x64: {  	_ =	shalt  }
0x65: {  	_ =	shalt  }
0x66: {  	_ =	shalt  }
0x67: {  	_ =	shalt  }
0x68: {  	_ =	shalt  }
0x69: {  	_ =	shalt  }
0x6a: {  	_ =	shalt  }
0x6b: {  	_ =	shalt  }
0x6c: {  	_ =	shalt  }
0x6d: {  	_ =	shalt  }
0x6e: {  	_ =	shalt  }
0x6f: {  	_ =	shalt  }
0x70: {  	_ =	shalt  }
0x71: {  	_ =	shalt  }
0x72: {  	_ =	shalt  }
0x73: {  	_ =	shalt  }
0x74: {  	_ =	shalt  }
0x75: {  	_ =	shalt  }
0x76: {  	_ =	shalt  }
0x77: {  	_ =	shalt  }
0x78: {  	_ =	shalt  }
0x79: {  	_ =	shalt  }
0x7a: {  	_ =	shalt  }
0x7b: {  	_ =	shalt  }
0x7c: {  	_ =	shalt  }
0x7d: {  	_ =	shalt  }
0x7e: {  	_ =	shalt  }
0x7f: {  	_ =	shalt  }
0x80: {  	_ =	shalt  }
0x81: {  	_ =	shalt  }
0x82: {  	_ =	shalt  }
0x83: {  	_ =	shalt  }
0x84: {  	_ =	shalt  }
0x85: {  	_ =	shalt  }
0x86: {  	_ =	shalt  }
0x87: {  	_ =	shalt  }
.Lfunc_end0:
.L_simem_size_0:
called_computation.1_lowered:
.L_overlay_start_0:
0x88: {  	s2 =	sld [smem:$0x3FD9]  }
0x89: {  	s3 =	sld [smem:$0x3FFE];
	_ =	sdelay $0x1  }
0x8a: {  	s1 =	srdreg.scid  }
0x8b: {  	s0 =	sand.u32 $0x1, s1  }
0x8c: {  	s17 =	sshll.u32 s0, $0xA;
	s2 =	sadd.s32 s3, s2  }
0x8d: {  	s2 =	sadd.s32 s2, s17  }
0x8e: {  	[smem:$0x3FC2] =	sst s2  }
0x8f: {  	_ = 	snop  }
0x90: {  	s2 =	sld [smem:$0x3FD0];
	(tm) =	ssettm $0x1  }
0x91: {  	s18 =	sld [smem:$0x3FFB];
	_ =	sdelay $0x3  }
0x92: {  	_ =	strace s18  }
0x93: {  	s3 =	sld [smem:$0x3FFC];
	_ =	sdelay $0x3  }
0x94: {  	_ =	strace s3  }
0x95: {  	s3 =	sld [smem:$0x3FFD];
	_ =	sdelay $0x3  }
0x96: {  	_ =	strace s3  }
0x97: {  	_ =	strace $0x8FFFFFFF  }
0x98: {  	s19 =	sld [smem:$0x3FDB];
	_ =	sdelay $0x1  }
0x99: {  	s4 =	simm.s32 $_scs_section_size  }
0x9a: {  	s5 =	simm.s32 $_size__tile_overlayer_lowered;
	s6 =	simm.s32 $_tile_overlayer_lowered  }
0x9b: {  	s22 =	simm.s32 $0x1BFF;
	s21 =	sshll.u32 s6, $0x1;
	s3 =	sadd.s32 s4, s19  }
0x9c: {  	s7 =	simm.s32 $0x0;
	s20 =	sshll.u32 s5, $0x1;
	s5 =	sadd.s32 s21, s3  }
0x9d: {  	[timem:s7], [sflag:s22] =	dma.local [hbm:s5], s20  }
0x9e: {  	_ =	swait.ge [sflag:s22], s20  }
0x9f: {  	s4 =	ssub.s32 $0x0, s20;
	[sflag:s22] =	ssyncset.done $0x0  }
0xa0: {  	[sflag:s22] =	ssyncadd.s32 s4;
	_ =	sdelay $0x1  }
0xa1: {  	s23 =	simm.s32 $0x1B8B  }
0xa2: {  	_ =	swait.ge [sflag:s23], $0x1  }
0xa3: {  	[sflag:s23] =	ssyncset.done $0x0  }
0xa4: {  	s25 =	simm.s32 $0x1B8E;
	s24 =	sld [smem:$0x3FFE];
	[sflag:s23] =	ssyncadd.s32 $0xFFFFFFFF  }
0xa5: {  	s26 =	simm.s32 $execute0_lowered;
	[smem:$0x3FD2] =	sst s25  }
0xa6: {  	s5 =	sshll.u32 s26, $0x1;
	_ =	strace $0x80000049;
	[dreg:$0x1] =	wrdreg $0xFFFFFFFF  }
0xa7: {  	s28 =	simm.s32 $_size_execute0_lowered;
	s3 =	sadd.s32 s3, s5;
	[dreg:$0x0] =	wrdreg $0x0  }
0xa8: {  	s5 =	sshll.u32 s28, $0x1;
	[dreg:$0x2] =	wrdreg s3  }
0xa9: {  	[dreg:$0x3] =	wrdreg s5  }
0xaa: {  	[dreg:$0x4] =	wrdreg $0xC0  }
0xab: {  	_ =	task [dreg:s7], $0x5FFFF  }
0xac: {  	[dreg:$0x1] =	wrdreg $0xFFFFFFFF  }
0xad: {  	[dreg:$0x0] =	wrdreg $0x60  }
0xae: {  	[dreg:$0x2] =	wrdreg s2  }
0xaf: {  	[dreg:$0x3] =	wrdreg s24  }
0xb0: {  	[dreg:$0x4] =	wrdreg $0x0  }
0xb1: {  	[dreg:$0x5] =	wrdreg $0x9  }
0xb2: {  	_ =	task.clear_ibuf [dreg:s7], $0x6FFFF;
	_ =	strace $0x90000049  }
0xb3: {  	s29 =	simm.s32 $0x9;
	_ =	strace $0x8000004B  }
0xb4: {  	_ =	swait.ge [sflag:s29], $0x1  }
0xb5: {  	[sflag:s29] =	ssyncadd.s32 $0xFFFFFFFF  }
0xb6: {  	_ =	strace $0x9000004B  }
0xb7: {  	_ =	sfence  }
0xb8: {  	s30 =	sld [smem:$0x0];
	_ =	sdelay $0x2  }
0xb9: {  	s31 =	sshll.u32 s1, $0xD;
	s1 =	sshrl.u32 s1, $0x2  }
0xba: {  	s3 =	sand.u32 $0x4000, s31;
	s1 =	sadd.s32 s1, s30  }
0xbb: {  	s0 =	sor.u32 s3, s0;
	s1 =	sshll.u32 s1, $0x11  }
0xbc: {  	s0 =	sor.u32 s1, s0  }
0xbd: {  	s0 =	sadd.s32 $0x8F2B, s0  }
0xbe: {  	[sflag:s0] =	ssyncadd.remote.s32 $0x1  }
0xbf: {  	_ =	sfence.sel $0xFFFF  }
0xc0: {  	[dreg:$0x0] =	wrdreg $0xFFFFFFFF;
	(pc) =	sbr.abs _section_cstart, $3  }
0xc1: {  	[dreg:$0x1] =	wrdreg $0xFFFFFFFF  }
0xc2: {  	_ =	task.clear_ibuf [dreg:s7], $0x2FFFF;
	_ =	strace $0x9FFFFFFF  }
0xc3: {  	(tm) =	ssettm $0x7FFFFFFF  }
tec
execute0_lowered:
.L_overlay_start_1:
0x0: {  	(tag) =	ssettag $0x1  }
0x1: {  	s1 =	rddreg [dreg:$0x0]  }
0x2: {  	s0 =	rddreg [dreg:$0x1]  }
0x3: {  	s2 =	rddreg [dreg:$0x2]  }
0x4: {  	s3 =	srdreg.scid;
	s11 =	stileid.u32  }
0x5: {  	s4 =	simm.s32 $0x0;
	s30 =	simm.s32 $0x9;
	s8 =	smul.u32 $0x14000, s11  }
0x6: {  	s31 =	simm.s32 $0x4;
	s3 =	sand.u32 $0x1, s3;
	s23 =	smul.u32 $0x50000, s11  }
0x7: {  	[smem:$0x7FF] =	sst s4;
	s16 =	sadd.s32 $0xC800, s0;
	s7 =	smul.u32 $0x140000, s3  }
0x8: {  	s5 =	sshll.u32 s3, $0x4;
	_ =	strace $0x8000004A;
	s17 =	ssub.s32 $0x2, s3  }
0x9: {  	s3 =	smul.u32 $0x27100, s3;
	s6 =	sor.u32 s11, s5;
	s5 =	sadd.s32 $0x2A00, s0  }
0xa: {  	s10 =	sshrl.u32 s17, $0x1;
	s11 =	smul.u32 $0x2710, s11;
	s29 =	sshrl.u32 s23, $0x2  }
0xb: {  	s9 =	smul.u32 $0x2710, s6;
	s7 =	sadd.s32 s8, s7;
	s18 =	ssub.s32 s17, s10  }
0xc: {  	s19 =	sadd.s32 s29, s2;
	s6 =	simm.s32 $0x0;
	s7 =	sshrl.u32 s7, $0x3  }
0xd: {  	s3 =	sadd.s32 s11, s3;
	s17 =	sadd.s32 $0x5000, s19;
	[dreg:$0xd] =	wrdreg s19  }
0xe: {  	s29 =	sadd.s32 $0x11800, s19;
	s9 =	sshrl.u32 s9, $0x3;
	[dreg:$0x14] =	wrdreg s17  }
0xf: {  	s0 =	sadd.s32 s7, s0;
	s7 =	smax.u32 s18, $0x1;
	[dreg:$0x19] =	wrdreg s29  }
0x10: {  	s11 =	sadd.s32 $0x1E0, s3;
	s18 =	sadd.s32 $0x7800, s19;
	[dreg:$0xe] =	wrdreg s7  }
0x11: {  	s17 =	simm.s32 $0x1;
	s20 =	sadd.s32 s5, s9;
	[dreg:$0x15] =	wrdreg s18  }
0x12: {  	s21 =	sadd.s32 s16, s9;
	s22 =	sadd.s32 $0xA, s9;
	[dreg:$0x4] =	wrdreg s20  }
0x13: {  	s24 =	sadd.s32 $0x14, s9;
	s0 =	sadd.s32 $0x16600, s0;
	[dreg:$0x5] =	wrdreg s21  }
0x14: {  	s9 =	sadd.s32 $0x1E, s9;
	s12 =	sadd.s32 s5, s22;
	[dreg:$0xc] =	wrdreg s0  }
0x15: {  	s13 =	sshrl.u32 s11, $0x3;
	s8 =	sadd.s32 s16, s22;
	[dreg:$0x6] =	wrdreg s12  }
0x16: {  	s7 =	simm.s32 $0xD;
	s25 =	sadd.s32 s5, s24;
	[dreg:$0x7] =	wrdreg s8  }
0x17: {  	s18 =	simm.s32 $0x50;
	s26 =	sadd.s32 s5, s9;
	[dreg:$0x8] =	wrdreg s25  }
0x18: {  	s28 =	sadd.s32 s16, s9;
	s9 =	sadd.s32 $0x2800, s19;
	[dreg:$0xa] =	wrdreg s26  }
0x19: {  	s15 =	sadd.s32 s13, s16;
	s22 =	sadd.s32 s13, s5;
	[dreg:$0xb] =	wrdreg s28  }
0x1a: {  	s21 =	smov.u32 s16;
	s20 =	smov.u32 s5;
	[dreg:$0xf] =	wrdreg s9  }
0x1b: {  	s8 =	sadd.s32 s16, s24;
	s12 =	sadd.s32 $0x190, s3;
	[dreg:$0x12] =	wrdreg s15  }
0x1c: {  	s25 =	sadd.s32 $0xA000, s19;
	s26 =	sadd.s32 $0xC800, s19;
	[dreg:$0x9] =	wrdreg s8  }
0x1d: {  	s28 =	sadd.s32 $0xF000, s19;
	s9 =	simm.s32 $0x14200;
	[dreg:$0x16] =	wrdreg s25  }
0x1e: {  	s15 =	simm.s32 $0x14380;
	s8 =	sadd.s32 $0x230, s3;
	[dreg:$0x17] =	wrdreg s26  }
0x1f: {  	s14 =	sshrl.u32 s12, $0x3;
	[dreg:$0x18] =	wrdreg s28;
	s12 =	simm.s32 $0xA  }
0x20: {  	s26 =	simm.s32 $0x6;
	s25 =	simm.s32 $0x7;
	s0 =	sshrl.u32 s8, $0x3  }
.Ltmp0:
0x21: {  	s23 =	sadd.s32 s14, s16;
	s10 =	sadd.s32 s0, s16;
	(pc) =	sbr.rel .LBB2_1-.Ltmp0, $4  }
0x22: {  	s24 =	sadd.s32 s14, s5;
	s0 =	sadd.s32 s0, s5;
	[dreg:$0x10] =	wrdreg s10  }
0x23: {  	s8 =	simm.s32 $0x14000;
	s16 =	sadd.s32 $0x140, s3;
	[dreg:$0x11] =	wrdreg s0  }
0x24: {  	s14 =	simm.s32 $0x14180;
	s3 =	simm.s32 $0x14400;
	[dreg:$0x13] =	wrdreg s16  }
0x25: {  	v0 =	vimm.f32 $0.0e+00;
	s0 =	simm.s32 $0x1BC00;
	s10 =	simm.s32 $0x5;
	s16 =	simm.s32 $0x8  }
.LBB2_6:
0x26: {  	_ =	swait.ge [sflag:s30], $0x2800  }
0x27: {  	[sflag:s30] =	ssyncset.done $0x0  }
0x28: {  	[sflag:s30] =	ssyncadd.s32 $0xFFFFD800  }
0x29: {  	_ =	swait.ge [sflag:s10], $0x50  }
0x2a: {  	[sflag:s10] =	ssyncset.done $0x0  }
0x2b: {  	[sflag:s10] =	ssyncadd.s32 $0xFFFFFFB0  }
0x2c: {  	[spmem:s2] =	stream.indirect.scatter.add.f32 [tilespmem:s3], [sflag:$0xD], $0x80, s9, s18, $0xb8;
	[tilespmem:$0x1E400] =	vst v63  }
0x2d: {  	_ =	swait.ge [sflag:s7], $0x2800  }
0x2e: {  	[sflag:s7] =	ssyncset.done $0x0  }
0x2f: {  	[sflag:s7] =	ssyncadd.s32 $0xFFFFD800  }
0x30: {  	s5 =	stileid.u32;
	[bflag:$0x0] =	sbarrier.arrive $0xFFFF  }
0x31: {  	s5 =	sshll.u32 s5, $0x6;
	s19 =	rddreg [dreg:$0xd]  }
0x32: {  	s5 =	sor.u32 $0x1C0D, s5;
	s11 =	rddreg [dreg:$0xc];
	s6 =	sshrl.u32 s19, $0x3  }
0x33: {  	[hbm:s11], [sflag:s5] =	dma.local [spmem:s6], $0x2800  }
0x34: {  	_ =	swait.ge [sflag:s7], $0x2800  }
0x35: {  	s28 =	rddreg [dreg:$0x1a]  }
0x36: {  	s29 =	rddreg [dreg:$0xe];
	s6 =	sadd.s32 $0x1, s28  }
0x37: {  	p0 =	sne.s32 s6, s29  }
.Ltmp1:
0x38: {  	_ = 	snop;
	(pc) =	sbr.rel @!p0 .LBB2_7-.Ltmp1, $3  }
0x39: {  	_ =	sdelay $0x1  }
0x3a: {  	[sflag:s7] =	ssyncset.done $0x0  }
0x3b: {  	[sflag:s7] =	ssyncadd.s32 $0xFFFFD800  }
.LBB2_1:
0x3c: {  	[dreg:$0x1a] =	wrdreg s6;
	s11 =	simm.s32 $0x0;
	s13 =	simm.s32 $0x200  }
.LBB2_2:
0x3d: {  	p0 =	sne.s32 s13, $0x9E00;
	[tilespmem:s11+$0x14470] =	vst v0  }
0x3e: {  	[tilespmem:s11+$0x14400] =	vst v0  }
0x3f: {  	[tilespmem:s11+$0x14410] =	vst v0  }
.Ltmp2:
0x40: {  	[tilespmem:s11+$0x14420] =	vst v0;
	(pc) =	sbr.rel @p0 .LBB2_2-.Ltmp2, $4  }
0x41: {  	[tilespmem:s11+$0x14430] =	vst v0  }
0x42: {  	[tilespmem:s11+$0x14440] =	vst v0  }
0x43: {  	[tilespmem:s11+$0x14450] =	vst v0  }
0x44: {  	[tilespmem:s11+$0x14460] =	vst v0;
	s11 =	sshra.s32 s13, $0x2;
	s13 =	sadd.s32 $0x200, s13  }
0x45: {  	[tilespmem:s11+$0x14470] =	vst v0  }
0x46: {  	[tilespmem:s11+$0x14400] =	vst v0  }
0x47: {  	[tilespmem:s11+$0x14410] =	vst v0  }
0x48: {  	[tilespmem:s11+$0x14420] =	vst v0  }
0x49: {  	[tilespmem:s11+$0x14430] =	vst v0  }
0x4a: {  	[tilespmem:s11+$0x14440] =	vst v0  }
0x4b: {  	[tilespmem:s11+$0x14450] =	vst v0  }
0x4c: {  	[tilespmem:s11+$0x14460] =	vst v0  }
0x4d: {  	[spmem:s19] =	stream.linear.scatter [tilespmem:s3], [sflag:$0xD], $0x2800, $0x38;
	[tilespmem:$0x1E400] =	vst v63  }
0x4e: {  	_ =	swait.ge [sflag:s7], $0x2800  }
0x4f: {  	[sflag:s7] =	ssyncset.done $0x0  }
0x50: {  	s5 =	rddreg [dreg:$0xf];
	[sflag:s7] =	ssyncadd.s32 $0xFFFFD800  }
0x51: {  	[spmem:s5] =	stream.linear.scatter [tilespmem:s3], [sflag:$0xD], $0x2800, $0x38;
	[tilespmem:$0x1E400] =	vst v63  }
0x52: {  	_ =	swait.ge [sflag:s7], $0x2800  }
0x53: {  	[sflag:s7] =	ssyncset.done $0x0  }
0x54: {  	s13 =	rddreg [dreg:$0x14];
	[sflag:s7] =	ssyncadd.s32 $0xFFFFD800  }
0x55: {  	[spmem:s13] =	stream.linear.scatter [tilespmem:s3], [sflag:$0xD], $0x2800, $0x38;
	[tilespmem:$0x1E400] =	vst v63  }
0x56: {  	_ =	swait.ge [sflag:s7], $0x2800  }
0x57: {  	[sflag:s7] =	ssyncset.done $0x0  }
0x58: {  	s19 =	rddreg [dreg:$0x15];
	[sflag:s7] =	ssyncadd.s32 $0xFFFFD800  }
0x59: {  	[spmem:s19] =	stream.linear.scatter [tilespmem:s3], [sflag:$0xD], $0x2800, $0x38;
	[tilespmem:$0x1E400] =	vst v63  }
0x5a: {  	_ =	swait.ge [sflag:s7], $0x2800  }
0x5b: {  	[sflag:s7] =	ssyncset.done $0x0  }
0x5c: {  	s28 =	rddreg [dreg:$0x16];
	[sflag:s7] =	ssyncadd.s32 $0xFFFFD800  }
0x5d: {  	[spmem:s28] =	stream.linear.scatter [tilespmem:s3], [sflag:$0xD], $0x2800, $0x38;
	[tilespmem:$0x1E400] =	vst v63  }
0x5e: {  	_ =	swait.ge [sflag:s7], $0x2800  }
0x5f: {  	[sflag:s7] =	ssyncset.done $0x0  }
0x60: {  	s29 =	rddreg [dreg:$0x17];
	[sflag:s7] =	ssyncadd.s32 $0xFFFFD800  }
0x61: {  	[spmem:s29] =	stream.linear.scatter [tilespmem:s3], [sflag:$0xD], $0x2800, $0x38;
	[tilespmem:$0x1E400] =	vst v63  }
0x62: {  	_ =	swait.ge [sflag:s7], $0x2800  }
0x63: {  	[sflag:s7] =	ssyncset.done $0x0  }
0x64: {  	s6 =	rddreg [dreg:$0x18];
	[sflag:s7] =	ssyncadd.s32 $0xFFFFD800  }
0x65: {  	[spmem:s6] =	stream.linear.scatter [tilespmem:s3], [sflag:$0xD], $0x2800, $0x38;
	[tilespmem:$0x1E400] =	vst v63  }
0x66: {  	_ =	swait.ge [sflag:s7], $0x2800  }
0x67: {  	[sflag:s7] =	ssyncset.done $0x0  }
0x68: {  	s11 =	rddreg [dreg:$0x19];
	[sflag:s7] =	ssyncadd.s32 $0xFFFFD800  }
0x69: {  	[spmem:s11] =	stream.linear.scatter [tilespmem:s3], [sflag:$0xD], $0x2800, $0x38;
	[tilespmem:$0x1E400] =	vst v63  }
0x6a: {  	_ =	swait.ge [sflag:s7], $0x2800  }
0x6b: {  	[sflag:s7] =	ssyncset.done $0x0  }
0x6c: {  	[sflag:s7] =	ssyncadd.s32 $0xFFFFD800  }
0x6d: {  	[bflag:$0x0] =	sbarrier.arrive $0xFFFF  }
0x6e: {  	s11 =	simm.s32 $0x0;
	s13 =	rddreg [dreg:$0x4]  }
0x6f: {  	[tilespmem:s8], [sflag:$0x1] =	stream.linear.gather [hbm4b:s13+s11], $0x50, $0x38;
	[tilespmem:$0x1E400] =	vst v63  }
0x70: {  	s19 =	rddreg [dreg:$0x5]  }
0x71: {  	[tilespmem:s9], [sflag:$0x5] =	stream.linear.gather [hbm4b:s19+s11], $0x50, $0x38;
	[tilespmem:$0x1E400] =	vst v63  }
0x72: {  	s6 =	simm.s32 $0x14080;
	s28 =	rddreg [dreg:$0x6]  }
0x73: {  	[tilespmem:s6], [sflag:$0x2] =	stream.linear.gather [hbm4b:s28+s11], $0x50, $0x38;
	[tilespmem:$0x1E400] =	vst v63  }
0x74: {  	s29 =	rddreg [dreg:$0x7];
	s13 =	simm.s32 $0x14280  }
0x75: {  	[tilespmem:s13], [sflag:$0x6] =	stream.linear.gather [hbm4b:s29+s11], $0x50, $0x38;
	[tilespmem:$0x1E400] =	vst v63  }
0x76: {  	s19 =	rddreg [dreg:$0x8];
	s13 =	simm.s32 $0x14100  }
0x77: {  	[tilespmem:s13], [sflag:$0x3] =	stream.linear.gather [hbm4b:s19+s11], $0x50, $0x38;
	[tilespmem:$0x1E400] =	vst v63  }
0x78: {  	s28 =	rddreg [dreg:$0x9];
	s29 =	simm.s32 $0x14300  }
0x79: {  	[tilespmem:s29], [sflag:$0x7] =	stream.linear.gather [hbm4b:s28+s11], $0x50, $0x38;
	[tilespmem:$0x1E400] =	vst v63  }
0x7a: {  	s19 =	rddreg [dreg:$0xa]  }
0x7b: {  	[tilespmem:s14], [sflag:$0x4] =	stream.linear.gather [hbm4b:s19+s11], $0x50, $0x38;
	[tilespmem:$0x1E400] =	vst v63  }
0x7c: {  	s28 =	rddreg [dreg:$0xb]  }
0x7d: {  	[tilespmem:s15], [sflag:$0x8] =	stream.linear.gather [hbm4b:s28+s11], $0x50, $0x38;
	[tilespmem:$0x1E400] =	vst v63  }
0x7e: {  	_ =	swait.ge [sflag:s17], $0x50  }
0x7f: {  	[sflag:s17] =	ssyncset.done $0x0  }
0x80: {  	s29 =	simm.s32 $0x2;
	[sflag:s17] =	ssyncadd.s32 $0xFFFFFFB0  }
0x81: {  	[tilespmem:s3], [sflag:$0x9] =	stream.indirect.gather [hbm4b:s1+s18], $0x80, s8, s18, $0xb8;
	[tilespmem:$0x1E400] =	vst v63  }
0x82: {  	_ =	swait.ge [sflag:s29], $0x50  }
0x83: {  	[sflag:s29] =	ssyncset.done $0x0  }
0x84: {  	s19 =	simm.s32 $0x16C00;
	s28 =	simm.s32 $0x3;
	[sflag:s29] =	ssyncadd.s32 $0xFFFFFFB0  }
0x85: {  	[tilespmem:s19], [sflag:$0xA] =	stream.indirect.gather [hbm4b:s1+s18], $0x80, s6, s18, $0xb8;
	[tilespmem:$0x1E400] =	vst v63  }
0x86: {  	_ =	swait.ge [sflag:s28], $0x50  }
0x87: {  	[sflag:s28] =	ssyncset.done $0x0  }
0x88: {  	s29 =	simm.s32 $0x19400;
	[sflag:s28] =	ssyncadd.s32 $0xFFFFFFB0  }
0x89: {  	[tilespmem:s29], [sflag:$0xB] =	stream.indirect.gather [hbm4b:s1+s18], $0x80, s13, s18, $0xb8;
	[tilespmem:$0x1E400] =	vst v63  }
0x8a: {  	s13 =	rddreg [dreg:$0x13]  }
.LBB2_4:
0x8b: {  	_ =	swait.ge [sflag:s30], $0x2800  }
0x8c: {  	[sflag:s30] =	ssyncset.done $0x0  }
0x8d: {  	[sflag:s30] =	ssyncadd.s32 $0xFFFFD800  }
0x8e: {  	_ =	swait.ge [sflag:s31], $0x50  }
0x8f: {  	[sflag:s31] =	ssyncset.done $0x0  }
0x90: {  	[sflag:s31] =	ssyncadd.s32 $0xFFFFFFB0  }
0x91: {  	[tilespmem:s0], [sflag:$0xC] =	stream.indirect.gather [hbm4b:s1+s18], $0x80, s14, s18, $0xb8;
	[tilespmem:$0x1E400] =	vst v63  }
0x92: {  	_ =	swait.ge [sflag:s10], $0x50  }
0x93: {  	[sflag:s10] =	ssyncset.done $0x0  }
0x94: {  	[sflag:s10] =	ssyncadd.s32 $0xFFFFFFB0  }
0x95: {  	[spmem:s2] =	stream.indirect.scatter.add.f32 [tilespmem:s3], [sflag:$0xD], $0x80, s9, s18, $0xb8;
	[tilespmem:$0x1E400] =	vst v63  }
0x96: {  	_ =	swait.ge [sflag:s7], $0x2800  }
0x97: {  	s28 =	sshrl.u32 s13, $0x3;
	[sflag:s7] =	ssyncset.done $0x0  }
0x98: {  	s29 =	sadd.s32 s20, s28;
	[sflag:s7] =	ssyncadd.s32 $0xFFFFD800  }
0x99: {  	[tilespmem:s8], [sflag:$0x1] =	stream.linear.gather [hbm4b:s29+s4], $0x50, $0x38;
	[tilespmem:$0x1E400] =	vst v63  }
0x9a: {  	s28 =	sadd.s32 s21, s28  }
0x9b: {  	[tilespmem:s9], [sflag:$0x5] =	stream.linear.gather [hbm4b:s28+s4], $0x50, $0x38;
	[tilespmem:$0x1E400] =	vst v63  }
0x9c: {  	_ =	swait.ge [sflag:s12], $0x2800  }
0x9d: {  	[sflag:s12] =	ssyncset.done $0x0  }
0x9e: {  	[sflag:s12] =	ssyncadd.s32 $0xFFFFD800  }
0x9f: {  	_ =	swait.ge [sflag:s17], $0x50  }
0xa0: {  	[sflag:s17] =	ssyncset.done $0x0  }
0xa1: {  	[sflag:s17] =	ssyncadd.s32 $0xFFFFFFB0  }
0xa2: {  	[tilespmem:s3], [sflag:$0x9] =	stream.indirect.gather [hbm4b:s1+s18], $0x80, s8, s18, $0xb8;
	[tilespmem:$0x1E400] =	vst v63  }
0xa3: {  	_ =	swait.ge [sflag:s26], $0x50  }
0xa4: {  	[sflag:s26] =	ssyncset.done $0x0  }
0xa5: {  	s5 =	simm.s32 $0x14280;
	s6 =	simm.s32 $0x16C00;
	[sflag:s26] =	ssyncadd.s32 $0xFFFFFFB0  }
0xa6: {  	[spmem:s2] =	stream.indirect.scatter.add.f32 [tilespmem:s6], [sflag:$0xD], $0x80, s5, s18, $0xb8;
	[tilespmem:$0x1E400] =	vst v63  }
0xa7: {  	_ =	swait.ge [sflag:s7], $0x2800  }
0xa8: {  	p0 =	seq.s32 s11, $0x4B0;
	[sflag:s7] =	ssyncset.done $0x0  }
0xa9: {  	s28 =	simm.s32 @p0 $0xB;
	[sflag:s7] =	ssyncadd.s32 $0xFFFFD800  }
0xaa: {  	_ =	swait.ge @p0 [sflag:s28], $0x2800  }
0xab: {  	s29 =	simm.s32 @!p0 $0x0;
	[sflag:s28] =	ssyncset.done @p0 $0x0  }
0xac: {  	s5 =	simm.s32 @!p0 $0x14080;
	[sflag:s28] =	ssyncadd.s32 @p0 $0xFFFFD800;
	s28 =	sadd.s32 @!p0 s11, s24  }
0xad: {  	[tilespmem:s5], [sflag:$0x2] =	stream.linear.gather @!p0 [hbm4b:s28+s29], $0x50, $0x38;
	[tilespmem:$0x1E400] =	vst v63  }
0xae: {  	s6 =	simm.s32 @!p0 $0x14280;
	s28 =	sadd.s32 @!p0 s11, s23  }
0xaf: {  	[tilespmem:s6], [sflag:$0x6] =	stream.linear.gather @!p0 [hbm4b:s28+s29], $0x50, $0x38;
	[tilespmem:$0x1E400] =	vst v63  }
0xb0: {  	s6 =	simm.s32 @!p0 $0xB  }
0xb1: {  	_ =	swait.ge @!p0 [sflag:s6], $0x2800  }
0xb2: {  	[sflag:s6] =	ssyncset.done @!p0 $0x0  }
0xb3: {  	[sflag:s6] =	ssyncadd.s32 @!p0 $0xFFFFD800;
	s6 =	simm.s32 @!p0 $0x2  }
0xb4: {  	_ =	swait.ge @!p0 [sflag:s6], $0x50  }
0xb5: {  	[sflag:s6] =	ssyncset.done @!p0 $0x0  }
0xb6: {  	s28 =	simm.s32 @!p0 $0x16C00;
	[sflag:s6] =	ssyncadd.s32 @!p0 $0xFFFFFFB0;
	s6 =	simm.s32 @!p0 $0x50  }
0xb7: {  	[tilespmem:s28], [sflag:$0xA] =	stream.indirect.gather @!p0 [hbm4b:s1+s6], $0x80, s5, s6, $0xb8;
	[tilespmem:$0x1E400] =	vst v63  }
0xb8: {  	_ =	swait.ge [sflag:s25], $0x50  }
0xb9: {  	[sflag:s25] =	ssyncset.done $0x0  }
0xba: {  	s19 =	simm.s32 $0x19400;
	s28 =	simm.s32 $0x14300;
	[sflag:s25] =	ssyncadd.s32 $0xFFFFFFB0  }
0xbb: {  	[spmem:s2] =	stream.indirect.scatter.add.f32 [tilespmem:s19], [sflag:$0xD], $0x80, s28, s18, $0xb8;
	[tilespmem:$0x1E400] =	vst v63  }
0xbc: {  	_ =	swait.ge [sflag:s7], $0x2800  }
0xbd: {  	[sflag:s7] =	ssyncset.done $0x0  }
0xbe: {  	s5 =	simm.s32 @p0 $0xC;
	[sflag:s7] =	ssyncadd.s32 $0xFFFFD800  }
0xbf: {  	_ =	swait.ge @p0 [sflag:s5], $0x2800  }
0xc0: {  	[sflag:s5] =	ssyncset.done @p0 $0x0  }
0xc1: {  	s28 =	simm.s32 @!p0 $0x14100;
	[sflag:s5] =	ssyncadd.s32 @p0 $0xFFFFD800;
	s5 =	sadd.s32 @!p0 s11, s22  }
0xc2: {  	[tilespmem:s28], [sflag:$0x3] =	stream.linear.gather @!p0 [hbm4b:s5+s29], $0x50, $0x38;
	[tilespmem:$0x1E400] =	vst v63  }
0xc3: {  	s5 =	rddreg [dreg:$0x12]  }
0xc4: {  	s19 =	simm.s32 @!p0 $0x14300;
	s5 =	sadd.s32 @!p0 s11, s5  }
0xc5: {  	[tilespmem:s19], [sflag:$0x7] =	stream.linear.gather @!p0 [hbm4b:s5+s29], $0x50, $0x38;
	[tilespmem:$0x1E400] =	vst v63  }
0xc6: {  	s5 =	simm.s32 @!p0 $0xC  }
0xc7: {  	_ =	swait.ge @!p0 [sflag:s5], $0x2800  }
0xc8: {  	[sflag:s5] =	ssyncset.done @!p0 $0x0  }
0xc9: {  	[sflag:s5] =	ssyncadd.s32 @!p0 $0xFFFFD800;
	s5 =	simm.s32 @!p0 $0x3  }
0xca: {  	_ =	swait.ge @!p0 [sflag:s5], $0x50  }
0xcb: {  	[sflag:s5] =	ssyncset.done @!p0 $0x0  }
0xcc: {  	[sflag:s5] =	ssyncadd.s32 @!p0 $0xFFFFFFB0;
	s5 =	simm.s32 @!p0 $0x19400  }
0xcd: {  	[tilespmem:s5], [sflag:$0xB] =	stream.indirect.gather @!p0 [hbm4b:s1+s6], $0x80, s28, s6, $0xb8;
	[tilespmem:$0x1E400] =	vst v63  }
0xce: {  	_ =	swait.ge [sflag:s16], $0x50  }
0xcf: {  	[sflag:s16] =	ssyncset.done $0x0  }
.Ltmp3:
0xd0: {  	[sflag:s16] =	ssyncadd.s32 $0xFFFFFFB0;
	(pc) =	sbr.rel @p0 .LBB2_6-.Ltmp3, $4  }
0xd1: {  	[spmem:s2] =	stream.indirect.scatter.add.f32 [tilespmem:s0], [sflag:$0xD], $0x80, s15, s18, $0xb8;
	[tilespmem:$0x1E400] =	vst v63  }
0xd2: {  	_ =	swait.ge [sflag:s7], $0x2800  }
0xd3: {  	[sflag:s7] =	ssyncset.done $0x0  }
0xd4: {  	[sflag:s7] =	ssyncadd.s32 $0xFFFFD800  }
.Ltmp4:
0xd5: {  	s5 =	rddreg [dreg:$0x11];
	(pc) =	sbr.rel .LBB2_4-.Ltmp4, $4  }
0xd6: {  	s29 =	rddreg [dreg:$0x10];
	s5 =	sadd.s32 s11, s5  }
0xd7: {  	[tilespmem:s14], [sflag:$0x4] =	stream.linear.gather [hbm4b:s5+s4], $0x50, $0x38;
	[tilespmem:$0x1E400] =	vst v63  }
0xd8: {  	s13 =	sadd.s32 $0x140, s13;
	s5 =	sadd.s32 s11, s29;
	s11 =	sadd.s32 $0x28, s11  }
0xd9: {  	[tilespmem:s15], [sflag:$0x8] =	stream.linear.gather [hbm4b:s5+s4], $0x50, $0x38;
	[tilespmem:$0x1E400] =	vst v63  }
.LBB2_7:
0xda: {  	_ =	sfence.sel $0x180000  }
0xdb: {  	[bflag:$0x0] =	sbarrier.arrive $0xFFFF  }
0xdc: {  	_ =	strace $0x9000004A  }
0xdd: {  	s0 =	stileid.u32;
	[bflag:$0x2] =	sbarrier.arrive $0xFFFF  }
0xde: {  	p0 =	sne.s32 s0, $0x0;
	s0 =	rddreg [dreg:$0x3]  }
0xdf: {  	s0 =	sadd.s32 @!p0 $0x100000, s0  }
0xe0: {  	[sflag:s0] =	ssyncadd.tile.s32 @!p0 $0x1;
	_ =	shalt  }
.Lfunc_end2:
_tile_overlayer_lowered:
.L_overlay_start_2:
0xe1: {  	(tag) =	ssettag $0x2  }
0xe2: {  	s0 =	rddreg [dreg:$0x0];
	s2 =	stileid.u32  }
0xe3: {  	s1 =	rddreg [dreg:$0x1];
	p0 =	sne.s32 s2, $0x0  }
0xe4: {  	s3 =	rddreg [dreg:$0x2];
	[bflag:$0x3] =	sbarrier.arrive $0xFFFF;
	s2 =	simm.s32 @!p0 $0x1C0D  }
0xe5: {  	[timem:s3], [sflag:s2] =	dma.local @!p0 [hbm:s0], s1  }
0xe6: {  	s0 =	simm.s32 @!p0 $0xD  }
0xe7: {  	_ =	swait.ge @!p0 [sflag:s0], s1  }
0xe8: {  	s1 =	ssub.s32 @!p0 $0x0, s1;
	[sflag:s0] =	ssyncset.done @!p0 $0x0  }
0xe9: {  	[sflag:s0] =	ssyncadd.s32 @!p0 s1  }
0xea: {  	[bflag:$0x3] =	sbarrier.arrive $0xFFFF  }
0xeb: {  	_ =	shalt  }

// kernel: kernel.14.cloned.1.call-start
scs
__scs_entry_jumppad:
0x0: {  	(pc) =	sbr.rel $0x88, $3  }
0x1: {  	(tag) =	ssettag $0x0;
	lr =	simm.s32 $0x1  }
0x2: {  	[smem:$0x3F9B] =	sst lr;
	_ =	strace $0xD0000000  }
0x3: {  	_ = 	snop  }
0x4: {  	_ = 	snop  }
0x5: {  	_ = 	snop  }
0x6: {  	_ = 	snop  }
0x7: {  	_ = 	snop  }
__scs_overlays_trampoline_lowered:
0x8: {  	[smem:$0x3FAA] =	sst s0  }
0x9: {  	[smem:$0x3FAB] =	sst s1  }
0xa: {  	[smem:$0x3FAC] =	sst s2  }
0xb: {  	[smem:$0x3FAD] =	sst s3  }
0xc: {  	[smem:$0x3FAE] =	sst s4  }
0xd: {  	[smem:$0x3FAF] =	sst s5  }
0xe: {  	[smem:$0x3FB0] =	sst s6  }
0xf: {  	[smem:$0x3FB1] =	sst s7  }
0x10: {  	[smem:$0x3FB2] =	sst s8  }
0x11: {  	[smem:$0x3FB3] =	sst s9;
	s0 =	simm.s32 @!p0 $0x0  }
0x12: {  	s1 =	sld [smem:$0x3F99];
	s0 =	simm.s32 @p0 $0x1  }
0x13: {  	[smem:$0x3FB4] =	sst s0;
	s0 =	simm.s32 @!p1 $0x0  }
0x14: {  	s2 =	sld [smem:$0x3F98];
	s0 =	simm.s32 @p1 $0x1  }
0x15: {  	[smem:$0x3FB5] =	sst s0;
	s0 =	simm.s32 @!p2 $0x0  }
0x16: {  	s3 =	sld [smem:$0x3FDB];
	s0 =	simm.s32 @p2 $0x1  }
0x17: {  	s4 =	simm.s32 $0x1BF5;
	[smem:$0x3FB7] =	sst s0  }
0x18: {  	s0 =	sld [smem:$0x3F9A];
	_ =	swait.ge [sflag:s4], $0x0  }
0x19: {  	s7 =	sld [smem:$0x3F9B]  }
0x1a: {  	s8 =	sadd.s32 $0xFFFFE003, lr  }
0x1b: {  	s9 =	sadd.s32 $0xFFFFFEF7, lr;
	s5 =	simm.s32 $0xFFFFFFFF;
	p2 =	slt.u32 s8, $0xFFFFF086  }
0x1c: {  	p1 =	slt.u32 s9, $0xF7A;
	s5 =	simm.s32 @!p2 $0x0  }
0x1d: {  	s5 =	simm.s32 @p1 $0x1;
	p0 =	seq.s32 s7, s2  }
0x1e: {  	s7 =	smul.u32 @!p0 $0xF7A, s2;
	p2 =	seq.s32 @!p0 s5, $0x0  }
0x1f: {  	s9 =	smul.u32 $0xF7A, s1;
	s8 =	simm.s32 @!p0 $0x1BF5;
	p2 =	por !p2, p0  }
0x20: {  	[sflag:s8] =	ssyncset.s32 @!p0 $0xFFFFF086;
	s6 =	sadd.s32 @!p0 s3, s7;
	s7 =	simm.s32 @!p0 $0x108  }
0x21: {  	s3 =	sadd.s32 s3, s9;
	s6 =	sadd.s32 @!p0 $0x88, s6;
	s7 =	simm.s32 @p2 $0x1082  }
0x22: {  	[simem:s7], [sflag:s8] =	dma.local @!p0 [hbm:s6], $0xF7A  }
0x23: {  	s9 =	sor.u32 $0xD0000000, s2;
	s6 =	simm.s32 $0x108;
	_ =	swait.ge @!p0 [sflag:s8], $0x0  }
0x24: {  	s3 =	sadd.s32 $0x88, s3;
	s6 =	simm.s32 @!p1 $0x1082;
	[sflag:s4] =	ssyncset.s32 $0xFFFFF086  }
0x25: {  	[simem:s6], [sflag:s4] =	dma.local [hbm:s3], $0xF7A  }
0x26: {  	[smem:$0x3F9B] =	sst s1;
	(tag) =	ssettag s2;
	_ =	strace s9  }
0x27: {  	s1 =	sld [smem:$0x3FAB]  }
0x28: {  	s2 =	sld [smem:$0x3FAC]  }
0x29: {  	s4 =	sld [smem:$0x3FAE]  }
0x2a: {  	p0 =	seq.s32 s5, $0x0;
	s5 =	sld [smem:$0x3FAF]  }
0x2b: {  	s6 =	sld [smem:$0x3FB0]  }
0x2c: {  	s7 =	sld [smem:$0x3FB1]  }
0x2d: {  	s3 =	simm.s32 $0x108;
	s8 =	sld [smem:$0x3FB2]  }
0x2e: {  	s3 =	simm.s32 @!p0 $0x1082;
	s9 =	sld [smem:$0x3FB3]  }
0x2f: {  	lr =	sadd.s32 s0, s3;
	s0 =	sld [smem:$0x3FAA]  }
0x30: {  	s3 =	sld [smem:$0x3FAD]  }
0x31: {  	[smem:$0x3FB6] =	sst s10  }
0x32: {  	s10 =	sld [smem:$0x3FB4];
	_ =	sdelay $0x3  }
0x33: {  	p0 =	seq.s32 s10, $0x1;
	s10 =	sld [smem:$0x3FB6];
	_ =	sdelay $0x3  }
0x34: {  	[smem:$0x3FB6] =	sst s10  }
0x35: {  	s10 =	sld [smem:$0x3FB5];
	_ =	sdelay $0x3  }
0x36: {  	p1 =	seq.s32 s10, $0x1;
	s10 =	sld [smem:$0x3FB6];
	_ =	sdelay $0x3  }
0x37: {  	[smem:$0x3FB6] =	sst s10  }
0x38: {  	s10 =	sld [smem:$0x3FB7]  }
0x39: {  	_ = 	snop;
	(pc) =	sbr.ind lr, $3  }
0x3a: {  	_ = 	snop  }
0x3b: {  	_ = 	snop  }
0x3c: {  	p2 =	seq.s32 s10, $0x1;
	s10 =	sld [smem:$0x3FB6]  }
0x3d: {  	_ =	shalt  }
0x3e: {  	_ =	shalt  }
0x3f: {  	_ =	shalt  }
0x40: {  	_ =	shalt  }
0x41: {  	_ =	shalt  }
0x42: {  	_ =	shalt  }
0x43: {  	_ =	shalt  }
0x44: {  	_ =	shalt  }
0x45: {  	_ =	shalt  }
0x46: {  	_ =	shalt  }
0x47: {  	_ =	shalt  }
0x48: {  	_ =	shalt  }
0x49: {  	_ =	shalt  }
0x4a: {  	_ =	shalt  }
0x4b: {  	_ =	shalt  }
0x4c: {  	_ =	shalt  }
0x4d: {  	_ =	shalt  }
0x4e: {  	_ =	shalt  }
0x4f: {  	_ =	shalt  }
0x50: {  	_ =	shalt  }
0x51: {  	_ =	shalt  }
0x52: {  	_ =	shalt  }
0x53: {  	_ =	shalt  }
0x54: {  	_ =	shalt  }
0x55: {  	_ =	shalt  }
0x56: {  	_ =	shalt  }
0x57: {  	_ =	shalt  }
0x58: {  	_ =	shalt  }
0x59: {  	_ =	shalt  }
0x5a: {  	_ =	shalt  }
0x5b: {  	_ =	shalt  }
0x5c: {  	_ =	shalt  }
0x5d: {  	_ =	shalt  }
0x5e: {  	_ =	shalt  }
0x5f: {  	_ =	shalt  }
0x60: {  	_ =	shalt  }
0x61: {  	_ =	shalt  }
0x62: {  	_ =	shalt  }
0x63: {  	_ =	shalt  }
0x64: {  	_ =	shalt  }
0x65: {  	_ =	shalt  }
0x66: {  	_ =	shalt  }
0x67: {  	_ =	shalt  }
0x68: {  	_ =	shalt  }
0x69: {  	_ =	shalt  }
0x6a: {  	_ =	shalt  }
0x6b: {  	_ =	shalt  }
0x6c: {  	_ =	shalt  }
0x6d: {  	_ =	shalt  }
0x6e: {  	_ =	shalt  }
0x6f: {  	_ =	shalt  }
0x70: {  	_ =	shalt  }
0x71: {  	_ =	shalt  }
0x72: {  	_ =	shalt  }
0x73: {  	_ =	shalt  }
0x74: {  	_ =	shalt  }
0x75: {  	_ =	shalt  }
0x76: {  	_ =	shalt  }
0x77: {  	_ =	shalt  }
0x78: {  	_ =	shalt  }
0x79: {  	_ =	shalt  }
0x7a: {  	_ =	shalt  }
0x7b: {  	_ =	shalt  }
0x7c: {  	_ =	shalt  }
0x7d: {  	_ =	shalt  }
0x7e: {  	_ =	shalt  }
0x7f: {  	_ =	shalt  }
0x80: {  	_ =	shalt  }
0x81: {  	_ =	shalt  }
0x82: {  	_ =	shalt  }
0x83: {  	_ =	shalt  }
0x84: {  	_ =	shalt  }
0x85: {  	_ =	shalt  }
0x86: {  	_ =	shalt  }
0x87: {  	_ =	shalt  }
.Lfunc_end0:
.L_simem_size_0:
called_computation.2_lowered:
.L_overlay_start_0:
0x88: {  	s2 =	sld [smem:$0x3FD9]  }
0x89: {  	s3 =	sld [smem:$0x3FFE];
	_ =	sdelay $0x1  }
0x8a: {  	s1 =	srdreg.scid  }
0x8b: {  	s0 =	sand.u32 $0x1, s1  }
0x8c: {  	s17 =	sshll.u32 s0, $0xA;
	s2 =	sadd.s32 s3, s2  }
0x8d: {  	s2 =	sadd.s32 s2, s17  }
0x8e: {  	[smem:$0x3FC2] =	sst s2  }
0x8f: {  	_ = 	snop  }
0x90: {  	s2 =	sld [smem:$0x3FD0];
	(tm) =	ssettm $0x1  }
0x91: {  	s18 =	sld [smem:$0x3FFB];
	_ =	sdelay $0x3  }
0x92: {  	_ =	strace s18  }
0x93: {  	s3 =	sld [smem:$0x3FFC];
	_ =	sdelay $0x3  }
0x94: {  	_ =	strace s3  }
0x95: {  	s3 =	sld [smem:$0x3FFD];
	_ =	sdelay $0x3  }
0x96: {  	_ =	strace s3  }
0x97: {  	_ =	strace $0x8FFFFFFF  }
0x98: {  	s19 =	sld [smem:$0x3FDB];
	_ =	sdelay $0x1  }
0x99: {  	s4 =	simm.s32 $_scs_section_size  }
0x9a: {  	s5 =	simm.s32 $_size__tile_overlayer_lowered;
	s6 =	simm.s32 $_tile_overlayer_lowered  }
0x9b: {  	s22 =	simm.s32 $0x1BFF;
	s21 =	sshll.u32 s6, $0x1;
	s3 =	sadd.s32 s4, s19  }
0x9c: {  	s7 =	simm.s32 $0x0;
	s20 =	sshll.u32 s5, $0x1;
	s5 =	sadd.s32 s21, s3  }
0x9d: {  	[timem:s7], [sflag:s22] =	dma.local [hbm:s5], s20  }
0x9e: {  	_ =	swait.ge [sflag:s22], s20  }
0x9f: {  	s4 =	ssub.s32 $0x0, s20;
	[sflag:s22] =	ssyncset.done $0x0  }
0xa0: {  	[sflag:s22] =	ssyncadd.s32 s4;
	_ =	sdelay $0x1  }
0xa1: {  	s23 =	simm.s32 $0x1B8B  }
0xa2: {  	_ =	swait.ge [sflag:s23], $0x1  }
0xa3: {  	[sflag:s23] =	ssyncset.done $0x0  }
0xa4: {  	s25 =	simm.s32 $0x1B8E;
	s24 =	sld [smem:$0x3FFE];
	[sflag:s23] =	ssyncadd.s32 $0xFFFFFFFF  }
0xa5: {  	s26 =	simm.s32 $execute0_lowered;
	[smem:$0x3FD2] =	sst s25  }
0xa6: {  	s5 =	sshll.u32 s26, $0x1;
	_ =	strace $0x8000004C;
	[dreg:$0x1] =	wrdreg $0xFFFFFFFF  }
0xa7: {  	s28 =	simm.s32 $_size_execute0_lowered;
	s3 =	sadd.s32 s3, s5;
	[dreg:$0x0] =	wrdreg $0x0  }
0xa8: {  	s5 =	sshll.u32 s28, $0x1;
	[dreg:$0x2] =	wrdreg s3  }
0xa9: {  	[dreg:$0x3] =	wrdreg s5  }
0xaa: {  	[dreg:$0x4] =	wrdreg $0xC0  }
0xab: {  	_ =	task [dreg:s7], $0x5FFFF  }
0xac: {  	[dreg:$0x1] =	wrdreg $0xFFFFFFFF  }
0xad: {  	[dreg:$0x0] =	wrdreg $0x60  }
0xae: {  	[dreg:$0x2] =	wrdreg s2  }
0xaf: {  	[dreg:$0x3] =	wrdreg s24  }
0xb0: {  	[dreg:$0x4] =	wrdreg $0x0  }
0xb1: {  	[dreg:$0x5] =	wrdreg $0x9  }
0xb2: {  	_ =	task.clear_ibuf [dreg:s7], $0x6FFFF;
	_ =	strace $0x9000004C  }
0xb3: {  	s29 =	simm.s32 $0x9;
	_ =	strace $0x8000004E  }
0xb4: {  	_ =	swait.ge [sflag:s29], $0x1  }
0xb5: {  	[sflag:s29] =	ssyncadd.s32 $0xFFFFFFFF  }
0xb6: {  	_ =	strace $0x9000004E  }
0xb7: {  	_ =	sfence  }
0xb8: {  	s30 =	sld [smem:$0x0];
	_ =	sdelay $0x2  }
0xb9: {  	s31 =	sshll.u32 s1, $0xD;
	s1 =	sshrl.u32 s1, $0x2  }
0xba: {  	s3 =	sand.u32 $0x4000, s31;
	s1 =	sadd.s32 s1, s30  }
0xbb: {  	s0 =	sor.u32 s3, s0;
	s1 =	sshll.u32 s1, $0x11  }
0xbc: {  	s0 =	sor.u32 s1, s0  }
0xbd: {  	s0 =	sadd.s32 $0x8F2B, s0  }
0xbe: {  	[sflag:s0] =	ssyncadd.remote.s32 $0x1  }
0xbf: {  	_ =	sfence.sel $0xFFFF  }
0xc0: {  	[dreg:$0x0] =	wrdreg $0xFFFFFFFF;
	(pc) =	sbr.abs _section_cstart, $3  }
0xc1: {  	[dreg:$0x1] =	wrdreg $0xFFFFFFFF  }
0xc2: {  	_ =	task.clear_ibuf [dreg:s7], $0x2FFFF;
	_ =	strace $0x9FFFFFFF  }
0xc3: {  	(tm) =	ssettm $0x7FFFFFFF  }
tec
execute0_lowered:
.L_overlay_start_1:
0x0: {  	(tag) =	ssettag $0x1  }
0x1: {  	s1 =	rddreg [dreg:$0x0]  }
0x2: {  	s0 =	rddreg [dreg:$0x1]  }
0x3: {  	s2 =	rddreg [dreg:$0x2]  }
0x4: {  	s3 =	srdreg.scid;
	s11 =	stileid.u32  }
0x5: {  	s4 =	simm.s32 $0x0;
	s30 =	simm.s32 $0x9;
	s8 =	smul.u32 $0x14000, s11  }
0x6: {  	s31 =	simm.s32 $0x4;
	s3 =	sand.u32 $0x1, s3;
	s23 =	smul.u32 $0x50000, s11  }
0x7: {  	[smem:$0x7FF] =	sst s4;
	s16 =	sadd.s32 $0xC800, s0;
	s7 =	smul.u32 $0x140000, s3  }
0x8: {  	s5 =	sshll.u32 s3, $0x4;
	_ =	strace $0x8000004D;
	s17 =	ssub.s32 $0x2, s3  }
0x9: {  	s3 =	smul.u32 $0x27100, s3;
	s6 =	sor.u32 s11, s5;
	s5 =	sadd.s32 $0x2A00, s0  }
0xa: {  	s10 =	sshrl.u32 s17, $0x1;
	s11 =	smul.u32 $0x2710, s11;
	s29 =	sshrl.u32 s23, $0x2  }
0xb: {  	s9 =	smul.u32 $0x2710, s6;
	s7 =	sadd.s32 s8, s7;
	s18 =	ssub.s32 s17, s10  }
0xc: {  	s19 =	sadd.s32 s29, s2;
	s6 =	simm.s32 $0x0;
	s7 =	sshrl.u32 s7, $0x3  }
0xd: {  	s3 =	sadd.s32 s11, s3;
	s17 =	sadd.s32 $0x5000, s19;
	[dreg:$0xd] =	wrdreg s19  }
0xe: {  	s29 =	sadd.s32 $0x11800, s19;
	s9 =	sshrl.u32 s9, $0x3;
	[dreg:$0x14] =	wrdreg s17  }
0xf: {  	s0 =	sadd.s32 s7, s0;
	s7 =	smax.u32 s18, $0x1;
	[dreg:$0x19] =	wrdreg s29  }
0x10: {  	s11 =	sadd.s32 $0x1E0, s3;
	s18 =	sadd.s32 $0x7800, s19;
	[dreg:$0xe] =	wrdreg s7  }
0x11: {  	s17 =	simm.s32 $0x1;
	s20 =	sadd.s32 s5, s9;
	[dreg:$0x15] =	wrdreg s18  }
0x12: {  	s21 =	sadd.s32 s16, s9;
	s22 =	sadd.s32 $0xA, s9;
	[dreg:$0x4] =	wrdreg s20  }
0x13: {  	s24 =	sadd.s32 $0x14, s9;
	s0 =	sadd.s32 $0x16600, s0;
	[dreg:$0x5] =	wrdreg s21  }
0x14: {  	s9 =	sadd.s32 $0x1E, s9;
	s12 =	sadd.s32 s5, s22;
	[dreg:$0xc] =	wrdreg s0  }
0x15: {  	s13 =	sshrl.u32 s11, $0x3;
	s8 =	sadd.s32 s16, s22;
	[dreg:$0x6] =	wrdreg s12  }
0x16: {  	s7 =	simm.s32 $0xD;
	s25 =	sadd.s32 s5, s24;
	[dreg:$0x7] =	wrdreg s8  }
0x17: {  	s18 =	simm.s32 $0x50;
	s26 =	sadd.s32 s5, s9;
	[dreg:$0x8] =	wrdreg s25  }
0x18: {  	s28 =	sadd.s32 s16, s9;
	s9 =	sadd.s32 $0x2800, s19;
	[dreg:$0xa] =	wrdreg s26  }
0x19: {  	s15 =	sadd.s32 s13, s16;
	s22 =	sadd.s32 s13, s5;
	[dreg:$0xb] =	wrdreg s28  }
0x1a: {  	s21 =	smov.u32 s16;
	s20 =	smov.u32 s5;
	[dreg:$0xf] =	wrdreg s9  }
0x1b: {  	s8 =	sadd.s32 s16, s24;
	s12 =	sadd.s32 $0x190, s3;
	[dreg:$0x12] =	wrdreg s15  }
0x1c: {  	s25 =	sadd.s32 $0xA000, s19;
	s26 =	sadd.s32 $0xC800, s19;
	[dreg:$0x9] =	wrdreg s8  }
0x1d: {  	s28 =	sadd.s32 $0xF000, s19;
	s9 =	simm.s32 $0x14200;
	[dreg:$0x16] =	wrdreg s25  }
0x1e: {  	s15 =	simm.s32 $0x14380;
	s8 =	sadd.s32 $0x230, s3;
	[dreg:$0x17] =	wrdreg s26  }
0x1f: {  	s14 =	sshrl.u32 s12, $0x3;
	[dreg:$0x18] =	wrdreg s28;
	s12 =	simm.s32 $0xA  }
0x20: {  	s26 =	simm.s32 $0x6;
	s25 =	simm.s32 $0x7;
	s0 =	sshrl.u32 s8, $0x3  }
.Ltmp0:
0x21: {  	s23 =	sadd.s32 s14, s16;
	s10 =	sadd.s32 s0, s16;
	(pc) =	sbr.rel .LBB2_1-.Ltmp0, $4  }
0x22: {  	s24 =	sadd.s32 s14, s5;
	s0 =	sadd.s32 s0, s5;
	[dreg:$0x10] =	wrdreg s10  }
0x23: {  	s8 =	simm.s32 $0x14000;
	s16 =	sadd.s32 $0x140, s3;
	[dreg:$0x11] =	wrdreg s0  }
0x24: {  	s14 =	simm.s32 $0x14180;
	s3 =	simm.s32 $0x14400;
	[dreg:$0x13] =	wrdreg s16  }
0x25: {  	v0 =	vimm.f32 $0.0e+00;
	s0 =	simm.s32 $0x1BC00;
	s10 =	simm.s32 $0x5;
	s16 =	simm.s32 $0x8  }
.LBB2_6:
0x26: {  	_ =	swait.ge [sflag:s30], $0x2800  }
0x27: {  	[sflag:s30] =	ssyncset.done $0x0  }
0x28: {  	[sflag:s30] =	ssyncadd.s32 $0xFFFFD800  }
0x29: {  	_ =	swait.ge [sflag:s10], $0x50  }
0x2a: {  	[sflag:s10] =	ssyncset.done $0x0  }
0x2b: {  	[sflag:s10] =	ssyncadd.s32 $0xFFFFFFB0  }
0x2c: {  	[spmem:s2] =	stream.indirect.scatter.add.f32 [tilespmem:s3], [sflag:$0xD], $0x80, s9, s18, $0xb8;
	[tilespmem:$0x1E400] =	vst v63  }
0x2d: {  	_ =	swait.ge [sflag:s7], $0x2800  }
0x2e: {  	[sflag:s7] =	ssyncset.done $0x0  }
0x2f: {  	[sflag:s7] =	ssyncadd.s32 $0xFFFFD800  }
0x30: {  	s5 =	stileid.u32;
	[bflag:$0x0] =	sbarrier.arrive $0xFFFF  }
0x31: {  	s5 =	sshll.u32 s5, $0x6;
	s19 =	rddreg [dreg:$0xd]  }
0x32: {  	s5 =	sor.u32 $0x1C0D, s5;
	s11 =	rddreg [dreg:$0xc];
	s6 =	sshrl.u32 s19, $0x3  }
0x33: {  	[hbm:s11], [sflag:s5] =	dma.local [spmem:s6], $0x2800  }
0x34: {  	_ =	swait.ge [sflag:s7], $0x2800  }
0x35: {  	s28 =	rddreg [dreg:$0x1a]  }
0x36: {  	s29 =	rddreg [dreg:$0xe];
	s6 =	sadd.s32 $0x1, s28  }
0x37: {  	p0 =	sne.s32 s6, s29  }
.Ltmp1:
0x38: {  	_ = 	snop;
	(pc) =	sbr.rel @!p0 .LBB2_7-.Ltmp1, $3  }
0x39: {  	_ =	sdelay $0x1  }
0x3a: {  	[sflag:s7] =	ssyncset.done $0x0  }
0x3b: {  	[sflag:s7] =	ssyncadd.s32 $0xFFFFD800  }
.LBB2_1:
0x3c: {  	[dreg:$0x1a] =	wrdreg s6;
	s11 =	simm.s32 $0x0;
	s13 =	simm.s32 $0x200  }
.LBB2_2:
0x3d: {  	p0 =	sne.s32 s13, $0x9E00;
	[tilespmem:s11+$0x14470] =	vst v0  }
0x3e: {  	[tilespmem:s11+$0x14400] =	vst v0  }
0x3f: {  	[tilespmem:s11+$0x14410] =	vst v0  }
.Ltmp2:
0x40: {  	[tilespmem:s11+$0x14420] =	vst v0;
	(pc) =	sbr.rel @p0 .LBB2_2-.Ltmp2, $4  }
0x41: {  	[tilespmem:s11+$0x14430] =	vst v0  }
0x42: {  	[tilespmem:s11+$0x14440] =	vst v0  }
0x43: {  	[tilespmem:s11+$0x14450] =	vst v0  }
0x44: {  	[tilespmem:s11+$0x14460] =	vst v0;
	s11 =	sshra.s32 s13, $0x2;
	s13 =	sadd.s32 $0x200, s13  }
0x45: {  	[tilespmem:s11+$0x14470] =	vst v0  }
0x46: {  	[tilespmem:s11+$0x14400] =	vst v0  }
0x47: {  	[tilespmem:s11+$0x14410] =	vst v0  }
0x48: {  	[tilespmem:s11+$0x14420] =	vst v0  }
0x49: {  	[tilespmem:s11+$0x14430] =	vst v0  }
0x4a: {  	[tilespmem:s11+$0x14440] =	vst v0  }
0x4b: {  	[tilespmem:s11+$0x14450] =	vst v0  }
0x4c: {  	[tilespmem:s11+$0x14460] =	vst v0  }
0x4d: {  	[spmem:s19] =	stream.linear.scatter [tilespmem:s3], [sflag:$0xD], $0x2800, $0x38;
	[tilespmem:$0x1E400] =	vst v63  }
0x4e: {  	_ =	swait.ge [sflag:s7], $0x2800  }
0x4f: {  	[sflag:s7] =	ssyncset.done $0x0  }
0x50: {  	s5 =	rddreg [dreg:$0xf];
	[sflag:s7] =	ssyncadd.s32 $0xFFFFD800  }
0x51: {  	[spmem:s5] =	stream.linear.scatter [tilespmem:s3], [sflag:$0xD], $0x2800, $0x38;
	[tilespmem:$0x1E400] =	vst v63  }
0x52: {  	_ =	swait.ge [sflag:s7], $0x2800  }
0x53: {  	[sflag:s7] =	ssyncset.done $0x0  }
0x54: {  	s13 =	rddreg [dreg:$0x14];
	[sflag:s7] =	ssyncadd.s32 $0xFFFFD800  }
0x55: {  	[spmem:s13] =	stream.linear.scatter [tilespmem:s3], [sflag:$0xD], $0x2800, $0x38;
	[tilespmem:$0x1E400] =	vst v63  }
0x56: {  	_ =	swait.ge [sflag:s7], $0x2800  }
0x57: {  	[sflag:s7] =	ssyncset.done $0x0  }
0x58: {  	s19 =	rddreg [dreg:$0x15];
	[sflag:s7] =	ssyncadd.s32 $0xFFFFD800  }
0x59: {  	[spmem:s19] =	stream.linear.scatter [tilespmem:s3], [sflag:$0xD], $0x2800, $0x38;
	[tilespmem:$0x1E400] =	vst v63  }
0x5a: {  	_ =	swait.ge [sflag:s7], $0x2800  }
0x5b: {  	[sflag:s7] =	ssyncset.done $0x0  }
0x5c: {  	s28 =	rddreg [dreg:$0x16];
	[sflag:s7] =	ssyncadd.s32 $0xFFFFD800  }
0x5d: {  	[spmem:s28] =	stream.linear.scatter [tilespmem:s3], [sflag:$0xD], $0x2800, $0x38;
	[tilespmem:$0x1E400] =	vst v63  }
0x5e: {  	_ =	swait.ge [sflag:s7], $0x2800  }
0x5f: {  	[sflag:s7] =	ssyncset.done $0x0  }
0x60: {  	s29 =	rddreg [dreg:$0x17];
	[sflag:s7] =	ssyncadd.s32 $0xFFFFD800  }
0x61: {  	[spmem:s29] =	stream.linear.scatter [tilespmem:s3], [sflag:$0xD], $0x2800, $0x38;
	[tilespmem:$0x1E400] =	vst v63  }
0x62: {  	_ =	swait.ge [sflag:s7], $0x2800  }
0x63: {  	[sflag:s7] =	ssyncset.done $0x0  }
0x64: {  	s6 =	rddreg [dreg:$0x18];
	[sflag:s7] =	ssyncadd.s32 $0xFFFFD800  }
0x65: {  	[spmem:s6] =	stream.linear.scatter [tilespmem:s3], [sflag:$0xD], $0x2800, $0x38;
	[tilespmem:$0x1E400] =	vst v63  }
0x66: {  	_ =	swait.ge [sflag:s7], $0x2800  }
0x67: {  	[sflag:s7] =	ssyncset.done $0x0  }
0x68: {  	s11 =	rddreg [dreg:$0x19];
	[sflag:s7] =	ssyncadd.s32 $0xFFFFD800  }
0x69: {  	[spmem:s11] =	stream.linear.scatter [tilespmem:s3], [sflag:$0xD], $0x2800, $0x38;
	[tilespmem:$0x1E400] =	vst v63  }
0x6a: {  	_ =	swait.ge [sflag:s7], $0x2800  }
0x6b: {  	[sflag:s7] =	ssyncset.done $0x0  }
0x6c: {  	[sflag:s7] =	ssyncadd.s32 $0xFFFFD800  }
0x6d: {  	[bflag:$0x0] =	sbarrier.arrive $0xFFFF  }
0x6e: {  	s11 =	simm.s32 $0x0;
	s13 =	rddreg [dreg:$0x4]  }
0x6f: {  	[tilespmem:s8], [sflag:$0x1] =	stream.linear.gather [hbm4b:s13+s11], $0x50, $0x38;
	[tilespmem:$0x1E400] =	vst v63  }
0x70: {  	s19 =	rddreg [dreg:$0x5]  }
0x71: {  	[tilespmem:s9], [sflag:$0x5] =	stream.linear.gather [hbm4b:s19+s11], $0x50, $0x38;
	[tilespmem:$0x1E400] =	vst v63  }
0x72: {  	s6 =	simm.s32 $0x14080;
	s28 =	rddreg [dreg:$0x6]  }
0x73: {  	[tilespmem:s6], [sflag:$0x2] =	stream.linear.gather [hbm4b:s28+s11], $0x50, $0x38;
	[tilespmem:$0x1E400] =	vst v63  }
0x74: {  	s29 =	rddreg [dreg:$0x7];
	s13 =	simm.s32 $0x14280  }
0x75: {  	[tilespmem:s13], [sflag:$0x6] =	stream.linear.gather [hbm4b:s29+s11], $0x50, $0x38;
	[tilespmem:$0x1E400] =	vst v63  }
0x76: {  	s19 =	rddreg [dreg:$0x8];
	s13 =	simm.s32 $0x14100  }
0x77: {  	[tilespmem:s13], [sflag:$0x3] =	stream.linear.gather [hbm4b:s19+s11], $0x50, $0x38;
	[tilespmem:$0x1E400] =	vst v63  }
0x78: {  	s28 =	rddreg [dreg:$0x9];
	s29 =	simm.s32 $0x14300  }
0x79: {  	[tilespmem:s29], [sflag:$0x7] =	stream.linear.gather [hbm4b:s28+s11], $0x50, $0x38;
	[tilespmem:$0x1E400] =	vst v63  }
0x7a: {  	s19 =	rddreg [dreg:$0xa]  }
0x7b: {  	[tilespmem:s14], [sflag:$0x4] =	stream.linear.gather [hbm4b:s19+s11], $0x50, $0x38;
	[tilespmem:$0x1E400] =	vst v63  }
0x7c: {  	s28 =	rddreg [dreg:$0xb]  }
0x7d: {  	[tilespmem:s15], [sflag:$0x8] =	stream.linear.gather [hbm4b:s28+s11], $0x50, $0x38;
	[tilespmem:$0x1E400] =	vst v63  }
0x7e: {  	_ =	swait.ge [sflag:s17], $0x50  }
0x7f: {  	[sflag:s17] =	ssyncset.done $0x0  }
0x80: {  	s29 =	simm.s32 $0x2;
	[sflag:s17] =	ssyncadd.s32 $0xFFFFFFB0  }
0x81: {  	[tilespmem:s3], [sflag:$0x9] =	stream.indirect.gather [hbm4b:s1+s18], $0x80, s8, s18, $0xb8;
	[tilespmem:$0x1E400] =	vst v63  }
0x82: {  	_ =	swait.ge [sflag:s29], $0x50  }
0x83: {  	[sflag:s29] =	ssyncset.done $0x0  }
0x84: {  	s19 =	simm.s32 $0x16C00;
	s28 =	simm.s32 $0x3;
	[sflag:s29] =	ssyncadd.s32 $0xFFFFFFB0  }
0x85: {  	[tilespmem:s19], [sflag:$0xA] =	stream.indirect.gather [hbm4b:s1+s18], $0x80, s6, s18, $0xb8;
	[tilespmem:$0x1E400] =	vst v63  }
0x86: {  	_ =	swait.ge [sflag:s28], $0x50  }
0x87: {  	[sflag:s28] =	ssyncset.done $0x0  }
0x88: {  	s29 =	simm.s32 $0x19400;
	[sflag:s28] =	ssyncadd.s32 $0xFFFFFFB0  }
0x89: {  	[tilespmem:s29], [sflag:$0xB] =	stream.indirect.gather [hbm4b:s1+s18], $0x80, s13, s18, $0xb8;
	[tilespmem:$0x1E400] =	vst v63  }
0x8a: {  	s13 =	rddreg [dreg:$0x13]  }
.LBB2_4:
0x8b: {  	_ =	swait.ge [sflag:s30], $0x2800  }
0x8c: {  	[sflag:s30] =	ssyncset.done $0x0  }
0x8d: {  	[sflag:s30] =	ssyncadd.s32 $0xFFFFD800  }
0x8e: {  	_ =	swait.ge [sflag:s31], $0x50  }
0x8f: {  	[sflag:s31] =	ssyncset.done $0x0  }
0x90: {  	[sflag:s31] =	ssyncadd.s32 $0xFFFFFFB0  }
0x91: {  	[tilespmem:s0], [sflag:$0xC] =	stream.indirect.gather [hbm4b:s1+s18], $0x80, s14, s18, $0xb8;
	[tilespmem:$0x1E400] =	vst v63  }
0x92: {  	_ =	swait.ge [sflag:s10], $0x50  }
0x93: {  	[sflag:s10] =	ssyncset.done $0x0  }
0x94: {  	[sflag:s10] =	ssyncadd.s32 $0xFFFFFFB0  }
0x95: {  	[spmem:s2] =	stream.indirect.scatter.add.f32 [tilespmem:s3], [sflag:$0xD], $0x80, s9, s18, $0xb8;
	[tilespmem:$0x1E400] =	vst v63  }
0x96: {  	_ =	swait.ge [sflag:s7], $0x2800  }
0x97: {  	s28 =	sshrl.u32 s13, $0x3;
	[sflag:s7] =	ssyncset.done $0x0  }
0x98: {  	s29 =	sadd.s32 s20, s28;
	[sflag:s7] =	ssyncadd.s32 $0xFFFFD800  }
0x99: {  	[tilespmem:s8], [sflag:$0x1] =	stream.linear.gather [hbm4b:s29+s4], $0x50, $0x38;
	[tilespmem:$0x1E400] =	vst v63  }
0x9a: {  	s28 =	sadd.s32 s21, s28  }
0x9b: {  	[tilespmem:s9], [sflag:$0x5] =	stream.linear.gather [hbm4b:s28+s4], $0x50, $0x38;
	[tilespmem:$0x1E400] =	vst v63  }
0x9c: {  	_ =	swait.ge [sflag:s12], $0x2800  }
0x9d: {  	[sflag:s12] =	ssyncset.done $0x0  }
0x9e: {  	[sflag:s12] =	ssyncadd.s32 $0xFFFFD800  }
0x9f: {  	_ =	swait.ge [sflag:s17], $0x50  }
0xa0: {  	[sflag:s17] =	ssyncset.done $0x0  }
0xa1: {  	[sflag:s17] =	ssyncadd.s32 $0xFFFFFFB0  }
0xa2: {  	[tilespmem:s3], [sflag:$0x9] =	stream.indirect.gather [hbm4b:s1+s18], $0x80, s8, s18, $0xb8;
	[tilespmem:$0x1E400] =	vst v63  }
0xa3: {  	_ =	swait.ge [sflag:s26], $0x50  }
0xa4: {  	[sflag:s26] =	ssyncset.done $0x0  }
0xa5: {  	s5 =	simm.s32 $0x14280;
	s6 =	simm.s32 $0x16C00;
	[sflag:s26] =	ssyncadd.s32 $0xFFFFFFB0  }
0xa6: {  	[spmem:s2] =	stream.indirect.scatter.add.f32 [tilespmem:s6], [sflag:$0xD], $0x80, s5, s18, $0xb8;
	[tilespmem:$0x1E400] =	vst v63  }
0xa7: {  	_ =	swait.ge [sflag:s7], $0x2800  }
0xa8: {  	p0 =	seq.s32 s11, $0x4B0;
	[sflag:s7] =	ssyncset.done $0x0  }
0xa9: {  	s28 =	simm.s32 @p0 $0xB;
	[sflag:s7] =	ssyncadd.s32 $0xFFFFD800  }
0xaa: {  	_ =	swait.ge @p0 [sflag:s28], $0x2800  }
0xab: {  	s29 =	simm.s32 @!p0 $0x0;
	[sflag:s28] =	ssyncset.done @p0 $0x0  }
0xac: {  	s5 =	simm.s32 @!p0 $0x14080;
	[sflag:s28] =	ssyncadd.s32 @p0 $0xFFFFD800;
	s28 =	sadd.s32 @!p0 s11, s24  }
0xad: {  	[tilespmem:s5], [sflag:$0x2] =	stream.linear.gather @!p0 [hbm4b:s28+s29], $0x50, $0x38;
	[tilespmem:$0x1E400] =	vst v63  }
0xae: {  	s6 =	simm.s32 @!p0 $0x14280;
	s28 =	sadd.s32 @!p0 s11, s23  }
0xaf: {  	[tilespmem:s6], [sflag:$0x6] =	stream.linear.gather @!p0 [hbm4b:s28+s29], $0x50, $0x38;
	[tilespmem:$0x1E400] =	vst v63  }
0xb0: {  	s6 =	simm.s32 @!p0 $0xB  }
0xb1: {  	_ =	swait.ge @!p0 [sflag:s6], $0x2800  }
0xb2: {  	[sflag:s6] =	ssyncset.done @!p0 $0x0  }
0xb3: {  	[sflag:s6] =	ssyncadd.s32 @!p0 $0xFFFFD800;
	s6 =	simm.s32 @!p0 $0x2  }
0xb4: {  	_ =	swait.ge @!p0 [sflag:s6], $0x50  }
0xb5: {  	[sflag:s6] =	ssyncset.done @!p0 $0x0  }
0xb6: {  	s28 =	simm.s32 @!p0 $0x16C00;
	[sflag:s6] =	ssyncadd.s32 @!p0 $0xFFFFFFB0;
	s6 =	simm.s32 @!p0 $0x50  }
0xb7: {  	[tilespmem:s28], [sflag:$0xA] =	stream.indirect.gather @!p0 [hbm4b:s1+s6], $0x80, s5, s6, $0xb8;
	[tilespmem:$0x1E400] =	vst v63  }
0xb8: {  	_ =	swait.ge [sflag:s25], $0x50  }
0xb9: {  	[sflag:s25] =	ssyncset.done $0x0  }
0xba: {  	s19 =	simm.s32 $0x19400;
	s28 =	simm.s32 $0x14300;
	[sflag:s25] =	ssyncadd.s32 $0xFFFFFFB0  }
0xbb: {  	[spmem:s2] =	stream.indirect.scatter.add.f32 [tilespmem:s19], [sflag:$0xD], $0x80, s28, s18, $0xb8;
	[tilespmem:$0x1E400] =	vst v63  }
0xbc: {  	_ =	swait.ge [sflag:s7], $0x2800  }
0xbd: {  	[sflag:s7] =	ssyncset.done $0x0  }
0xbe: {  	s5 =	simm.s32 @p0 $0xC;
	[sflag:s7] =	ssyncadd.s32 $0xFFFFD800  }
0xbf: {  	_ =	swait.ge @p0 [sflag:s5], $0x2800  }
0xc0: {  	[sflag:s5] =	ssyncset.done @p0 $0x0  }
0xc1: {  	s28 =	simm.s32 @!p0 $0x14100;
	[sflag:s5] =	ssyncadd.s32 @p0 $0xFFFFD800;
	s5 =	sadd.s32 @!p0 s11, s22  }
0xc2: {  	[tilespmem:s28], [sflag:$0x3] =	stream.linear.gather @!p0 [hbm4b:s5+s29], $0x50, $0x38;
	[tilespmem:$0x1E400] =	vst v63  }
0xc3: {  	s5 =	rddreg [dreg:$0x12]  }
0xc4: {  	s19 =	simm.s32 @!p0 $0x14300;
	s5 =	sadd.s32 @!p0 s11, s5  }
0xc5: {  	[tilespmem:s19], [sflag:$0x7] =	stream.linear.gather @!p0 [hbm4b:s5+s29], $0x50, $0x38;
	[tilespmem:$0x1E400] =	vst v63  }
0xc6: {  	s5 =	simm.s32 @!p0 $0xC  }
0xc7: {  	_ =	swait.ge @!p0 [sflag:s5], $0x2800  }
0xc8: {  	[sflag:s5] =	ssyncset.done @!p0 $0x0  }
0xc9: {  	[sflag:s5] =	ssyncadd.s32 @!p0 $0xFFFFD800;
	s5 =	simm.s32 @!p0 $0x3  }
0xca: {  	_ =	swait.ge @!p0 [sflag:s5], $0x50  }
0xcb: {  	[sflag:s5] =	ssyncset.done @!p0 $0x0  }
0xcc: {  	[sflag:s5] =	ssyncadd.s32 @!p0 $0xFFFFFFB0;
	s5 =	simm.s32 @!p0 $0x19400  }
0xcd: {  	[tilespmem:s5], [sflag:$0xB] =	stream.indirect.gather @!p0 [hbm4b:s1+s6], $0x80, s28, s6, $0xb8;
	[tilespmem:$0x1E400] =	vst v63  }
0xce: {  	_ =	swait.ge [sflag:s16], $0x50  }
0xcf: {  	[sflag:s16] =	ssyncset.done $0x0  }
.Ltmp3:
0xd0: {  	[sflag:s16] =	ssyncadd.s32 $0xFFFFFFB0;
	(pc) =	sbr.rel @p0 .LBB2_6-.Ltmp3, $4  }
0xd1: {  	[spmem:s2] =	stream.indirect.scatter.add.f32 [tilespmem:s0], [sflag:$0xD], $0x80, s15, s18, $0xb8;
	[tilespmem:$0x1E400] =	vst v63  }
0xd2: {  	_ =	swait.ge [sflag:s7], $0x2800  }
0xd3: {  	[sflag:s7] =	ssyncset.done $0x0  }
0xd4: {  	[sflag:s7] =	ssyncadd.s32 $0xFFFFD800  }
.Ltmp4:
0xd5: {  	s5 =	rddreg [dreg:$0x11];
	(pc) =	sbr.rel .LBB2_4-.Ltmp4, $4  }
0xd6: {  	s29 =	rddreg [dreg:$0x10];
	s5 =	sadd.s32 s11, s5  }
0xd7: {  	[tilespmem:s14], [sflag:$0x4] =	stream.linear.gather [hbm4b:s5+s4], $0x50, $0x38;
	[tilespmem:$0x1E400] =	vst v63  }
0xd8: {  	s13 =	sadd.s32 $0x140, s13;
	s5 =	sadd.s32 s11, s29;
	s11 =	sadd.s32 $0x28, s11  }
0xd9: {  	[tilespmem:s15], [sflag:$0x8] =	stream.linear.gather [hbm4b:s5+s4], $0x50, $0x38;
	[tilespmem:$0x1E400] =	vst v63  }
.LBB2_7:
0xda: {  	_ =	sfence.sel $0x180000  }
0xdb: {  	[bflag:$0x0] =	sbarrier.arrive $0xFFFF  }
0xdc: {  	_ =	strace $0x9000004D  }
0xdd: {  	s0 =	stileid.u32;
	[bflag:$0x2] =	sbarrier.arrive $0xFFFF  }
0xde: {  	p0 =	sne.s32 s0, $0x0;
	s0 =	rddreg [dreg:$0x3]  }
0xdf: {  	s0 =	sadd.s32 @!p0 $0x100000, s0  }
0xe0: {  	[sflag:s0] =	ssyncadd.tile.s32 @!p0 $0x1;
	_ =	shalt  }
.Lfunc_end2:
_tile_overlayer_lowered:
.L_overlay_start_2:
0xe1: {  	(tag) =	ssettag $0x2  }
0xe2: {  	s0 =	rddreg [dreg:$0x0];
	s2 =	stileid.u32  }
0xe3: {  	s1 =	rddreg [dreg:$0x1];
	p0 =	sne.s32 s2, $0x0  }
0xe4: {  	s3 =	rddreg [dreg:$0x2];
	[bflag:$0x3] =	sbarrier.arrive $0xFFFF;
	s2 =	simm.s32 @!p0 $0x1C0D  }
0xe5: {  	[timem:s3], [sflag:s2] =	dma.local @!p0 [hbm:s0], s1  }
0xe6: {  	s0 =	simm.s32 @!p0 $0xD  }
0xe7: {  	_ =	swait.ge @!p0 [sflag:s0], s1  }
0xe8: {  	s1 =	ssub.s32 @!p0 $0x0, s1;
	[sflag:s0] =	ssyncset.done @!p0 $0x0  }
0xe9: {  	[sflag:s0] =	ssyncadd.s32 @!p0 s1  }
0xea: {  	[bflag:$0x3] =	sbarrier.arrive $0xFFFF  }
0xeb: {  	_ =	shalt  }

// kernel: kernel.8.cloned.1.call-start
scs
__scs_entry_jumppad:
0x0: {  	(pc) =	sbr.rel $0x88, $3  }
0x1: {  	(tag) =	ssettag $0x0;
	lr =	simm.s32 $0x1  }
0x2: {  	[smem:$0x3F9B] =	sst lr;
	_ =	strace $0xD0000000  }
0x3: {  	_ = 	snop  }
0x4: {  	_ = 	snop  }
0x5: {  	_ = 	snop  }
0x6: {  	_ = 	snop  }
0x7: {  	_ = 	snop  }
__scs_overlays_trampoline_lowered:
0x8: {  	[smem:$0x3FAA] =	sst s0  }
0x9: {  	[smem:$0x3FAB] =	sst s1  }
0xa: {  	[smem:$0x3FAC] =	sst s2  }
0xb: {  	[smem:$0x3FAD] =	sst s3  }
0xc: {  	[smem:$0x3FAE] =	sst s4  }
0xd: {  	[smem:$0x3FAF] =	sst s5  }
0xe: {  	[smem:$0x3FB0] =	sst s6  }
0xf: {  	[smem:$0x3FB1] =	sst s7  }
0x10: {  	[smem:$0x3FB2] =	sst s8  }
0x11: {  	[smem:$0x3FB3] =	sst s9;
	s0 =	simm.s32 @!p0 $0x0  }
0x12: {  	s1 =	sld [smem:$0x3F99];
	s0 =	simm.s32 @p0 $0x1  }
0x13: {  	[smem:$0x3FB4] =	sst s0;
	s0 =	simm.s32 @!p1 $0x0  }
0x14: {  	s2 =	sld [smem:$0x3F98];
	s0 =	simm.s32 @p1 $0x1  }
0x15: {  	[smem:$0x3FB5] =	sst s0;
	s0 =	simm.s32 @!p2 $0x0  }
0x16: {  	s3 =	sld [smem:$0x3FDB];
	s0 =	simm.s32 @p2 $0x1  }
0x17: {  	s4 =	simm.s32 $0x1BF5;
	[smem:$0x3FB7] =	sst s0  }
0x18: {  	s0 =	sld [smem:$0x3F9A];
	_ =	swait.ge [sflag:s4], $0x0  }
0x19: {  	s7 =	sld [smem:$0x3F9B]  }
0x1a: {  	s8 =	sadd.s32 $0xFFFFE003, lr  }
0x1b: {  	s9 =	sadd.s32 $0xFFFFFEF7, lr;
	s5 =	simm.s32 $0xFFFFFFFF;
	p2 =	slt.u32 s8, $0xFFFFF086  }
0x1c: {  	p1 =	slt.u32 s9, $0xF7A;
	s5 =	simm.s32 @!p2 $0x0  }
0x1d: {  	s5 =	simm.s32 @p1 $0x1;
	p0 =	seq.s32 s7, s2  }
0x1e: {  	s7 =	smul.u32 @!p0 $0xF7A, s2;
	p2 =	seq.s32 @!p0 s5, $0x0  }
0x1f: {  	s9 =	smul.u32 $0xF7A, s1;
	s8 =	simm.s32 @!p0 $0x1BF5;
	p2 =	por !p2, p0  }
0x20: {  	[sflag:s8] =	ssyncset.s32 @!p0 $0xFFFFF086;
	s6 =	sadd.s32 @!p0 s3, s7;
	s7 =	simm.s32 @!p0 $0x108  }
0x21: {  	s3 =	sadd.s32 s3, s9;
	s6 =	sadd.s32 @!p0 $0x88, s6;
	s7 =	simm.s32 @p2 $0x1082  }
0x22: {  	[simem:s7], [sflag:s8] =	dma.local @!p0 [hbm:s6], $0xF7A  }
0x23: {  	s9 =	sor.u32 $0xD0000000, s2;
	s6 =	simm.s32 $0x108;
	_ =	swait.ge @!p0 [sflag:s8], $0x0  }
0x24: {  	s3 =	sadd.s32 $0x88, s3;
	s6 =	simm.s32 @!p1 $0x1082;
	[sflag:s4] =	ssyncset.s32 $0xFFFFF086  }
0x25: {  	[simem:s6], [sflag:s4] =	dma.local [hbm:s3], $0xF7A  }
0x26: {  	[smem:$0x3F9B] =	sst s1;
	(tag) =	ssettag s2;
	_ =	strace s9  }
0x27: {  	s1 =	sld [smem:$0x3FAB]  }
0x28: {  	s2 =	sld [smem:$0x3FAC]  }
0x29: {  	s4 =	sld [smem:$0x3FAE]  }
0x2a: {  	p0 =	seq.s32 s5, $0x0;
	s5 =	sld [smem:$0x3FAF]  }
0x2b: {  	s6 =	sld [smem:$0x3FB0]  }
0x2c: {  	s7 =	sld [smem:$0x3FB1]  }
0x2d: {  	s3 =	simm.s32 $0x108;
	s8 =	sld [smem:$0x3FB2]  }
0x2e: {  	s3 =	simm.s32 @!p0 $0x1082;
	s9 =	sld [smem:$0x3FB3]  }
0x2f: {  	lr =	sadd.s32 s0, s3;
	s0 =	sld [smem:$0x3FAA]  }
0x30: {  	s3 =	sld [smem:$0x3FAD]  }
0x31: {  	[smem:$0x3FB6] =	sst s10  }
0x32: {  	s10 =	sld [smem:$0x3FB4];
	_ =	sdelay $0x3  }
0x33: {  	p0 =	seq.s32 s10, $0x1;
	s10 =	sld [smem:$0x3FB6];
	_ =	sdelay $0x3  }
0x34: {  	[smem:$0x3FB6] =	sst s10  }
0x35: {  	s10 =	sld [smem:$0x3FB5];
	_ =	sdelay $0x3  }
0x36: {  	p1 =	seq.s32 s10, $0x1;
	s10 =	sld [smem:$0x3FB6];
	_ =	sdelay $0x3  }
0x37: {  	[smem:$0x3FB6] =	sst s10  }
0x38: {  	s10 =	sld [smem:$0x3FB7]  }
0x39: {  	_ = 	snop;
	(pc) =	sbr.ind lr, $3  }
0x3a: {  	_ = 	snop  }
0x3b: {  	_ = 	snop  }
0x3c: {  	p2 =	seq.s32 s10, $0x1;
	s10 =	sld [smem:$0x3FB6]  }
0x3d: {  	_ =	shalt  }
0x3e: {  	_ =	shalt  }
0x3f: {  	_ =	shalt  }
0x40: {  	_ =	shalt  }
0x41: {  	_ =	shalt  }
0x42: {  	_ =	shalt  }
0x43: {  	_ =	shalt  }
0x44: {  	_ =	shalt  }
0x45: {  	_ =	shalt  }
0x46: {  	_ =	shalt  }
0x47: {  	_ =	shalt  }
0x48: {  	_ =	shalt  }
0x49: {  	_ =	shalt  }
0x4a: {  	_ =	shalt  }
0x4b: {  	_ =	shalt  }
0x4c: {  	_ =	shalt  }
0x4d: {  	_ =	shalt  }
0x4e: {  	_ =	shalt  }
0x4f: {  	_ =	shalt  }
0x50: {  	_ =	shalt  }
0x51: {  	_ =	shalt  }
0x52: {  	_ =	shalt  }
0x53: {  	_ =	shalt  }
0x54: {  	_ =	shalt  }
0x55: {  	_ =	shalt  }
0x56: {  	_ =	shalt  }
0x57: {  	_ =	shalt  }
0x58: {  	_ =	shalt  }
0x59: {  	_ =	shalt  }
0x5a: {  	_ =	shalt  }
0x5b: {  	_ =	shalt  }
0x5c: {  	_ =	shalt  }
0x5d: {  	_ =	shalt  }
0x5e: {  	_ =	shalt  }
0x5f: {  	_ =	shalt  }
0x60: {  	_ =	shalt  }
0x61: {  	_ =	shalt  }
0x62: {  	_ =	shalt  }
0x63: {  	_ =	shalt  }
0x64: {  	_ =	shalt  }
0x65: {  	_ =	shalt  }
0x66: {  	_ =	shalt  }
0x67: {  	_ =	shalt  }
0x68: {  	_ =	shalt  }
0x69: {  	_ =	shalt  }
0x6a: {  	_ =	shalt  }
0x6b: {  	_ =	shalt  }
0x6c: {  	_ =	shalt  }
0x6d: {  	_ =	shalt  }
0x6e: {  	_ =	shalt  }
0x6f: {  	_ =	shalt  }
0x70: {  	_ =	shalt  }
0x71: {  	_ =	shalt  }
0x72: {  	_ =	shalt  }
0x73: {  	_ =	shalt  }
0x74: {  	_ =	shalt  }
0x75: {  	_ =	shalt  }
0x76: {  	_ =	shalt  }
0x77: {  	_ =	shalt  }
0x78: {  	_ =	shalt  }
0x79: {  	_ =	shalt  }
0x7a: {  	_ =	shalt  }
0x7b: {  	_ =	shalt  }
0x7c: {  	_ =	shalt  }
0x7d: {  	_ =	shalt  }
0x7e: {  	_ =	shalt  }
0x7f: {  	_ =	shalt  }
0x80: {  	_ =	shalt  }
0x81: {  	_ =	shalt  }
0x82: {  	_ =	shalt  }
0x83: {  	_ =	shalt  }
0x84: {  	_ =	shalt  }
0x85: {  	_ =	shalt  }
0x86: {  	_ =	shalt  }
0x87: {  	_ =	shalt  }
.Lfunc_end0:
.L_simem_size_0:
called_computation_lowered:
.L_overlay_start_0:
0x88: {  	s2 =	sld [smem:$0x3FD9]  }
0x89: {  	s3 =	sld [smem:$0x3FFE];
	_ =	sdelay $0x1  }
0x8a: {  	s1 =	srdreg.scid  }
0x8b: {  	s0 =	sand.u32 $0x1, s1  }
0x8c: {  	s17 =	sshll.u32 s0, $0xA;
	s2 =	sadd.s32 s3, s2  }
0x8d: {  	s2 =	sadd.s32 s2, s17  }
0x8e: {  	[smem:$0x3FC2] =	sst s2  }
0x8f: {  	_ = 	snop  }
0x90: {  	s2 =	sld [smem:$0x3FD0];
	(tm) =	ssettm $0x1  }
0x91: {  	s18 =	sld [smem:$0x3FFB];
	_ =	sdelay $0x3  }
0x92: {  	_ =	strace s18  }
0x93: {  	s3 =	sld [smem:$0x3FFC];
	_ =	sdelay $0x3  }
0x94: {  	_ =	strace s3  }
0x95: {  	s3 =	sld [smem:$0x3FFD];
	_ =	sdelay $0x3  }
0x96: {  	_ =	strace s3  }
0x97: {  	_ =	strace $0x8FFFFFFF  }
0x98: {  	s19 =	sld [smem:$0x3FDB];
	_ =	sdelay $0x1  }
0x99: {  	s4 =	simm.s32 $_scs_section_size  }
0x9a: {  	s5 =	simm.s32 $_size__tile_overlayer_lowered;
	s6 =	simm.s32 $_tile_overlayer_lowered  }
0x9b: {  	s22 =	simm.s32 $0x1BFF;
	s21 =	sshll.u32 s6, $0x1;
	s3 =	sadd.s32 s4, s19  }
0x9c: {  	s7 =	simm.s32 $0x0;
	s20 =	sshll.u32 s5, $0x1;
	s5 =	sadd.s32 s21, s3  }
0x9d: {  	[timem:s7], [sflag:s22] =	dma.local [hbm:s5], s20  }
0x9e: {  	_ =	swait.ge [sflag:s22], s20  }
0x9f: {  	s4 =	ssub.s32 $0x0, s20;
	[sflag:s22] =	ssyncset.done $0x0  }
0xa0: {  	[sflag:s22] =	ssyncadd.s32 s4;
	_ =	sdelay $0x1  }
0xa1: {  	s23 =	simm.s32 $0x1B8B  }
0xa2: {  	_ =	swait.ge [sflag:s23], $0x1  }
0xa3: {  	[sflag:s23] =	ssyncset.done $0x0  }
0xa4: {  	s25 =	simm.s32 $0x1B8E;
	s24 =	sld [smem:$0x3FFE];
	[sflag:s23] =	ssyncadd.s32 $0xFFFFFFFF  }
0xa5: {  	s26 =	simm.s32 $execute0_lowered;
	[smem:$0x3FD2] =	sst s25  }
0xa6: {  	s5 =	sshll.u32 s26, $0x1;
	_ =	strace $0x80000046;
	[dreg:$0x1] =	wrdreg $0xFFFFFFFF  }
0xa7: {  	s28 =	simm.s32 $_size_execute0_lowered;
	s3 =	sadd.s32 s3, s5;
	[dreg:$0x0] =	wrdreg $0x0  }
0xa8: {  	s5 =	sshll.u32 s28, $0x1;
	[dreg:$0x2] =	wrdreg s3  }
0xa9: {  	[dreg:$0x3] =	wrdreg s5  }
0xaa: {  	[dreg:$0x4] =	wrdreg $0xC0  }
0xab: {  	_ =	task [dreg:s7], $0x5FFFF  }
0xac: {  	[dreg:$0x1] =	wrdreg $0xFFFFFFFF  }
0xad: {  	[dreg:$0x0] =	wrdreg $0x60  }
0xae: {  	[dreg:$0x2] =	wrdreg s2  }
0xaf: {  	[dreg:$0x3] =	wrdreg s24  }
0xb0: {  	[dreg:$0x4] =	wrdreg $0x0  }
0xb1: {  	[dreg:$0x5] =	wrdreg $0x9  }
0xb2: {  	_ =	task.clear_ibuf [dreg:s7], $0x6FFFF;
	_ =	strace $0x90000046  }
0xb3: {  	s29 =	simm.s32 $0x9;
	_ =	strace $0x80000048  }
0xb4: {  	_ =	swait.ge [sflag:s29], $0x1  }
0xb5: {  	[sflag:s29] =	ssyncadd.s32 $0xFFFFFFFF  }
0xb6: {  	_ =	strace $0x90000048  }
0xb7: {  	_ =	sfence  }
0xb8: {  	s30 =	sld [smem:$0x0];
	_ =	sdelay $0x2  }
0xb9: {  	s31 =	sshll.u32 s1, $0xD;
	s1 =	sshrl.u32 s1, $0x2  }
0xba: {  	s3 =	sand.u32 $0x4000, s31;
	s1 =	sadd.s32 s1, s30  }
0xbb: {  	s0 =	sor.u32 s3, s0;
	s1 =	sshll.u32 s1, $0x11  }
0xbc: {  	s0 =	sor.u32 s1, s0  }
0xbd: {  	s0 =	sadd.s32 $0x8F2B, s0  }
0xbe: {  	[sflag:s0] =	ssyncadd.remote.s32 $0x1  }
0xbf: {  	_ =	sfence.sel $0xFFFF  }
0xc0: {  	[dreg:$0x0] =	wrdreg $0xFFFFFFFF;
	(pc) =	sbr.abs _section_cstart, $3  }
0xc1: {  	[dreg:$0x1] =	wrdreg $0xFFFFFFFF  }
0xc2: {  	_ =	task.clear_ibuf [dreg:s7], $0x2FFFF;
	_ =	strace $0x9FFFFFFF  }
0xc3: {  	(tm) =	ssettm $0x7FFFFFFF  }
tec
execute0_lowered:
.L_overlay_start_1:
0x0: {  	(tag) =	ssettag $0x1  }
0x1: {  	s4 =	rddreg [dreg:$0x0]  }
0x2: {  	s5 =	rddreg [dreg:$0x1]  }
0x3: {  	s2 =	rddreg [dreg:$0x2]  }
0x4: {  	s0 =	rddreg [dreg:$0x3];
	s6 =	srdreg.scid  }
0x5: {  	s1 =	stileid.u32;
	s3 =	simm.s32 $0x0;
	s11 =	simm.s32 $0x80  }
0x6: {  	s12 =	simm.s32 $0x2A80;
	s15 =	simm.s32 $0x20;
	s16 =	simm.s32 $0x10  }
0x7: {  	s17 =	simm.s32 $0x0;
	s6 =	sand.u32 $0x1, s6;
	s7 =	smul.u32 $0x500, s1  }
0x8: {  	[smem:$0x7FF] =	sst s3;
	s9 =	smul.u32 $0xA00, s1;
	s13 =	sshll.u32 s1, $0x6  }
0x9: {  	s8 =	sshll.u32 s6, $0x7;
	_ =	strace $0x80000047;
	s30 =	sshll.u32 s6, $0x4  }
0xa: {  	s6 =	ssub.s32 $0x2, s6;
	s13 =	sor.u32 $0x1C01, s13;
	s7 =	sor.u32 s8, s7  }
0xb: {  	s8 =	sor.u32 s1, s30;
	s10 =	sshrl.u32 s6, $0x1;
	s31 =	sshrl.u32 s9, $0x2  }
0xc: {  	s9 =	simm.s32 $0x1;
	s7 =	sshrl.u32 s7, $0x3;
	s8 =	smul.u32 $0x500, s8  }
0xd: {  	s10 =	ssub.s32 s6, s10;
	s7 =	sadd.s32 s7, s5;
	s5 =	sadd.s32 s31, s2  }
0xe: {  	s4 =	sadd.s32 s4, s8;
	s6 =	sadd.s32 $0x16600, s7;
	s7 =	smax.u32 s10, $0x1  }
0xf: {  	v0 =	vimm.f32 $0.0e+00;
	v1 =	vimm.f32 $1.000000000e+00;
	s8 =	simm.s32 $0x280;
	s10 =	simm.s32 $0x2B00;
	s14 =	sshrl.u32 s5, $0x3  }
.LBB2_1:
0x10: {  	[tilespmem:s8], [sflag:$0x1] =	stream.linear.gather [hbm4b:s4+s3], $0x2800, $0x38;
	[tilespmem:$0x2D80] =	vst v63  }
0x11: {  	_ =	swait.ge [sflag:s9], $0x2800  }
0x12: {  	[sflag:s9] =	ssyncset.done $0x0  }
0x13: {  	[sflag:s9] =	ssyncadd.s32 $0xFFFFD800  }
0x14: {  	[tilespmem:$0x2B00] =	vst v0  }
0x15: {  	[tilespmem:$0x2B10] =	vst v0  }
0x16: {  	[tilespmem:$0x2B20] =	vst v0  }
0x17: {  	[tilespmem:$0x2B30] =	vst v0  }
0x18: {  	[tilespmem:$0x2B40] =	vst v0  }
0x19: {  	[tilespmem:$0x2B50] =	vst v0  }
0x1a: {  	[tilespmem:$0x2B60] =	vst v0  }
0x1b: {  	[tilespmem:$0x2B70] =	vst v0  }
0x1c: {  	[tilespmem:$0x2B80] =	vst v0  }
0x1d: {  	[tilespmem:$0x2B90] =	vst v0  }
0x1e: {  	[tilespmem:$0x2BA0] =	vst v0  }
0x1f: {  	[tilespmem:$0x2BB0] =	vst v0  }
0x20: {  	[tilespmem:$0x2BC0] =	vst v0  }
0x21: {  	[tilespmem:$0x2BD0] =	vst v0  }
0x22: {  	[tilespmem:$0x2BE0] =	vst v0  }
0x23: {  	[tilespmem:$0x2BF0] =	vst v0  }
0x24: {  	[tilespmem:$0x2C00] =	vst v0  }
0x25: {  	[tilespmem:$0x2C10] =	vst v0  }
0x26: {  	[tilespmem:$0x2C20] =	vst v0  }
0x27: {  	[tilespmem:$0x2C30] =	vst v0  }
0x28: {  	[tilespmem:$0x2C40] =	vst v0  }
0x29: {  	[tilespmem:$0x2C50] =	vst v0  }
0x2a: {  	[tilespmem:$0x2C60] =	vst v0  }
0x2b: {  	[tilespmem:$0x2C70] =	vst v0  }
0x2c: {  	[tilespmem:$0x2C80] =	vst v0  }
0x2d: {  	[tilespmem:$0x2C90] =	vst v0  }
0x2e: {  	[tilespmem:$0x2CA0] =	vst v0  }
0x2f: {  	[tilespmem:$0x2CB0] =	vst v0  }
0x30: {  	[tilespmem:$0x2CC0] =	vst v0  }
0x31: {  	[tilespmem:$0x2CD0] =	vst v0  }
0x32: {  	[tilespmem:$0x2CE0] =	vst v0  }
0x33: {  	[tilespmem:$0x2CF0] =	vst v0  }
0x34: {  	[tilespmem:$0x2D00] =	vst v0  }
0x35: {  	[tilespmem:$0x2D10] =	vst v0  }
0x36: {  	[tilespmem:$0x2D20] =	vst v0  }
0x37: {  	[tilespmem:$0x2D30] =	vst v0  }
0x38: {  	[tilespmem:$0x2D40] =	vst v0  }
0x39: {  	[tilespmem:$0x2D50] =	vst v0  }
0x3a: {  	[tilespmem:$0x2D60] =	vst v0  }
0x3b: {  	[tilespmem:$0x2D70] =	vst v0  }
0x3c: {  	[tilespmem:$0x2A80] =	vst v1  }
0x3d: {  	[tilespmem:$0x2A90] =	vst v1  }
0x3e: {  	[tilespmem:$0x2AA0] =	vst v1  }
0x3f: {  	[tilespmem:$0x2AB0] =	vst v1  }
0x40: {  	[tilespmem:$0x2AC0] =	vst v1  }
0x41: {  	[tilespmem:$0x2AD0] =	vst v1  }
0x42: {  	[tilespmem:$0x2AE0] =	vst v1  }
0x43: {  	[tilespmem:$0x2AF0] =	vst v1  }
0x44: {  	[spmem:s5] =	stream.linear.scatter [tilespmem:s10], [sflag:$0x1], $0x280, $0x38;
	[tilespmem:$0x2D80] =	vst v63  }
0x45: {  	_ =	swait.ge [sflag:s9], $0x280  }
0x46: {  	[sflag:s9] =	ssyncset.done $0x0  }
0x47: {  	[sflag:s9] =	ssyncadd.s32 $0xFFFFFD80  }
0x48: {  	s18 =	simm.s32 $0x280;
	[bflag:$0x0] =	sbarrier.arrive $0xFFFF  }
0x49: {  	[spmem:s2] =	stream.indirect.scatter.add.f32 [tilespmem:s12], [sflag:$0x1], $0x1, s18, s11, $0xb8;
	[tilespmem:$0x2D80] =	vst v63  }
0x4a: {  	s18 =	simm.s32 $0x200;
	_ =	swait.ge [sflag:s9], $0x80  }
.LBB2_2:
0x4b: {  	s19 =	sshra.s32 s18, $0x2;
	[sflag:s9] =	ssyncset.done $0x0;
	p0 =	sne.s32 s18, $0x9E00  }
.Ltmp0:
0x4c: {  	s19 =	sadd.s32 $0x280, s19;
	[sflag:s9] =	ssyncadd.s32 $0xFFFFFF80;
	(pc) =	sbr.rel @p0 .LBB2_2-.Ltmp0, $3  }
0x4d: {  	[spmem:s2] =	stream.indirect.scatter.add.f32 [tilespmem:s12], [sflag:$0x1], $0x1, s19, s11, $0xb8;
	[tilespmem:$0x2D80] =	vst v63  }
0x4e: {  	s18 =	sadd.s32 $0x200, s18;
	_ =	sdelay $0x1  }
0x4f: {  	_ =	swait.ge [sflag:s9], $0x80  }
0x50: {  	[sflag:s9] =	ssyncset.done $0x0;
	s17 =	sadd.s32 $0x1, s17  }
0x51: {  	[sflag:s9] =	ssyncadd.s32 $0xFFFFFF80;
	p0 =	sne.s32 s17, s7  }
.Ltmp1:
0x52: {  	[bflag:$0x0] =	sbarrier.arrive $0xFFFF;
	(pc) =	sbr.rel @p0 .LBB2_1-.Ltmp1, $4  }
0x53: {  	[hbm:s6@s15], [sflag:s13] =	dma.strided [spmem:s14@s16], $0x50, s9, $0x10   }
0x54: {  	_ =	swait.ge [sflag:s9], $0x50  }
0x55: {  	[sflag:s9] =	ssyncset.done $0x0  }
0x56: {  	[sflag:s9] =	ssyncadd.s32 $0xFFFFFFB0  }
0x57: {  	_ =	sfence.sel $0x180000  }
0x58: {  	[bflag:$0x0] =	sbarrier.arrive $0xFFFF  }
0x59: {  	p0 =	sne.s32 s1, $0x0;
	_ =	strace $0x90000047  }
0x5a: {  	s0 =	sadd.s32 @!p0 $0x100000, s0;
	[bflag:$0x2] =	sbarrier.arrive $0xFFFF  }
0x5b: {  	[sflag:s0] =	ssyncadd.tile.s32 @!p0 $0x1;
	_ =	shalt  }
.Lfunc_end2:
_tile_overlayer_lowered:
.L_overlay_start_2:
0x5c: {  	(tag) =	ssettag $0x2  }
0x5d: {  	s0 =	rddreg [dreg:$0x0];
	s2 =	stileid.u32  }
0x5e: {  	s1 =	rddreg [dreg:$0x1];
	p0 =	sne.s32 s2, $0x0  }
0x5f: {  	s3 =	rddreg [dreg:$0x2];
	[bflag:$0x3] =	sbarrier.arrive $0xFFFF;
	s2 =	simm.s32 @!p0 $0x1C01  }
0x60: {  	[timem:s3], [sflag:s2] =	dma.local @!p0 [hbm:s0], s1  }
0x61: {  	s0 =	simm.s32 @!p0 $0x1  }
0x62: {  	_ =	swait.ge @!p0 [sflag:s0], s1  }
0x63: {  	s1 =	ssub.s32 @!p0 $0x0, s1;
	[sflag:s0] =	ssyncset.done @!p0 $0x0  }
0x64: {  	[sflag:s0] =	ssyncadd.s32 @!p0 s1  }
0x65: {  	[bflag:$0x3] =	sbarrier.arrive $0xFFFF  }
0x66: {  	_ =	shalt  }

</sc_bundles>
